<compile_context>
chip_gen: v7x
topology: tpu7x:2x2x1
jax: 0.10.2.dev20260603
libtpu: 0.0.44.dev20260713+nightly
codegen_flags: <defaults>
</compile_context>

<pallas_src>
import functools

import jax
import jax.numpy as jnp
from jax import lax
from jax.experimental import pallas as pl
from jax.experimental.pallas import tpu as pltpu
from jax.experimental.pallas import tpu_sc as plsc

N = 10000
NP4 = 2500
NPAD = 10240
E = 320000
NC, NS = 2, 16
NW = NC * NS
NPT = NPAD // NS
EPW = E // NW
TB = 400
NT = EPW // TB
NBUF = 5


def _sc_deg_c0_body(ei, ones_h, zer_h, out_deg, out_c0,
                    dst_v, src_v, ones_v, upd_v, deg_sh, c0_sh):
    c = lax.axis_index("c")
    s = lax.axis_index("s")
    w = c * NS + s
    pltpu.sync_copy(zer_h, deg_sh.at[pl.ds(s * NPT, NPT)])
    pltpu.sync_copy(zer_h, c0_sh.at[pl.ds(s * NPT, NPT)])
    pltpu.sync_copy(ones_h, ones_v)
    pltpu.sync_copy(ei.at[1, pl.ds(w * EPW, EPW)], dst_v)
    pltpu.sync_copy(ei.at[0, pl.ds(w * EPW, EPW)], src_v)
    plsc.subcore_barrier()

    def body(j, carry):
        pltpu.sync_copy(ones_v, deg_sh.at[dst_v.at[pl.ds(j * TB, TB)]],
                        add=True)
        cnt = jnp.int32(0)
        for k in range(TB // 16):
            d16 = dst_v[pl.ds(j * TB + k * 16, 16)]
            hit = d16 == 0
            upd_v[pl.ds(k * 16, 16)] = jnp.where(
                hit, jnp.float32(1.0), jnp.float32(0.0))
            cnt = cnt + jnp.sum(
                jnp.where(hit, jnp.int32(1), jnp.int32(0)))

        @pl.when(cnt > 0)
        def _():
            pltpu.sync_copy(upd_v, c0_sh.at[src_v.at[pl.ds(j * TB, TB)]],
                            add=True)

        return carry

    lax.fori_loop(0, NT, body, 0)
    plsc.subcore_barrier()
    pltpu.sync_copy(deg_sh.at[pl.ds(s * NPT, NPT)],
                    out_deg.at[c, pl.ds(s * NPT, NPT)])
    pltpu.sync_copy(c0_sh.at[pl.ds(s * NPT, NPT)],
                    out_c0.at[c, pl.ds(s * NPT, NPT)])


def _sc_gather_scatter_body(ei, hs, zer2_h, out_agg,
                            src_v, dst_v, rows, agg_sh, sems):
    c = lax.axis_index("c")
    s = lax.axis_index("s")
    w = c * NS + s
    pltpu.sync_copy(zer2_h, agg_sh.at[pl.ds(s * NPT, NPT)])
    pltpu.sync_copy(ei.at[0, pl.ds(w * EPW, EPW)], src_v)
    pltpu.sync_copy(ei.at[1, pl.ds(w * EPW, EPW)], dst_v)
    plsc.subcore_barrier()

    for b in range(NBUF):
        pltpu.async_copy(hs.at[src_v.at[pl.ds(b * TB, TB)]], rows[b], sems[b])

    def body(g, carry):
        for b in range(NBUF):
            j = NBUF * g + b
            pltpu.make_async_copy(
                hs.at[src_v.at[pl.ds(j * TB, TB)]], rows[b], sems[b]).wait()
            pltpu.sync_copy(rows[b], agg_sh.at[dst_v.at[pl.ds(j * TB, TB)]],
                            add=True)

            @pl.when(g < NT // NBUF - 1)
            def _():
                pltpu.async_copy(
                    hs.at[src_v.at[pl.ds((j + NBUF) * TB, TB)]], rows[b], sems[b])

        return carry

    lax.fori_loop(0, NT // NBUF, body, 0)
    plsc.subcore_barrier()
    pltpu.sync_copy(agg_sh.at[pl.ds(s * NPT, NPT)],
                    out_agg.at[c, pl.ds(s * NPT, NPT)])


@functools.cache
def _sc_kernels():
    mesh = plsc.VectorSubcoreMesh(core_axis_name="c", subcore_axis_name="s")
    params = pltpu.CompilerParams(
        use_tc_tiling_on_sc=False, needs_layout_passes=False,
        skip_device_barrier=True)
    deg_c0 = pl.kernel(
        _sc_deg_c0_body,
        mesh=mesh,
        out_type=[
            jax.ShapeDtypeStruct((NC, NPAD), jnp.float32),
            jax.ShapeDtypeStruct((NC, NPAD), jnp.float32),
        ],
        scratch_types=[
            pltpu.VMEM((EPW,), jnp.int32),
            pltpu.VMEM((EPW,), jnp.int32),
            pltpu.VMEM((TB,), jnp.float32),
            pltpu.VMEM((TB,), jnp.float32),
            pltpu.VMEM_SHARED((NPAD,), jnp.float32),
            pltpu.VMEM_SHARED((NPAD,), jnp.float32),
        ],
        compiler_params=params,
    )
    gather_scatter = pl.kernel(
        _sc_gather_scatter_body,
        mesh=mesh,
        out_type=[
            jax.ShapeDtypeStruct((NC, NPAD, 32), jnp.float32),
        ],
        scratch_types=[
            pltpu.VMEM((EPW,), jnp.int32),
            pltpu.VMEM((EPW,), jnp.int32),
            [pltpu.VMEM((TB, 32), jnp.float32) for _ in range(NBUF)],
            pltpu.VMEM_SHARED((NPAD, 32), jnp.float32),
            [pltpu.SemaphoreType.DMA for _ in range(NBUF)],
        ],
        compiler_params=params,
    )
    return deg_c0, gather_scatter


def _tc_h(x_ref, w1_ref, out_ref):
    out_ref[...] = jnp.dot(
        x_ref[...], w1_ref[...], preferred_element_type=jnp.float32)


def _tc_hs(h_ref, degp_ref, out_ref):
    dp = degp_ref[...]
    deg = dp[0] + dp[1] + jnp.float32(1.0)
    dinv = lax.rsqrt(deg)
    out_ref[...] = h_ref[...] * dinv[:N].reshape(N, 1)


def _tc_final(aggp_ref, hs_ref, degp_ref, c0p_ref, b1_ref, w2_ref, b2_ref,
              out_ref):
    dp = degp_ref[...]
    deg = dp[0] + dp[1] + jnp.float32(1.0)
    dinv = lax.rsqrt(deg)
    dv = dinv[:N].reshape(N, 1)
    ap = aggp_ref[...]
    agg = ap[0] + ap[1]
    r1 = jnp.maximum(
        (agg[:N] + hs_ref[...]) * dv + b1_ref[...], jnp.float32(0.0))
    cp = c0p_ref[...]
    c0 = (cp[0] + cp[1])[:N].reshape(N, 1)
    w0 = c0 * dv
    sacc = jnp.sum(r1 * w0, axis=0, keepdims=True)
    d0 = dinv[0:1].reshape(1, 1)
    z = sacc * d0 + r1[0:1] * (d0 * d0)
    out_ref[...] = (
        jnp.dot(z, w2_ref[...], preferred_element_type=jnp.float32)
        + b2_ref[...])


def kernel(x, edge_index, W1, b1, W2, b2):
    ei = edge_index.astype(jnp.int32)
    ones_h = jnp.ones((TB,), jnp.float32)
    zer_h = jnp.zeros((NPT,), jnp.float32)
    zer2_h = jnp.zeros((NPT, 32), jnp.float32)

    deg_c0, gather_scatter = _sc_kernels()
    degp, c0p = deg_c0(ei, ones_h, zer_h)

    h = pl.pallas_call(
        _tc_h,
        out_shape=jax.ShapeDtypeStruct((N, 32), jnp.float32),
    )(x, W1)
    hs = pl.pallas_call(
        _tc_hs,
        out_shape=jax.ShapeDtypeStruct((N, 32), jnp.float32),
    )(h, degp)

    (out_agg,) = gather_scatter(ei, hs, zer2_h)

    out = pl.pallas_call(
        _tc_final,
        out_shape=jax.ShapeDtypeStruct((1, 64), jnp.float32),
    )(out_agg, hs, degp, c0p, b1.reshape(1, 32), W2, b2.reshape(1, 64))
    return out.reshape(64)

# --- scband reference (transcript-rebuilt; emitter-appended) ---
"""Pipeline reference for scband-simple-gnn-12017318494531 (READ-ONLY COPY).

The authoritative reference and input builder live on the scoring server;
editing this copy changes nothing except your own understanding.
"""

import jax, jax.numpy as jnp
import numpy as np

N = 10000
E = 320000
D_IN = 128
D_H = 32
D_OUT = 64


def gcn_conv(x, edge_index, W, b):
    n = x.shape[0]
    src = edge_index[0]
    dst = edge_index[1]
    # add self loops (PyG GCNConv default add_self_loops=True)
    loop = jnp.arange(n, dtype=src.dtype)
    src2 = jnp.concatenate([src, loop], axis=0)
    dst2 = jnp.concatenate([dst, loop], axis=0)
    # symmetric normalization: deg computed on dst (col) with self loops
    ones = jnp.ones(src2.shape[0], dtype=x.dtype)
    deg = jax.ops.segment_sum(ones, dst2, num_segments=n)
    dinv = jnp.where(deg > 0, 1.0 / jnp.sqrt(deg), 0.0)
    norm = dinv[src2] * dinv[dst2]
    h = x @ W
    msg = h[src2] * norm[:, None]
    out = jax.ops.segment_sum(msg, dst2, num_segments=n)
    return out + b


def setup_inputs(seed: int = 0):
    key = jax.random.key(seed)
    ks = jax.random.split(key, 6)
    x = jax.random.normal(ks[0], (N, D_IN), dtype=jnp.float32)
    edge_index = jax.random.randint(ks[1], (2, E), 0, N)
    W1 = jax.random.normal(ks[2], (D_IN, D_H), dtype=jnp.float32) * (1.0 / np.sqrt(D_IN))
    b1 = jnp.zeros((D_H,), dtype=jnp.float32)
    W2 = jax.random.normal(ks[3], (D_H, D_OUT), dtype=jnp.float32) * (1.0 / np.sqrt(D_H))
    b2 = jnp.zeros((D_OUT,), dtype=jnp.float32)
    return {"x": x, "edge_index": edge_index, "W1": W1, "b1": b1, "W2": W2, "b2": b2}


def reference(x, edge_index, W1, b1, W2, b2):
    h = gcn_conv(x, edge_index, W1, b1)
    h = jax.nn.relu(h)
    out = gcn_conv(h, edge_index, W2, b2)
    return out[0]

if __name__ == "__main__":
    import jax
    _d = setup_inputs()
    print(jax.jit(kernel)(*tuple(_d.values())))

</pallas_src>

<mosaic_0001>
#map = affine_map<(d0, d1) -> (0, 0)>
#map1 = affine_map<(d0, d1) -> (0, 0, 0)>
module attributes {stable_mosaic.version = 14 : i64} {
  func.func @_sc_gather_scatter_body(%arg0: i32, %arg1: i32, %arg2: memref<2x320000xi32, #tpu.memory_space<hbm>>, %arg3: memref<10000x32xf32, #tpu.memory_space<hbm>>, %arg4: memref<640x32xf32, #tpu.memory_space<hbm>>, %arg5: memref<2x10240x32xf32, #tpu.memory_space<hbm>>, %arg6: memref<10000xi32, #tpu.memory_space<vmem>>, %arg7: memref<10000xi32, #tpu.memory_space<vmem>>, %arg8: memref<400x32xf32, #tpu.memory_space<vmem>>, %arg9: memref<400x32xf32, #tpu.memory_space<vmem>>, %arg10: memref<400x32xf32, #tpu.memory_space<vmem>>, %arg11: memref<400x32xf32, #tpu.memory_space<vmem>>, %arg12: memref<400x32xf32, #tpu.memory_space<vmem>>, %arg13: memref<10240x32xf32, #tpu.memory_space<vmem_shared>>, %arg14: memref<!tpu.dma_semaphore, #tpu.memory_space<semaphore_mem>>, %arg15: memref<!tpu.dma_semaphore, #tpu.memory_space<semaphore_mem>>, %arg16: memref<!tpu.dma_semaphore, #tpu.memory_space<semaphore_mem>>, %arg17: memref<!tpu.dma_semaphore, #tpu.memory_space<semaphore_mem>>, %arg18: memref<!tpu.dma_semaphore, #tpu.memory_space<semaphore_mem>>) attributes {dimension_semantics = [#tpu.dimension_semantics<core_parallel>, #tpu.dimension_semantics<subcore_parallel>], iteration_bounds = array<i64: 2, 16>, scalar_prefetch = 0 : i64, scratch_operands = 13 : i64, tpu.core_type = #tpu.core_type<sc_vector_subcore>, window_params = [{transform_indices = #map}, {transform_indices = #map}, {transform_indices = #map}, {transform_indices = #map1}]} {
    %mul3A = arith.constant 16 : i32
    %mul3A_0 = arith.muli %arg0, %mul3A : i32
    %add3A = arith.addi %mul3A_0, %arg1 : i32
    %mul3A_1 = arith.constant 640 : i32
    %mul3A_2 = arith.muli %arg1, %mul3A_1 : i32
    "tpu.region"() ({
      %run_scoped3A_42 = tpu.sem_alloc : memref<!tpu.dma_semaphore, #tpu.memory_space<semaphore_mem>>
      %dma_start3A_43 = arith.constant 0 : i32
      %dma_start3A_44 = tpu.memref_slice %arg13[%mul3A_2, %dma_start3A_43] : memref<10240x32xf32, #tpu.memory_space<vmem_shared>> -> memref<640x32xf32, #tpu.memory_space<vmem_shared>>
      tpu.enqueue_dma source(%arg4 : memref<640x32xf32, #tpu.memory_space<hbm>>) target(%dma_start3A_44 : memref<640x32xf32, #tpu.memory_space<vmem_shared>>) target_semaphore(%run_scoped3A_42 : memref<!tpu.dma_semaphore, #tpu.memory_space<semaphore_mem>>)
      %dma_wait3A = arith.constant 0 : i32
      %dma_wait3A_45 = tpu.memref_slice %arg13[%mul3A_2, %dma_wait3A] : memref<10240x32xf32, #tpu.memory_space<vmem_shared>> -> memref<640x32xf32, #tpu.memory_space<vmem_shared>>
      tpu.wait_dma2 semaphore(%run_scoped3A_42 : memref<!tpu.dma_semaphore, #tpu.memory_space<semaphore_mem>>) src(%arg4 : memref<640x32xf32, #tpu.memory_space<hbm>>) dst(%dma_wait3A_45 : memref<640x32xf32, #tpu.memory_space<vmem_shared>>)
      tpu.yield
    }) : () -> ()
    %mul3A_3 = arith.constant 10000 : i32
    %mul3A_4 = arith.muli %add3A, %mul3A_3 : i32
    %run_scoped3A = arith.constant 0 : i32
    "tpu.region"() ({
      %run_scoped3A_42 = tpu.sem_alloc : memref<!tpu.dma_semaphore, #tpu.memory_space<semaphore_mem>>
      %dma_start3A_43 = tpu.memref_slice %arg2[%run_scoped3A, %mul3A_4] : memref<2x320000xi32, #tpu.memory_space<hbm>> -> memref<1x10000xi32, #tpu.memory_space<hbm>>
      %dma_start3A_44 = tpu.memref_squeeze %dma_start3A_43 : memref<1x10000xi32, #tpu.memory_space<hbm>> -> memref<10000xi32, #tpu.memory_space<hbm>>
      %dma_start3A_45 = tpu.memref_slice %arg2[%run_scoped3A, %mul3A_4] : memref<2x320000xi32, #tpu.memory_space<hbm>> -> memref<1x10000xi32, #tpu.memory_space<hbm>>
      %dma_start3A_46 = tpu.memref_squeeze %dma_start3A_45 : memref<1x10000xi32, #tpu.memory_space<hbm>> -> memref<10000xi32, #tpu.memory_space<hbm>>
      tpu.enqueue_dma source(%dma_start3A_46 : memref<10000xi32, #tpu.memory_space<hbm>>) target(%arg6 : memref<10000xi32, #tpu.memory_space<vmem>>) target_semaphore(%run_scoped3A_42 : memref<!tpu.dma_semaphore, #tpu.memory_space<semaphore_mem>>)
      %dma_wait3A = tpu.memref_slice %arg2[%run_scoped3A, %mul3A_4] : memref<2x320000xi32, #tpu.memory_space<hbm>> -> memref<1x10000xi32, #tpu.memory_space<hbm>>
      %dma_wait3A_47 = tpu.memref_squeeze %dma_wait3A : memref<1x10000xi32, #tpu.memory_space<hbm>> -> memref<10000xi32, #tpu.memory_space<hbm>>
      %dma_wait3A_48 = tpu.memref_slice %arg2[%run_scoped3A, %mul3A_4] : memref<2x320000xi32, #tpu.memory_space<hbm>> -> memref<1x10000xi32, #tpu.memory_space<hbm>>
      %dma_wait3A_49 = tpu.memref_squeeze %dma_wait3A_48 : memref<1x10000xi32, #tpu.memory_space<hbm>> -> memref<10000xi32, #tpu.memory_space<hbm>>
      tpu.wait_dma2 semaphore(%run_scoped3A_42 : memref<!tpu.dma_semaphore, #tpu.memory_space<semaphore_mem>>) src(%dma_wait3A_49 : memref<10000xi32, #tpu.memory_space<hbm>>) dst(%arg6 : memref<10000xi32, #tpu.memory_space<vmem>>)
      tpu.yield
    }) : () -> ()
    %mul3A_5 = arith.constant 10000 : i32
    %mul3A_6 = arith.muli %add3A, %mul3A_5 : i32
    %run_scoped3A_7 = arith.constant 1 : i32
    "tpu.region"() ({
      %run_scoped3A_42 = tpu.sem_alloc : memref<!tpu.dma_semaphore, #tpu.memory_space<semaphore_mem>>
      %dma_start3A_43 = tpu.memref_slice %arg2[%run_scoped3A_7, %mul3A_6] : memref<2x320000xi32, #tpu.memory_space<hbm>> -> memref<1x10000xi32, #tpu.memory_space<hbm>>
      %dma_start3A_44 = tpu.memref_squeeze %dma_start3A_43 : memref<1x10000xi32, #tpu.memory_space<hbm>> -> memref<10000xi32, #tpu.memory_space<hbm>>
      %dma_start3A_45 = tpu.memref_slice %arg2[%run_scoped3A_7, %mul3A_6] : memref<2x320000xi32, #tpu.memory_space<hbm>> -> memref<1x10000xi32, #tpu.memory_space<hbm>>
      %dma_start3A_46 = tpu.memref_squeeze %dma_start3A_45 : memref<1x10000xi32, #tpu.memory_space<hbm>> -> memref<10000xi32, #tpu.memory_space<hbm>>
      tpu.enqueue_dma source(%dma_start3A_46 : memref<10000xi32, #tpu.memory_space<hbm>>) target(%arg7 : memref<10000xi32, #tpu.memory_space<vmem>>) target_semaphore(%run_scoped3A_42 : memref<!tpu.dma_semaphore, #tpu.memory_space<semaphore_mem>>)
      %dma_wait3A = tpu.memref_slice %arg2[%run_scoped3A_7, %mul3A_6] : memref<2x320000xi32, #tpu.memory_space<hbm>> -> memref<1x10000xi32, #tpu.memory_space<hbm>>
      %dma_wait3A_47 = tpu.memref_squeeze %dma_wait3A : memref<1x10000xi32, #tpu.memory_space<hbm>> -> memref<10000xi32, #tpu.memory_space<hbm>>
      %dma_wait3A_48 = tpu.memref_slice %arg2[%run_scoped3A_7, %mul3A_6] : memref<2x320000xi32, #tpu.memory_space<hbm>> -> memref<1x10000xi32, #tpu.memory_space<hbm>>
      %dma_wait3A_49 = tpu.memref_squeeze %dma_wait3A_48 : memref<1x10000xi32, #tpu.memory_space<hbm>> -> memref<10000xi32, #tpu.memory_space<hbm>>
      tpu.wait_dma2 semaphore(%run_scoped3A_42 : memref<!tpu.dma_semaphore, #tpu.memory_space<semaphore_mem>>) src(%dma_wait3A_49 : memref<10000xi32, #tpu.memory_space<hbm>>) dst(%arg7 : memref<10000xi32, #tpu.memory_space<vmem>>)
      tpu.yield
    }) : () -> ()
    %barrier3A = arith.constant 0 : index
    tpu.barrier barrier_id(%barrier3A)
    %dma_start3A = arith.constant 0 : i32
    %dma_start3A_8 = tpu.memref_slice %arg6[%dma_start3A] : memref<10000xi32, #tpu.memory_space<vmem>> -> memref<400xi32, #tpu.memory_space<vmem>>
    %dma_start3A_9 = arith.constant 0 : i32
    %dma_start3A_10 = arith.constant 0 : i32
    %dma_start3A_11 = tpu.memref_slice %arg3[%dma_start3A_9, %dma_start3A_10] : memref<10000x32xf32, #tpu.memory_space<hbm>> -> memref<10000x32xf32, #tpu.memory_space<hbm>>
    tpu.enqueue_indirect_dma source(%dma_start3A_11 : memref<10000x32xf32, #tpu.memory_space<hbm>>) target(%arg8 : memref<400x32xf32, #tpu.memory_space<vmem>>) offsets(%dma_start3A_8 : memref<400xi32, #tpu.memory_space<vmem>>) semaphore(%arg14 : memref<!tpu.dma_semaphore, #tpu.memory_space<semaphore_mem>>)
    %dma_start3A_12 = arith.constant 400 : i32
    %dma_start3A_13 = tpu.memref_slice %arg6[%dma_start3A_12] : memref<10000xi32, #tpu.memory_space<vmem>> -> memref<400xi32, #tpu.memory_space<vmem>>
    %dma_start3A_14 = arith.constant 0 : i32
    %dma_start3A_15 = arith.constant 0 : i32
    %dma_start3A_16 = tpu.memref_slice %arg3[%dma_start3A_14, %dma_start3A_15] : memref<10000x32xf32, #tpu.memory_space<hbm>> -> memref<10000x32xf32, #tpu.memory_space<hbm>>
    tpu.enqueue_indirect_dma source(%dma_start3A_16 : memref<10000x32xf32, #tpu.memory_space<hbm>>) target(%arg9 : memref<400x32xf32, #tpu.memory_space<vmem>>) offsets(%dma_start3A_13 : memref<400xi32, #tpu.memory_space<vmem>>) semaphore(%arg15 : memref<!tpu.dma_semaphore, #tpu.memory_space<semaphore_mem>>)
    %dma_start3A_17 = arith.constant 800 : i32
    %dma_start3A_18 = tpu.memref_slice %arg6[%dma_start3A_17] : memref<10000xi32, #tpu.memory_space<vmem>> -> memref<400xi32, #tpu.memory_space<vmem>>
    %dma_start3A_19 = arith.constant 0 : i32
    %dma_start3A_20 = arith.constant 0 : i32
    %dma_start3A_21 = tpu.memref_slice %arg3[%dma_start3A_19, %dma_start3A_20] : memref<10000x32xf32, #tpu.memory_space<hbm>> -> memref<10000x32xf32, #tpu.memory_space<hbm>>
    tpu.enqueue_indirect_dma source(%dma_start3A_21 : memref<10000x32xf32, #tpu.memory_space<hbm>>) target(%arg10 : memref<400x32xf32, #tpu.memory_space<vmem>>) offsets(%dma_start3A_18 : memref<400xi32, #tpu.memory_space<vmem>>) semaphore(%arg16 : memref<!tpu.dma_semaphore, #tpu.memory_space<semaphore_mem>>)
    %dma_start3A_22 = arith.constant 1200 : i32
    %dma_start3A_23 = tpu.memref_slice %arg6[%dma_start3A_22] : memref<10000xi32, #tpu.memory_space<vmem>> -> memref<400xi32, #tpu.memory_space<vmem>>
    %dma_start3A_24 = arith.constant 0 : i32
    %dma_start3A_25 = arith.constant 0 : i32
    %dma_start3A_26 = tpu.memref_slice %arg3[%dma_start3A_24, %dma_start3A_25] : memref<10000x32xf32, #tpu.memory_space<hbm>> -> memref<10000x32xf32, #tpu.memory_space<hbm>>
    tpu.enqueue_indirect_dma source(%dma_start3A_26 : memref<10000x32xf32, #tpu.memory_space<hbm>>) target(%arg11 : memref<400x32xf32, #tpu.memory_space<vmem>>) offsets(%dma_start3A_23 : memref<400xi32, #tpu.memory_space<vmem>>) semaphore(%arg17 : memref<!tpu.dma_semaphore, #tpu.memory_space<semaphore_mem>>)
    %dma_start3A_27 = arith.constant 1600 : i32
    %dma_start3A_28 = tpu.memref_slice %arg6[%dma_start3A_27] : memref<10000xi32, #tpu.memory_space<vmem>> -> memref<400xi32, #tpu.memory_space<vmem>>
    %dma_start3A_29 = arith.constant 0 : i32
    %dma_start3A_30 = arith.constant 0 : i32
    %dma_start3A_31 = tpu.memref_slice %arg3[%dma_start3A_29, %dma_start3A_30] : memref<10000x32xf32, #tpu.memory_space<hbm>> -> memref<10000x32xf32, #tpu.memory_space<hbm>>
    tpu.enqueue_indirect_dma source(%dma_start3A_31 : memref<10000x32xf32, #tpu.memory_space<hbm>>) target(%arg12 : memref<400x32xf32, #tpu.memory_space<vmem>>) offsets(%dma_start3A_28 : memref<400xi32, #tpu.memory_space<vmem>>) semaphore(%arg18 : memref<!tpu.dma_semaphore, #tpu.memory_space<semaphore_mem>>)
    %scan3A = arith.constant 0 : i32
    %scan3A_32 = arith.constant 0 : i32
    %scan3A_33 = arith.constant 5 : i32
    %scan3A_34 = arith.addi %scan3A_32, %scan3A_33 : i32
    %scan3A_35 = arith.constant 1 : i32
    scf.for %scan3A_42 = %scan3A_32 to %scan3A_34 step %scan3A_35  : i32 {
      %mul3A_43 = arith.constant 5 : i32
      %mul3A_44 = arith.muli %mul3A_43, %scan3A_42 : i32
      %add3A_45 = arith.constant 0 : i32
      %add3A_46 = arith.addi %mul3A_44, %add3A_45 : i32
      %mul3A_47 = arith.constant 400 : i32
      %mul3A_48 = arith.muli %add3A_46, %mul3A_47 : i32
      %dma_wait3A = tpu.memref_slice %arg6[%mul3A_48] : memref<10000xi32, #tpu.memory_space<vmem>> -> memref<400xi32, #tpu.memory_space<vmem>>
      %dma_wait3A_49 = arith.constant 0 : i32
      %dma_wait3A_50 = arith.constant 0 : i32
      %dma_wait3A_51 = tpu.memref_slice %arg3[%dma_wait3A_49, %dma_wait3A_50] : memref<10000x32xf32, #tpu.memory_space<hbm>> -> memref<10000x32xf32, #tpu.memory_space<hbm>>
      tpu.wait_indirect_dma semaphore(%arg14 : memref<!tpu.dma_semaphore, #tpu.memory_space<semaphore_mem>>) src(%dma_wait3A_51 : memref<10000x32xf32, #tpu.memory_space<hbm>>) dst(%arg8 : memref<400x32xf32, #tpu.memory_space<vmem>>)
      %mul3A_52 = arith.constant 400 : i32
      %mul3A_53 = arith.muli %add3A_46, %mul3A_52 : i32
      "tpu.region"() ({
        %run_scoped3A_124 = tpu.sem_alloc : memref<!tpu.dma_semaphore, #tpu.memory_space<semaphore_mem>>
        %dma_start3A_125 = tpu.memref_slice %arg7[%mul3A_53] : memref<10000xi32, #tpu.memory_space<vmem>> -> memref<400xi32, #tpu.memory_space<vmem>>
        %dma_start3A_126 = arith.constant 0 : i32
        %dma_start3A_127 = arith.constant 0 : i32
        %dma_start3A_128 = tpu.memref_slice %arg13[%dma_start3A_126, %dma_start3A_127] : memref<10240x32xf32, #tpu.memory_space<vmem_shared>> -> memref<10240x32xf32, #tpu.memory_space<vmem_shared>>
        tpu.enqueue_indirect_dma source(%arg8 : memref<400x32xf32, #tpu.memory_space<vmem>>) target(%dma_start3A_128 : memref<10240x32xf32, #tpu.memory_space<vmem_shared>>) offsets(%dma_start3A_125 : memref<400xi32, #tpu.memory_space<vmem>>) semaphore(%run_scoped3A_124 : memref<!tpu.dma_semaphore, #tpu.memory_space<semaphore_mem>>) {add = true}
        %dma_wait3A_129 = tpu.memref_slice %arg7[%mul3A_53] : memref<10000xi32, #tpu.memory_space<vmem>> -> memref<400xi32, #tpu.memory_space<vmem>>
        %dma_wait3A_130 = arith.constant 0 : i32
        %dma_wait3A_131 = arith.constant 0 : i32
        %dma_wait3A_132 = tpu.memref_slice %arg13[%dma_wait3A_130, %dma_wait3A_131] : memref<10240x32xf32, #tpu.memory_space<vmem_shared>> -> memref<10240x32xf32, #tpu.memory_space<vmem_shared>>
        tpu.wait_indirect_dma semaphore(%run_scoped3A_124 : memref<!tpu.dma_semaphore, #tpu.memory_space<semaphore_mem>>) src(%arg8 : memref<400x32xf32, #tpu.memory_space<vmem>>) dst(%dma_wait3A_132 : memref<10240x32xf32, #tpu.memory_space<vmem_shared>>)
        tpu.yield
      }) : () -> ()
      %lt3A = arith.constant 4 : i32
      %lt3A_54 = arith.cmpi slt, %scan3A_42, %lt3A : i32
      %convert_element_type3A = arith.extui %lt3A_54 : i1 to i32
      %cond3A = arith.constant 0 : i32
      %cond3A_55 = arith.cmpi ne, %convert_element_type3A, %cond3A : i32
      scf.if %cond3A_55 {
        %add3A_124 = arith.constant 5 : i32
        %add3A_125 = arith.addi %add3A_46, %add3A_124 : i32
        %mul3A_126 = arith.constant 400 : i32
        %mul3A_127 = arith.muli %add3A_125, %mul3A_126 : i32
        %dma_start3A_128 = tpu.memref_slice %arg6[%mul3A_127] : memref<10000xi32, #tpu.memory_space<vmem>> -> memref<400xi32, #tpu.memory_space<vmem>>
        %dma_start3A_129 = arith.constant 0 : i32
        %dma_start3A_130 = arith.constant 0 : i32
        %dma_start3A_131 = tpu.memref_slice %arg3[%dma_start3A_129, %dma_start3A_130] : memref<10000x32xf32, #tpu.memory_space<hbm>> -> memref<10000x32xf32, #tpu.memory_space<hbm>>
        tpu.enqueue_indirect_dma source(%dma_start3A_131 : memref<10000x32xf32, #tpu.memory_space<hbm>>) target(%arg8 : memref<400x32xf32, #tpu.memory_space<vmem>>) offsets(%dma_start3A_128 : memref<400xi32, #tpu.memory_space<vmem>>) semaphore(%arg14 : memref<!tpu.dma_semaphore, #tpu.memory_space<semaphore_mem>>)
      } else {
      }
      %mul3A_56 = arith.constant 5 : i32
      %mul3A_57 = arith.muli %mul3A_56, %scan3A_42 : i32
      %add3A_58 = arith.constant 1 : i32
      %add3A_59 = arith.addi %mul3A_57, %add3A_58 : i32
      %mul3A_60 = arith.constant 400 : i32
      %mul3A_61 = arith.muli %add3A_59, %mul3A_60 : i32
      %dma_wait3A_62 = tpu.memref_slice %arg6[%mul3A_61] : memref<10000xi32, #tpu.memory_space<vmem>> -> memref<400xi32, #tpu.memory_space<vmem>>
      %dma_wait3A_63 = arith.constant 0 : i32
      %dma_wait3A_64 = arith.constant 0 : i32
      %dma_wait3A_65 = tpu.memref_slice %arg3[%dma_wait3A_63, %dma_wait3A_64] : memref<10000x32xf32, #tpu.memory_space<hbm>> -> memref<10000x32xf32, #tpu.memory_space<hbm>>
      tpu.wait_indirect_dma semaphore(%arg15 : memref<!tpu.dma_semaphore, #tpu.memory_space<semaphore_mem>>) src(%dma_wait3A_65 : memref<10000x32xf32, #tpu.memory_space<hbm>>) dst(%arg9 : memref<400x32xf32, #tpu.memory_space<vmem>>)
      %mul3A_66 = arith.constant 400 : i32
      %mul3A_67 = arith.muli %add3A_59, %mul3A_66 : i32
      "tpu.region"() ({
        %run_scoped3A_124 = tpu.sem_alloc : memref<!tpu.dma_semaphore, #tpu.memory_space<semaphore_mem>>
        %dma_start3A_125 = tpu.memref_slice %arg7[%mul3A_67] : memref<10000xi32, #tpu.memory_space<vmem>> -> memref<400xi32, #tpu.memory_space<vmem>>
        %dma_start3A_126 = arith.constant 0 : i32
        %dma_start3A_127 = arith.constant 0 : i32
        %dma_start3A_128 = tpu.memref_slice %arg13[%dma_start3A_126, %dma_start3A_127] : memref<10240x32xf32, #tpu.memory_space<vmem_shared>> -> memref<10240x32xf32, #tpu.memory_space<vmem_shared>>
        tpu.enqueue_indirect_dma source(%arg9 : memref<400x32xf32, #tpu.memory_space<vmem>>) target(%dma_start3A_128 : memref<10240x32xf32, #tpu.memory_space<vmem_shared>>) offsets(%dma_start3A_125 : memref<400xi32, #tpu.memory_space<vmem>>) semaphore(%run_scoped3A_124 : memref<!tpu.dma_semaphore, #tpu.memory_space<semaphore_mem>>) {add = true}
        %dma_wait3A_129 = tpu.memref_slice %arg7[%mul3A_67] : memref<10000xi32, #tpu.memory_space<vmem>> -> memref<400xi32, #tpu.memory_space<vmem>>
        %dma_wait3A_130 = arith.constant 0 : i32
        %dma_wait3A_131 = arith.constant 0 : i32
        %dma_wait3A_132 = tpu.memref_slice %arg13[%dma_wait3A_130, %dma_wait3A_131] : memref<10240x32xf32, #tpu.memory_space<vmem_shared>> -> memref<10240x32xf32, #tpu.memory_space<vmem_shared>>
        tpu.wait_indirect_dma semaphore(%run_scoped3A_124 : memref<!tpu.dma_semaphore, #tpu.memory_space<semaphore_mem>>) src(%arg9 : memref<400x32xf32, #tpu.memory_space<vmem>>) dst(%dma_wait3A_132 : memref<10240x32xf32, #tpu.memory_space<vmem_shared>>)
        tpu.yield
      }) : () -> ()
      %lt3A_68 = arith.constant 4 : i32
      %lt3A_69 = arith.cmpi slt, %scan3A_42, %lt3A_68 : i32
      %convert_element_type3A_70 = arith.extui %lt3A_69 : i1 to i32
      %cond3A_71 = arith.constant 0 : i32
      %cond3A_72 = arith.cmpi ne, %convert_element_type3A_70, %cond3A_71 : i32
      scf.if %cond3A_72 {
        %add3A_124 = arith.constant 5 : i32
        %add3A_125 = arith.addi %add3A_59, %add3A_124 : i32
        %mul3A_126 = arith.constant 400 : i32
        %mul3A_127 = arith.muli %add3A_125, %mul3A_126 : i32
        %dma_start3A_128 = tpu.memref_slice %arg6[%mul3A_127] : memref<10000xi32, #tpu.memory_space<vmem>> -> memref<400xi32, #tpu.memory_space<vmem>>
        %dma_start3A_129 = arith.constant 0 : i32
        %dma_start3A_130 = arith.constant 0 : i32
        %dma_start3A_131 = tpu.memref_slice %arg3[%dma_start3A_129, %dma_start3A_130] : memref<10000x32xf32, #tpu.memory_space<hbm>> -> memref<10000x32xf32, #tpu.memory_space<hbm>>
        tpu.enqueue_indirect_dma source(%dma_start3A_131 : memref<10000x32xf32, #tpu.memory_space<hbm>>) target(%arg9 : memref<400x32xf32, #tpu.memory_space<vmem>>) offsets(%dma_start3A_128 : memref<400xi32, #tpu.memory_space<vmem>>) semaphore(%arg15 : memref<!tpu.dma_semaphore, #tpu.memory_space<semaphore_mem>>)
      } else {
      }
      %mul3A_73 = arith.constant 5 : i32
      %mul3A_74 = arith.muli %mul3A_73, %scan3A_42 : i32
      %add3A_75 = arith.constant 2 : i32
      %add3A_76 = arith.addi %mul3A_74, %add3A_75 : i32
      %mul3A_77 = arith.constant 400 : i32
      %mul3A_78 = arith.muli %add3A_76, %mul3A_77 : i32
      %dma_wait3A_79 = tpu.memref_slice %arg6[%mul3A_78] : memref<10000xi32, #tpu.memory_space<vmem>> -> memref<400xi32, #tpu.memory_space<vmem>>
      %dma_wait3A_80 = arith.constant 0 : i32
      %dma_wait3A_81 = arith.constant 0 : i32
      %dma_wait3A_82 = tpu.memref_slice %arg3[%dma_wait3A_80, %dma_wait3A_81] : memref<10000x32xf32, #tpu.memory_space<hbm>> -> memref<10000x32xf32, #tpu.memory_space<hbm>>
      tpu.wait_indirect_dma semaphore(%arg16 : memref<!tpu.dma_semaphore, #tpu.memory_space<semaphore_mem>>) src(%dma_wait3A_82 : memref<10000x32xf32, #tpu.memory_space<hbm>>) dst(%arg10 : memref<400x32xf32, #tpu.memory_space<vmem>>)
      %mul3A_83 = arith.constant 400 : i32
      %mul3A_84 = arith.muli %add3A_76, %mul3A_83 : i32
      "tpu.region"() ({
        %run_scoped3A_124 = tpu.sem_alloc : memref<!tpu.dma_semaphore, #tpu.memory_space<semaphore_mem>>
        %dma_start3A_125 = tpu.memref_slice %arg7[%mul3A_84] : memref<10000xi32, #tpu.memory_space<vmem>> -> memref<400xi32, #tpu.memory_space<vmem>>
        %dma_start3A_126 = arith.constant 0 : i32
        %dma_start3A_127 = arith.constant 0 : i32
        %dma_start3A_128 = tpu.memref_slice %arg13[%dma_start3A_126, %dma_start3A_127] : memref<10240x32xf32, #tpu.memory_space<vmem_shared>> -> memref<10240x32xf32, #tpu.memory_space<vmem_shared>>
        tpu.enqueue_indirect_dma source(%arg10 : memref<400x32xf32, #tpu.memory_space<vmem>>) target(%dma_start3A_128 : memref<10240x32xf32, #tpu.memory_space<vmem_shared>>) offsets(%dma_start3A_125 : memref<400xi32, #tpu.memory_space<vmem>>) semaphore(%run_scoped3A_124 : memref<!tpu.dma_semaphore, #tpu.memory_space<semaphore_mem>>) {add = true}
        %dma_wait3A_129 = tpu.memref_slice %arg7[%mul3A_84] : memref<10000xi32, #tpu.memory_space<vmem>> -> memref<400xi32, #tpu.memory_space<vmem>>
        %dma_wait3A_130 = arith.constant 0 : i32
        %dma_wait3A_131 = arith.constant 0 : i32
        %dma_wait3A_132 = tpu.memref_slice %arg13[%dma_wait3A_130, %dma_wait3A_131] : memref<10240x32xf32, #tpu.memory_space<vmem_shared>> -> memref<10240x32xf32, #tpu.memory_space<vmem_shared>>
        tpu.wait_indirect_dma semaphore(%run_scoped3A_124 : memref<!tpu.dma_semaphore, #tpu.memory_space<semaphore_mem>>) src(%arg10 : memref<400x32xf32, #tpu.memory_space<vmem>>) dst(%dma_wait3A_132 : memref<10240x32xf32, #tpu.memory_space<vmem_shared>>)
        tpu.yield
      }) : () -> ()
      %lt3A_85 = arith.constant 4 : i32
      %lt3A_86 = arith.cmpi slt, %scan3A_42, %lt3A_85 : i32
      %convert_element_type3A_87 = arith.extui %lt3A_86 : i1 to i32
      %cond3A_88 = arith.constant 0 : i32
      %cond3A_89 = arith.cmpi ne, %convert_element_type3A_87, %cond3A_88 : i32
      scf.if %cond3A_89 {
        %add3A_124 = arith.constant 5 : i32
        %add3A_125 = arith.addi %add3A_76, %add3A_124 : i32
        %mul3A_126 = arith.constant 400 : i32
        %mul3A_127 = arith.muli %add3A_125, %mul3A_126 : i32
        %dma_start3A_128 = tpu.memref_slice %arg6[%mul3A_127] : memref<10000xi32, #tpu.memory_space<vmem>> -> memref<400xi32, #tpu.memory_space<vmem>>
        %dma_start3A_129 = arith.constant 0 : i32
        %dma_start3A_130 = arith.constant 0 : i32
        %dma_start3A_131 = tpu.memref_slice %arg3[%dma_start3A_129, %dma_start3A_130] : memref<10000x32xf32, #tpu.memory_space<hbm>> -> memref<10000x32xf32, #tpu.memory_space<hbm>>
        tpu.enqueue_indirect_dma source(%dma_start3A_131 : memref<10000x32xf32, #tpu.memory_space<hbm>>) target(%arg10 : memref<400x32xf32, #tpu.memory_space<vmem>>) offsets(%dma_start3A_128 : memref<400xi32, #tpu.memory_space<vmem>>) semaphore(%arg16 : memref<!tpu.dma_semaphore, #tpu.memory_space<semaphore_mem>>)
      } else {
      }
      %mul3A_90 = arith.constant 5 : i32
      %mul3A_91 = arith.muli %mul3A_90, %scan3A_42 : i32
      %add3A_92 = arith.constant 3 : i32
      %add3A_93 = arith.addi %mul3A_91, %add3A_92 : i32
      %mul3A_94 = arith.constant 400 : i32
      %mul3A_95 = arith.muli %add3A_93, %mul3A_94 : i32
      %dma_wait3A_96 = tpu.memref_slice %arg6[%mul3A_95] : memref<10000xi32, #tpu.memory_space<vmem>> -> memref<400xi32, #tpu.memory_space<vmem>>
      %dma_wait3A_97 = arith.constant 0 : i32
      %dma_wait3A_98 = arith.constant 0 : i32
      %dma_wait3A_99 = tpu.memref_slice %arg3[%dma_wait3A_97, %dma_wait3A_98] : memref<10000x32xf32, #tpu.memory_space<hbm>> -> memref<10000x32xf32, #tpu.memory_space<hbm>>
      tpu.wait_indirect_dma semaphore(%arg17 : memref<!tpu.dma_semaphore, #tpu.memory_space<semaphore_mem>>) src(%dma_wait3A_99 : memref<10000x32xf32, #tpu.memory_space<hbm>>) dst(%arg11 : memref<400x32xf32, #tpu.memory_space<vmem>>)
      %mul3A_100 = arith.constant 400 : i32
      %mul3A_101 = arith.muli %add3A_93, %mul3A_100 : i32
      "tpu.region"() ({
        %run_scoped3A_124 = tpu.sem_alloc : memref<!tpu.dma_semaphore, #tpu.memory_space<semaphore_mem>>
        %dma_start3A_125 = tpu.memref_slice %arg7[%mul3A_101] : memref<10000xi32, #tpu.memory_space<vmem>> -> memref<400xi32, #tpu.memory_space<vmem>>
        %dma_start3A_126 = arith.constant 0 : i32
        %dma_start3A_127 = arith.constant 0 : i32
        %dma_start3A_128 = tpu.memref_slice %arg13[%dma_start3A_126, %dma_start3A_127] : memref<10240x32xf32, #tpu.memory_space<vmem_shared>> -> memref<10240x32xf32, #tpu.memory_space<vmem_shared>>
        tpu.enqueue_indirect_dma source(%arg11 : memref<400x32xf32, #tpu.memory_space<vmem>>) target(%dma_start3A_128 : memref<10240x32xf32, #tpu.memory_space<vmem_shared>>) offsets(%dma_start3A_125 : memref<400xi32, #tpu.memory_space<vmem>>) semaphore(%run_scoped3A_124 : memref<!tpu.dma_semaphore, #tpu.memory_space<semaphore_mem>>) {add = true}
        %dma_wait3A_129 = tpu.memref_slice %arg7[%mul3A_101] : memref<10000xi32, #tpu.memory_space<vmem>> -> memref<400xi32, #tpu.memory_space<vmem>>
        %dma_wait3A_130 = arith.constant 0 : i32
        %dma_wait3A_131 = arith.constant 0 : i32
        %dma_wait3A_132 = tpu.memref_slice %arg13[%dma_wait3A_130, %dma_wait3A_131] : memref<10240x32xf32, #tpu.memory_space<vmem_shared>> -> memref<10240x32xf32, #tpu.memory_space<vmem_shared>>
        tpu.wait_indirect_dma semaphore(%run_scoped3A_124 : memref<!tpu.dma_semaphore, #tpu.memory_space<semaphore_mem>>) src(%arg11 : memref<400x32xf32, #tpu.memory_space<vmem>>) dst(%dma_wait3A_132 : memref<10240x32xf32, #tpu.memory_space<vmem_shared>>)
        tpu.yield
      }) : () -> ()
      %lt3A_102 = arith.constant 4 : i32
      %lt3A_103 = arith.cmpi slt, %scan3A_42, %lt3A_102 : i32
      %convert_element_type3A_104 = arith.extui %lt3A_103 : i1 to i32
      %cond3A_105 = arith.constant 0 : i32
      %cond3A_106 = arith.cmpi ne, %convert_element_type3A_104, %cond3A_105 : i32
      scf.if %cond3A_106 {
        %add3A_124 = arith.constant 5 : i32
        %add3A_125 = arith.addi %add3A_93, %add3A_124 : i32
        %mul3A_126 = arith.constant 400 : i32
        %mul3A_127 = arith.muli %add3A_125, %mul3A_126 : i32
        %dma_start3A_128 = tpu.memref_slice %arg6[%mul3A_127] : memref<10000xi32, #tpu.memory_space<vmem>> -> memref<400xi32, #tpu.memory_space<vmem>>
        %dma_start3A_129 = arith.constant 0 : i32
        %dma_start3A_130 = arith.constant 0 : i32
        %dma_start3A_131 = tpu.memref_slice %arg3[%dma_start3A_129, %dma_start3A_130] : memref<10000x32xf32, #tpu.memory_space<hbm>> -> memref<10000x32xf32, #tpu.memory_space<hbm>>
        tpu.enqueue_indirect_dma source(%dma_start3A_131 : memref<10000x32xf32, #tpu.memory_space<hbm>>) target(%arg11 : memref<400x32xf32, #tpu.memory_space<vmem>>) offsets(%dma_start3A_128 : memref<400xi32, #tpu.memory_space<vmem>>) semaphore(%arg17 : memref<!tpu.dma_semaphore, #tpu.memory_space<semaphore_mem>>)
      } else {
      }
      %mul3A_107 = arith.constant 5 : i32
      %mul3A_108 = arith.muli %mul3A_107, %scan3A_42 : i32
      %add3A_109 = arith.constant 4 : i32
      %add3A_110 = arith.addi %mul3A_108, %add3A_109 : i32
      %mul3A_111 = arith.constant 400 : i32
      %mul3A_112 = arith.muli %add3A_110, %mul3A_111 : i32
      %dma_wait3A_113 = tpu.memref_slice %arg6[%mul3A_112] : memref<10000xi32, #tpu.memory_space<vmem>> -> memref<400xi32, #tpu.memory_space<vmem>>
      %dma_wait3A_114 = arith.constant 0 : i32
      %dma_wait3A_115 = arith.constant 0 : i32
      %dma_wait3A_116 = tpu.memref_slice %arg3[%dma_wait3A_114, %dma_wait3A_115] : memref<10000x32xf32, #tpu.memory_space<hbm>> -> memref<10000x32xf32, #tpu.memory_space<hbm>>
      tpu.wait_indirect_dma semaphore(%arg18 : memref<!tpu.dma_semaphore, #tpu.memory_space<semaphore_mem>>) src(%dma_wait3A_116 : memref<10000x32xf32, #tpu.memory_space<hbm>>) dst(%arg12 : memref<400x32xf32, #tpu.memory_space<vmem>>)
      %mul3A_117 = arith.constant 400 : i32
      %mul3A_118 = arith.muli %add3A_110, %mul3A_117 : i32
      "tpu.region"() ({
        %run_scoped3A_124 = tpu.sem_alloc : memref<!tpu.dma_semaphore, #tpu.memory_space<semaphore_mem>>
        %dma_start3A_125 = tpu.memref_slice %arg7[%mul3A_118] : memref<10000xi32, #tpu.memory_space<vmem>> -> memref<400xi32, #tpu.memory_space<vmem>>
        %dma_start3A_126 = arith.constant 0 : i32
        %dma_start3A_127 = arith.constant 0 : i32
        %dma_start3A_128 = tpu.memref_slice %arg13[%dma_start3A_126, %dma_start3A_127] : memref<10240x32xf32, #tpu.memory_space<vmem_shared>> -> memref<10240x32xf32, #tpu.memory_space<vmem_shared>>
        tpu.enqueue_indirect_dma source(%arg12 : memref<400x32xf32, #tpu.memory_space<vmem>>) target(%dma_start3A_128 : memref<10240x32xf32, #tpu.memory_space<vmem_shared>>) offsets(%dma_start3A_125 : memref<400xi32, #tpu.memory_space<vmem>>) semaphore(%run_scoped3A_124 : memref<!tpu.dma_semaphore, #tpu.memory_space<semaphore_mem>>) {add = true}
        %dma_wait3A_129 = tpu.memref_slice %arg7[%mul3A_118] : memref<10000xi32, #tpu.memory_space<vmem>> -> memref<400xi32, #tpu.memory_space<vmem>>
        %dma_wait3A_130 = arith.constant 0 : i32
        %dma_wait3A_131 = arith.constant 0 : i32
        %dma_wait3A_132 = tpu.memref_slice %arg13[%dma_wait3A_130, %dma_wait3A_131] : memref<10240x32xf32, #tpu.memory_space<vmem_shared>> -> memref<10240x32xf32, #tpu.memory_space<vmem_shared>>
        tpu.wait_indirect_dma semaphore(%run_scoped3A_124 : memref<!tpu.dma_semaphore, #tpu.memory_space<semaphore_mem>>) src(%arg12 : memref<400x32xf32, #tpu.memory_space<vmem>>) dst(%dma_wait3A_132 : memref<10240x32xf32, #tpu.memory_space<vmem_shared>>)
        tpu.yield
      }) : () -> ()
      %lt3A_119 = arith.constant 4 : i32
      %lt3A_120 = arith.cmpi slt, %scan3A_42, %lt3A_119 : i32
      %convert_element_type3A_121 = arith.extui %lt3A_120 : i1 to i32
      %cond3A_122 = arith.constant 0 : i32
      %cond3A_123 = arith.cmpi ne, %convert_element_type3A_121, %cond3A_122 : i32
      scf.if %cond3A_123 {
        %add3A_124 = arith.constant 5 : i32
        %add3A_125 = arith.addi %add3A_110, %add3A_124 : i32
        %mul3A_126 = arith.constant 400 : i32
        %mul3A_127 = arith.muli %add3A_125, %mul3A_126 : i32
        %dma_start3A_128 = tpu.memref_slice %arg6[%mul3A_127] : memref<10000xi32, #tpu.memory_space<vmem>> -> memref<400xi32, #tpu.memory_space<vmem>>
        %dma_start3A_129 = arith.constant 0 : i32
        %dma_start3A_130 = arith.constant 0 : i32
        %dma_start3A_131 = tpu.memref_slice %arg3[%dma_start3A_129, %dma_start3A_130] : memref<10000x32xf32, #tpu.memory_space<hbm>> -> memref<10000x32xf32, #tpu.memory_space<hbm>>
        tpu.enqueue_indirect_dma source(%dma_start3A_131 : memref<10000x32xf32, #tpu.memory_space<hbm>>) target(%arg12 : memref<400x32xf32, #tpu.memory_space<vmem>>) offsets(%dma_start3A_128 : memref<400xi32, #tpu.memory_space<vmem>>) semaphore(%arg18 : memref<!tpu.dma_semaphore, #tpu.memory_space<semaphore_mem>>)
      } else {
      }
    }
    %scan3A_36 = arith.constant 5 : i32
    %barrier3A_37 = arith.constant 0 : index
    tpu.barrier barrier_id(%barrier3A_37)
    %mul3A_38 = arith.constant 640 : i32
    %mul3A_39 = arith.muli %arg1, %mul3A_38 : i32
    %mul3A_40 = arith.constant 640 : i32
    %mul3A_41 = arith.muli %arg1, %mul3A_40 : i32
    "tpu.region"() ({
      %run_scoped3A_42 = tpu.sem_alloc : memref<!tpu.dma_semaphore, #tpu.memory_space<semaphore_mem>>
      %dma_start3A_43 = arith.constant 0 : i32
      %dma_start3A_44 = tpu.memref_slice %arg5[%arg0, %mul3A_41, %dma_start3A_43] : memref<2x10240x32xf32, #tpu.memory_space<hbm>> -> memref<1x640x32xf32, #tpu.memory_space<hbm>>
      %dma_start3A_45 = tpu.memref_squeeze %dma_start3A_44 : memref<1x640x32xf32, #tpu.memory_space<hbm>> -> memref<640x32xf32, #tpu.memory_space<hbm>>
      %dma_start3A_46 = arith.constant 0 : i32
      %dma_start3A_47 = tpu.memref_slice %arg13[%mul3A_39, %dma_start3A_46] : memref<10240x32xf32, #tpu.memory_space<vmem_shared>> -> memref<640x32xf32, #tpu.memory_space<vmem_shared>>
      tpu.enqueue_dma source(%dma_start3A_47 : memref<640x32xf32, #tpu.memory_space<vmem_shared>>) target(%dma_start3A_45 : memref<640x32xf32, #tpu.memory_space<hbm>>) target_semaphore(%run_scoped3A_42 : memref<!tpu.dma_semaphore, #tpu.memory_space<semaphore_mem>>)
      %dma_wait3A = arith.constant 0 : i32
      %dma_wait3A_48 = tpu.memref_slice %arg5[%arg0, %mul3A_41, %dma_wait3A] : memref<2x10240x32xf32, #tpu.memory_space<hbm>> -> memref<1x640x32xf32, #tpu.memory_space<hbm>>
      %dma_wait3A_49 = tpu.memref_squeeze %dma_wait3A_48 : memref<1x640x32xf32, #tpu.memory_space<hbm>> -> memref<640x32xf32, #tpu.memory_space<hbm>>
      %dma_wait3A_50 = arith.constant 0 : i32
      %dma_wait3A_51 = tpu.memref_slice %arg13[%mul3A_39, %dma_wait3A_50] : memref<10240x32xf32, #tpu.memory_space<vmem_shared>> -> memref<640x32xf32, #tpu.memory_space<vmem_shared>>
      tpu.wait_dma2 semaphore(%run_scoped3A_42 : memref<!tpu.dma_semaphore, #tpu.memory_space<semaphore_mem>>) src(%dma_wait3A_51 : memref<640x32xf32, #tpu.memory_space<vmem_shared>>) dst(%dma_wait3A_49 : memref<640x32xf32, #tpu.memory_space<hbm>>)
      tpu.yield
    }) : () -> ()
    return
  }
}

#map = affine_map<(d0, d1) -> (0, 0)>
#map1 = affine_map<(d0, d1) -> (0)>
module attributes {stable_mosaic.version = 14 : i64} {
  func.func @_sc_deg_c0_body(%arg0: i32, %arg1: i32, %arg2: memref<2x320000xi32, #tpu.memory_space<hbm>>, %arg3: memref<400xf32, #tpu.memory_space<hbm>>, %arg4: memref<640xf32, #tpu.memory_space<hbm>>, %arg5: memref<2x10240xf32, #tpu.memory_space<hbm>>, %arg6: memref<2x10240xf32, #tpu.memory_space<hbm>>, %arg7: memref<10000xi32, #tpu.memory_space<vmem>>, %arg8: memref<10000xi32, #tpu.memory_space<vmem>>, %arg9: memref<400xf32, #tpu.memory_space<vmem>>, %arg10: memref<400xf32, #tpu.memory_space<vmem>>, %arg11: memref<10240xf32, #tpu.memory_space<vmem_shared>>, %arg12: memref<10240xf32, #tpu.memory_space<vmem_shared>>) attributes {dimension_semantics = [#tpu.dimension_semantics<core_parallel>, #tpu.dimension_semantics<subcore_parallel>], iteration_bounds = array<i64: 2, 16>, scalar_prefetch = 0 : i64, scratch_operands = 6 : i64, tpu.core_type = #tpu.core_type<sc_vector_subcore>, window_params = [{transform_indices = #map}, {transform_indices = #map1}, {transform_indices = #map1}, {transform_indices = #map}, {transform_indices = #map}]} {
    %mul3A = arith.constant 16 : i32
    %mul3A_0 = arith.muli %arg0, %mul3A : i32
    %add3A = arith.addi %mul3A_0, %arg1 : i32
    %mul3A_1 = arith.constant 640 : i32
    %mul3A_2 = arith.muli %arg1, %mul3A_1 : i32
    "tpu.region"() ({
      %run_scoped3A_24 = tpu.sem_alloc : memref<!tpu.dma_semaphore, #tpu.memory_space<semaphore_mem>>
      %dma_start3A = tpu.memref_slice %arg11[%mul3A_2] : memref<10240xf32, #tpu.memory_space<vmem_shared>> -> memref<640xf32, #tpu.memory_space<vmem_shared>>
      tpu.enqueue_dma source(%arg4 : memref<640xf32, #tpu.memory_space<hbm>>) target(%dma_start3A : memref<640xf32, #tpu.memory_space<vmem_shared>>) target_semaphore(%run_scoped3A_24 : memref<!tpu.dma_semaphore, #tpu.memory_space<semaphore_mem>>)
      %dma_wait3A = tpu.memref_slice %arg11[%mul3A_2] : memref<10240xf32, #tpu.memory_space<vmem_shared>> -> memref<640xf32, #tpu.memory_space<vmem_shared>>
      tpu.wait_dma2 semaphore(%run_scoped3A_24 : memref<!tpu.dma_semaphore, #tpu.memory_space<semaphore_mem>>) src(%arg4 : memref<640xf32, #tpu.memory_space<hbm>>) dst(%dma_wait3A : memref<640xf32, #tpu.memory_space<vmem_shared>>)
      tpu.yield
    }) : () -> ()
    %mul3A_3 = arith.constant 640 : i32
    %mul3A_4 = arith.muli %arg1, %mul3A_3 : i32
    "tpu.region"() ({
      %run_scoped3A_24 = tpu.sem_alloc : memref<!tpu.dma_semaphore, #tpu.memory_space<semaphore_mem>>
      %dma_start3A = tpu.memref_slice %arg12[%mul3A_4] : memref<10240xf32, #tpu.memory_space<vmem_shared>> -> memref<640xf32, #tpu.memory_space<vmem_shared>>
      tpu.enqueue_dma source(%arg4 : memref<640xf32, #tpu.memory_space<hbm>>) target(%dma_start3A : memref<640xf32, #tpu.memory_space<vmem_shared>>) target_semaphore(%run_scoped3A_24 : memref<!tpu.dma_semaphore, #tpu.memory_space<semaphore_mem>>)
      %dma_wait3A = tpu.memref_slice %arg12[%mul3A_4] : memref<10240xf32, #tpu.memory_space<vmem_shared>> -> memref<640xf32, #tpu.memory_space<vmem_shared>>
      tpu.wait_dma2 semaphore(%run_scoped3A_24 : memref<!tpu.dma_semaphore, #tpu.memory_space<semaphore_mem>>) src(%arg4 : memref<640xf32, #tpu.memory_space<hbm>>) dst(%dma_wait3A : memref<640xf32, #tpu.memory_space<vmem_shared>>)
      tpu.yield
    }) : () -> ()
    "tpu.region"() ({
      %run_scoped3A_24 = tpu.sem_alloc : memref<!tpu.dma_semaphore, #tpu.memory_space<semaphore_mem>>
      tpu.enqueue_dma source(%arg3 : memref<400xf32, #tpu.memory_space<hbm>>) target(%arg9 : memref<400xf32, #tpu.memory_space<vmem>>) target_semaphore(%run_scoped3A_24 : memref<!tpu.dma_semaphore, #tpu.memory_space<semaphore_mem>>)
      tpu.wait_dma2 semaphore(%run_scoped3A_24 : memref<!tpu.dma_semaphore, #tpu.memory_space<semaphore_mem>>) src(%arg3 : memref<400xf32, #tpu.memory_space<hbm>>) dst(%arg9 : memref<400xf32, #tpu.memory_space<vmem>>)
      tpu.yield
    }) : () -> ()
    %mul3A_5 = arith.constant 10000 : i32
    %mul3A_6 = arith.muli %add3A, %mul3A_5 : i32
    %run_scoped3A = arith.constant 1 : i32
    "tpu.region"() ({
      %run_scoped3A_24 = tpu.sem_alloc : memref<!tpu.dma_semaphore, #tpu.memory_space<semaphore_mem>>
      %dma_start3A = tpu.memref_slice %arg2[%run_scoped3A, %mul3A_6] : memref<2x320000xi32, #tpu.memory_space<hbm>> -> memref<1x10000xi32, #tpu.memory_space<hbm>>
      %dma_start3A_25 = tpu.memref_squeeze %dma_start3A : memref<1x10000xi32, #tpu.memory_space<hbm>> -> memref<10000xi32, #tpu.memory_space<hbm>>
      %dma_start3A_26 = tpu.memref_slice %arg2[%run_scoped3A, %mul3A_6] : memref<2x320000xi32, #tpu.memory_space<hbm>> -> memref<1x10000xi32, #tpu.memory_space<hbm>>
      %dma_start3A_27 = tpu.memref_squeeze %dma_start3A_26 : memref<1x10000xi32, #tpu.memory_space<hbm>> -> memref<10000xi32, #tpu.memory_space<hbm>>
      tpu.enqueue_dma source(%dma_start3A_27 : memref<10000xi32, #tpu.memory_space<hbm>>) target(%arg7 : memref<10000xi32, #tpu.memory_space<vmem>>) target_semaphore(%run_scoped3A_24 : memref<!tpu.dma_semaphore, #tpu.memory_space<semaphore_mem>>)
      %dma_wait3A = tpu.memref_slice %arg2[%run_scoped3A, %mul3A_6] : memref<2x320000xi32, #tpu.memory_space<hbm>> -> memref<1x10000xi32, #tpu.memory_space<hbm>>
      %dma_wait3A_28 = tpu.memref_squeeze %dma_wait3A : memref<1x10000xi32, #tpu.memory_space<hbm>> -> memref<10000xi32, #tpu.memory_space<hbm>>
      %dma_wait3A_29 = tpu.memref_slice %arg2[%run_scoped3A, %mul3A_6] : memref<2x320000xi32, #tpu.memory_space<hbm>> -> memref<1x10000xi32, #tpu.memory_space<hbm>>
      %dma_wait3A_30 = tpu.memref_squeeze %dma_wait3A_29 : memref<1x10000xi32, #tpu.memory_space<hbm>> -> memref<10000xi32, #tpu.memory_space<hbm>>
      tpu.wait_dma2 semaphore(%run_scoped3A_24 : memref<!tpu.dma_semaphore, #tpu.memory_space<semaphore_mem>>) src(%dma_wait3A_30 : memref<10000xi32, #tpu.memory_space<hbm>>) dst(%arg7 : memref<10000xi32, #tpu.memory_space<vmem>>)
      tpu.yield
    }) : () -> ()
    %mul3A_7 = arith.constant 10000 : i32
    %mul3A_8 = arith.muli %add3A, %mul3A_7 : i32
    %run_scoped3A_9 = arith.constant 0 : i32
    "tpu.region"() ({
      %run_scoped3A_24 = tpu.sem_alloc : memref<!tpu.dma_semaphore, #tpu.memory_space<semaphore_mem>>
      %dma_start3A = tpu.memref_slice %arg2[%run_scoped3A_9, %mul3A_8] : memref<2x320000xi32, #tpu.memory_space<hbm>> -> memref<1x10000xi32, #tpu.memory_space<hbm>>
      %dma_start3A_25 = tpu.memref_squeeze %dma_start3A : memref<1x10000xi32, #tpu.memory_space<hbm>> -> memref<10000xi32, #tpu.memory_space<hbm>>
      %dma_start3A_26 = tpu.memref_slice %arg2[%run_scoped3A_9, %mul3A_8] : memref<2x320000xi32, #tpu.memory_space<hbm>> -> memref<1x10000xi32, #tpu.memory_space<hbm>>
      %dma_start3A_27 = tpu.memref_squeeze %dma_start3A_26 : memref<1x10000xi32, #tpu.memory_space<hbm>> -> memref<10000xi32, #tpu.memory_space<hbm>>
      tpu.enqueue_dma source(%dma_start3A_27 : memref<10000xi32, #tpu.memory_space<hbm>>) target(%arg8 : memref<10000xi32, #tpu.memory_space<vmem>>) target_semaphore(%run_scoped3A_24 : memref<!tpu.dma_semaphore, #tpu.memory_space<semaphore_mem>>)
      %dma_wait3A = tpu.memref_slice %arg2[%run_scoped3A_9, %mul3A_8] : memref<2x320000xi32, #tpu.memory_space<hbm>> -> memref<1x10000xi32, #tpu.memory_space<hbm>>
      %dma_wait3A_28 = tpu.memref_squeeze %dma_wait3A : memref<1x10000xi32, #tpu.memory_space<hbm>> -> memref<10000xi32, #tpu.memory_space<hbm>>
      %dma_wait3A_29 = tpu.memref_slice %arg2[%run_scoped3A_9, %mul3A_8] : memref<2x320000xi32, #tpu.memory_space<hbm>> -> memref<1x10000xi32, #tpu.memory_space<hbm>>
      %dma_wait3A_30 = tpu.memref_squeeze %dma_wait3A_29 : memref<1x10000xi32, #tpu.memory_space<hbm>> -> memref<10000xi32, #tpu.memory_space<hbm>>
      tpu.wait_dma2 semaphore(%run_scoped3A_24 : memref<!tpu.dma_semaphore, #tpu.memory_space<semaphore_mem>>) src(%dma_wait3A_30 : memref<10000xi32, #tpu.memory_space<hbm>>) dst(%arg8 : memref<10000xi32, #tpu.memory_space<vmem>>)
      tpu.yield
    }) : () -> ()
    %barrier3A = arith.constant 0 : index
    tpu.barrier barrier_id(%barrier3A)
    %scan3A = arith.constant 0 : i32
    %scan3A_10 = arith.constant 0 : i32
    %scan3A_11 = arith.constant 25 : i32
    %scan3A_12 = arith.addi %scan3A_10, %scan3A_11 : i32
    %scan3A_13 = arith.constant 1 : i32
    scf.for %scan3A_24 = %scan3A_10 to %scan3A_12 step %scan3A_13  : i32 {
      %mul3A_25 = arith.constant 400 : i32
      %mul3A_26 = arith.muli %scan3A_24, %mul3A_25 : i32
      "tpu.region"() ({
        %run_scoped3A_673 = tpu.sem_alloc : memref<!tpu.dma_semaphore, #tpu.memory_space<semaphore_mem>>
        %dma_start3A = tpu.memref_slice %arg7[%mul3A_26] : memref<10000xi32, #tpu.memory_space<vmem>> -> memref<400xi32, #tpu.memory_space<vmem>>
        %dma_start3A_674 = arith.constant 0 : i32
        %dma_start3A_675 = tpu.memref_slice %arg11[%dma_start3A_674] : memref<10240xf32, #tpu.memory_space<vmem_shared>> -> memref<10240xf32, #tpu.memory_space<vmem_shared>>
        tpu.enqueue_indirect_dma source(%arg9 : memref<400xf32, #tpu.memory_space<vmem>>) target(%dma_start3A_675 : memref<10240xf32, #tpu.memory_space<vmem_shared>>) offsets(%dma_start3A : memref<400xi32, #tpu.memory_space<vmem>>) semaphore(%run_scoped3A_673 : memref<!tpu.dma_semaphore, #tpu.memory_space<semaphore_mem>>) {add = true}
        %dma_wait3A = tpu.memref_slice %arg7[%mul3A_26] : memref<10000xi32, #tpu.memory_space<vmem>> -> memref<400xi32, #tpu.memory_space<vmem>>
        %dma_wait3A_676 = arith.constant 0 : i32
        %dma_wait3A_677 = tpu.memref_slice %arg11[%dma_wait3A_676] : memref<10240xf32, #tpu.memory_space<vmem_shared>> -> memref<10240xf32, #tpu.memory_space<vmem_shared>>
        tpu.wait_indirect_dma semaphore(%run_scoped3A_673 : memref<!tpu.dma_semaphore, #tpu.memory_space<semaphore_mem>>) src(%arg9 : memref<400xf32, #tpu.memory_space<vmem>>) dst(%dma_wait3A_677 : memref<10240xf32, #tpu.memory_space<vmem_shared>>)
        tpu.yield
      }) : () -> ()
      %mul3A_27 = arith.constant 400 : i32
      %mul3A_28 = arith.muli %scan3A_24, %mul3A_27 : i32
      %add3A_29 = arith.constant 0 : i32
      %add3A_30 = arith.addi %mul3A_28, %add3A_29 : i32
      %get3A = arith.index_cast %add3A_30 : i32 to index
      %get3A_31 = tpu.vector_load %arg7[%get3A] {strides = array<i32>} : memref<10000xi32, #tpu.memory_space<vmem>>, vector<16xi32>,
      %eq3A = arith.constant 0 : i32
      %eq3A_32 = vector.broadcast %eq3A : i32 to vector<16xi32>
      %eq3A_33 = arith.cmpi eq, %get3A_31, %eq3A_32 : vector<16xi32>
      %jit3A = arith.constant 1.000000e+00 : f32
      %jit3A_34 = arith.constant 0.000000e+00 : f32
      %broadcast_in_dim3A = vector.broadcast %jit3A : f32 to vector<16xf32>
      %broadcast_in_dim3A_35 = vector.broadcast %jit3A_34 : f32 to vector<16xf32>
      %select_n3A = arith.select %eq3A_33, %broadcast_in_dim3A, %broadcast_in_dim3A_35 : vector<16xi1>, vector<16xf32>
      %swap3A = arith.constant 0 : index
      %swap3A_36 = tpu.vector_load %arg10[%swap3A] {strides = array<i32>} : memref<400xf32, #tpu.memory_space<vmem>>, vector<16xf32>,
      tpu.vector_store %arg10[%swap3A], %select_n3A {strides = array<i32>} : memref<400xf32, #tpu.memory_space<vmem>>, vector<16xf32>,
      %jit3A_37 = arith.constant 1 : i32
      %jit3A_38 = arith.constant 0 : i32
      %broadcast_in_dim3A_39 = vector.broadcast %jit3A_37 : i32 to vector<16xi32>
      %broadcast_in_dim3A_40 = vector.broadcast %jit3A_38 : i32 to vector<16xi32>
      %select_n3A_41 = arith.select %eq3A_33, %broadcast_in_dim3A_39, %broadcast_in_dim3A_40 : vector<16xi1>, vector<16xi32>
      %reduce_sum3A = arith.constant true
      %reduce_sum3A_42 = vector.broadcast %reduce_sum3A : i1 to vector<16xi1>
      %reduce_sum3A_43 = tpu.scan <sum>, %select_n3A_41 masked %reduce_sum3A_42 : vector<16xi32>, vector<16xi1> -> vector<16xi32>
      %reduce_sum3A_44 = vector.extract %reduce_sum3A_43[15] : i32 from vector<16xi32>
      %add3A_45 = arith.constant 0 : i32
      %add3A_46 = arith.addi %add3A_45, %reduce_sum3A_44 : i32
      %mul3A_47 = arith.constant 400 : i32
      %mul3A_48 = arith.muli %scan3A_24, %mul3A_47 : i32
      %add3A_49 = arith.constant 16 : i32
      %add3A_50 = arith.addi %mul3A_48, %add3A_49 : i32
      %get3A_51 = arith.index_cast %add3A_50 : i32 to index
      %get3A_52 = tpu.vector_load %arg7[%get3A_51] {strides = array<i32>} : memref<10000xi32, #tpu.memory_space<vmem>>, vector<16xi32>,
      %eq3A_53 = arith.constant 0 : i32
      %eq3A_54 = vector.broadcast %eq3A_53 : i32 to vector<16xi32>
      %eq3A_55 = arith.cmpi eq, %get3A_52, %eq3A_54 : vector<16xi32>
      %jit3A_56 = arith.constant 1.000000e+00 : f32
      %jit3A_57 = arith.constant 0.000000e+00 : f32
      %broadcast_in_dim3A_58 = vector.broadcast %jit3A_56 : f32 to vector<16xf32>
      %broadcast_in_dim3A_59 = vector.broadcast %jit3A_57 : f32 to vector<16xf32>
      %select_n3A_60 = arith.select %eq3A_55, %broadcast_in_dim3A_58, %broadcast_in_dim3A_59 : vector<16xi1>, vector<16xf32>
      %swap3A_61 = arith.constant 16 : index
      %swap3A_62 = tpu.vector_load %arg10[%swap3A_61] {strides = array<i32>} : memref<400xf32, #tpu.memory_space<vmem>>, vector<16xf32>,
      tpu.vector_store %arg10[%swap3A_61], %select_n3A_60 {strides = array<i32>} : memref<400xf32, #tpu.memory_space<vmem>>, vector<16xf32>,
      %jit3A_63 = arith.constant 1 : i32
      %jit3A_64 = arith.constant 0 : i32
      %broadcast_in_dim3A_65 = vector.broadcast %jit3A_63 : i32 to vector<16xi32>
      %broadcast_in_dim3A_66 = vector.broadcast %jit3A_64 : i32 to vector<16xi32>
      %select_n3A_67 = arith.select %eq3A_55, %broadcast_in_dim3A_65, %broadcast_in_dim3A_66 : vector<16xi1>, vector<16xi32>
      %reduce_sum3A_68 = arith.constant true
      %reduce_sum3A_69 = vector.broadcast %reduce_sum3A_68 : i1 to vector<16xi1>
      %reduce_sum3A_70 = tpu.scan <sum>, %select_n3A_67 masked %reduce_sum3A_69 : vector<16xi32>, vector<16xi1> -> vector<16xi32>
      %reduce_sum3A_71 = vector.extract %reduce_sum3A_70[15] : i32 from vector<16xi32>
      %add3A_72 = arith.addi %add3A_46, %reduce_sum3A_71 : i32
      %mul3A_73 = arith.constant 400 : i32
      %mul3A_74 = arith.muli %scan3A_24, %mul3A_73 : i32
      %add3A_75 = arith.constant 32 : i32
      %add3A_76 = arith.addi %mul3A_74, %add3A_75 : i32
      %get3A_77 = arith.index_cast %add3A_76 : i32 to index
      %get3A_78 = tpu.vector_load %arg7[%get3A_77] {strides = array<i32>} : memref<10000xi32, #tpu.memory_space<vmem>>, vector<16xi32>,
      %eq3A_79 = arith.constant 0 : i32
      %eq3A_80 = vector.broadcast %eq3A_79 : i32 to vector<16xi32>
      %eq3A_81 = arith.cmpi eq, %get3A_78, %eq3A_80 : vector<16xi32>
      %jit3A_82 = arith.constant 1.000000e+00 : f32
      %jit3A_83 = arith.constant 0.000000e+00 : f32
      %broadcast_in_dim3A_84 = vector.broadcast %jit3A_82 : f32 to vector<16xf32>
      %broadcast_in_dim3A_85 = vector.broadcast %jit3A_83 : f32 to vector<16xf32>
      %select_n3A_86 = arith.select %eq3A_81, %broadcast_in_dim3A_84, %broadcast_in_dim3A_85 : vector<16xi1>, vector<16xf32>
      %swap3A_87 = arith.constant 32 : index
      %swap3A_88 = tpu.vector_load %arg10[%swap3A_87] {strides = array<i32>} : memref<400xf32, #tpu.memory_space<vmem>>, vector<16xf32>,
      tpu.vector_store %arg10[%swap3A_87], %select_n3A_86 {strides = array<i32>} : memref<400xf32, #tpu.memory_space<vmem>>, vector<16xf32>,
      %jit3A_89 = arith.constant 1 : i32
      %jit3A_90 = arith.constant 0 : i32
      %broadcast_in_dim3A_91 = vector.broadcast %jit3A_89 : i32 to vector<16xi32>
      %broadcast_in_dim3A_92 = vector.broadcast %jit3A_90 : i32 to vector<16xi32>
      %select_n3A_93 = arith.select %eq3A_81, %broadcast_in_dim3A_91, %broadcast_in_dim3A_92 : vector<16xi1>, vector<16xi32>
      %reduce_sum3A_94 = arith.constant true
      %reduce_sum3A_95 = vector.broadcast %reduce_sum3A_94 : i1 to vector<16xi1>
      %reduce_sum3A_96 = tpu.scan <sum>, %select_n3A_93 masked %reduce_sum3A_95 : vector<16xi32>, vector<16xi1> -> vector<16xi32>
      %reduce_sum3A_97 = vector.extract %reduce_sum3A_96[15] : i32 from vector<16xi32>
      %add3A_98 = arith.addi %add3A_72, %reduce_sum3A_97 : i32
      %mul3A_99 = arith.constant 400 : i32
      %mul3A_100 = arith.muli %scan3A_24, %mul3A_99 : i32
      %add3A_101 = arith.constant 48 : i32
      %add3A_102 = arith.addi %mul3A_100, %add3A_101 : i32
      %get3A_103 = arith.index_cast %add3A_102 : i32 to index
      %get3A_104 = tpu.vector_load %arg7[%get3A_103] {strides = array<i32>} : memref<10000xi32, #tpu.memory_space<vmem>>, vector<16xi32>,
      %eq3A_105 = arith.constant 0 : i32
      %eq3A_106 = vector.broadcast %eq3A_105 : i32 to vector<16xi32>
      %eq3A_107 = arith.cmpi eq, %get3A_104, %eq3A_106 : vector<16xi32>
      %jit3A_108 = arith.constant 1.000000e+00 : f32
      %jit3A_109 = arith.constant 0.000000e+00 : f32
      %broadcast_in_dim3A_110 = vector.broadcast %jit3A_108 : f32 to vector<16xf32>
      %broadcast_in_dim3A_111 = vector.broadcast %jit3A_109 : f32 to vector<16xf32>
      %select_n3A_112 = arith.select %eq3A_107, %broadcast_in_dim3A_110, %broadcast_in_dim3A_111 : vector<16xi1>, vector<16xf32>
      %swap3A_113 = arith.constant 48 : index
      %swap3A_114 = tpu.vector_load %arg10[%swap3A_113] {strides = array<i32>} : memref<400xf32, #tpu.memory_space<vmem>>, vector<16xf32>,
      tpu.vector_store %arg10[%swap3A_113], %select_n3A_112 {strides = array<i32>} : memref<400xf32, #tpu.memory_space<vmem>>, vector<16xf32>,
      %jit3A_115 = arith.constant 1 : i32
      %jit3A_116 = arith.constant 0 : i32
      %broadcast_in_dim3A_117 = vector.broadcast %jit3A_115 : i32 to vector<16xi32>
      %broadcast_in_dim3A_118 = vector.broadcast %jit3A_116 : i32 to vector<16xi32>
      %select_n3A_119 = arith.select %eq3A_107, %broadcast_in_dim3A_117, %broadcast_in_dim3A_118 : vector<16xi1>, vector<16xi32>
      %reduce_sum3A_120 = arith.constant true
      %reduce_sum3A_121 = vector.broadcast %reduce_sum3A_120 : i1 to vector<16xi1>
      %reduce_sum3A_122 = tpu.scan <sum>, %select_n3A_119 masked %reduce_sum3A_121 : vector<16xi32>, vector<16xi1> -> vector<16xi32>
      %reduce_sum3A_123 = vector.extract %reduce_sum3A_122[15] : i32 from vector<16xi32>
      %add3A_124 = arith.addi %add3A_98, %reduce_sum3A_123 : i32
      %mul3A_125 = arith.constant 400 : i32
      %mul3A_126 = arith.muli %scan3A_24, %mul3A_125 : i32
      %add3A_127 = arith.constant 64 : i32
      %add3A_128 = arith.addi %mul3A_126, %add3A_127 : i32
      %get3A_129 = arith.index_cast %add3A_128 : i32 to index
      %get3A_130 = tpu.vector_load %arg7[%get3A_129] {strides = array<i32>} : memref<10000xi32, #tpu.memory_space<vmem>>, vector<16xi32>,
      %eq3A_131 = arith.constant 0 : i32
      %eq3A_132 = vector.broadcast %eq3A_131 : i32 to vector<16xi32>
      %eq3A_133 = arith.cmpi eq, %get3A_130, %eq3A_132 : vector<16xi32>
      %jit3A_134 = arith.constant 1.000000e+00 : f32
      %jit3A_135 = arith.constant 0.000000e+00 : f32
      %broadcast_in_dim3A_136 = vector.broadcast %jit3A_134 : f32 to vector<16xf32>
      %broadcast_in_dim3A_137 = vector.broadcast %jit3A_135 : f32 to vector<16xf32>
      %select_n3A_138 = arith.select %eq3A_133, %broadcast_in_dim3A_136, %broadcast_in_dim3A_137 : vector<16xi1>, vector<16xf32>
      %swap3A_139 = arith.constant 64 : index
      %swap3A_140 = tpu.vector_load %arg10[%swap3A_139] {strides = array<i32>} : memref<400xf32, #tpu.memory_space<vmem>>, vector<16xf32>,
      tpu.vector_store %arg10[%swap3A_139], %select_n3A_138 {strides = array<i32>} : memref<400xf32, #tpu.memory_space<vmem>>, vector<16xf32>,
      %jit3A_141 = arith.constant 1 : i32
      %jit3A_142 = arith.constant 0 : i32
      %broadcast_in_dim3A_143 = vector.broadcast %jit3A_141 : i32 to vector<16xi32>
      %broadcast_in_dim3A_144 = vector.broadcast %jit3A_142 : i32 to vector<16xi32>
      %select_n3A_145 = arith.select %eq3A_133, %broadcast_in_dim3A_143, %broadcast_in_dim3A_144 : vector<16xi1>, vector<16xi32>
      %reduce_sum3A_146 = arith.constant true
      %reduce_sum3A_147 = vector.broadcast %reduce_sum3A_146 : i1 to vector<16xi1>
      %reduce_sum3A_148 = tpu.scan <sum>, %select_n3A_145 masked %reduce_sum3A_147 : vector<16xi32>, vector<16xi1> -> vector<16xi32>
      %reduce_sum3A_149 = vector.extract %reduce_sum3A_148[15] : i32 from vector<16xi32>
      %add3A_150 = arith.addi %add3A_124, %reduce_sum3A_149 : i32
      %mul3A_151 = arith.constant 400 : i32
      %mul3A_152 = arith.muli %scan3A_24, %mul3A_151 : i32
      %add3A_153 = arith.constant 80 : i32
      %add3A_154 = arith.addi %mul3A_152, %add3A_153 : i32
      %get3A_155 = arith.index_cast %add3A_154 : i32 to index
      %get3A_156 = tpu.vector_load %arg7[%get3A_155] {strides = array<i32>} : memref<10000xi32, #tpu.memory_space<vmem>>, vector<16xi32>,
      %eq3A_157 = arith.constant 0 : i32
      %eq3A_158 = vector.broadcast %eq3A_157 : i32 to vector<16xi32>
      %eq3A_159 = arith.cmpi eq, %get3A_156, %eq3A_158 : vector<16xi32>
      %jit3A_160 = arith.constant 1.000000e+00 : f32
      %jit3A_161 = arith.constant 0.000000e+00 : f32
      %broadcast_in_dim3A_162 = vector.broadcast %jit3A_160 : f32 to vector<16xf32>
      %broadcast_in_dim3A_163 = vector.broadcast %jit3A_161 : f32 to vector<16xf32>
      %select_n3A_164 = arith.select %eq3A_159, %broadcast_in_dim3A_162, %broadcast_in_dim3A_163 : vector<16xi1>, vector<16xf32>
      %swap3A_165 = arith.constant 80 : index
      %swap3A_166 = tpu.vector_load %arg10[%swap3A_165] {strides = array<i32>} : memref<400xf32, #tpu.memory_space<vmem>>, vector<16xf32>,
      tpu.vector_store %arg10[%swap3A_165], %select_n3A_164 {strides = array<i32>} : memref<400xf32, #tpu.memory_space<vmem>>, vector<16xf32>,
      %jit3A_167 = arith.constant 1 : i32
      %jit3A_168 = arith.constant 0 : i32
      %broadcast_in_dim3A_169 = vector.broadcast %jit3A_167 : i32 to vector<16xi32>
      %broadcast_in_dim3A_170 = vector.broadcast %jit3A_168 : i32 to vector<16xi32>
      %select_n3A_171 = arith.select %eq3A_159, %broadcast_in_dim3A_169, %broadcast_in_dim3A_170 : vector<16xi1>, vector<16xi32>
      %reduce_sum3A_172 = arith.constant true
      %reduce_sum3A_173 = vector.broadcast %reduce_sum3A_172 : i1 to vector<16xi1>
      %reduce_sum3A_174 = tpu.scan <sum>, %select_n3A_171 masked %reduce_sum3A_173 : vector<16xi32>, vector<16xi1> -> vector<16xi32>
      %reduce_sum3A_175 = vector.extract %reduce_sum3A_174[15] : i32 from vector<16xi32>
      %add3A_176 = arith.addi %add3A_150, %reduce_sum3A_175 : i32
      %mul3A_177 = arith.constant 400 : i32
      %mul3A_178 = arith.muli %scan3A_24, %mul3A_177 : i32
      %add3A_179 = arith.constant 96 : i32
      %add3A_180 = arith.addi %mul3A_178, %add3A_179 : i32
      %get3A_181 = arith.index_cast %add3A_180 : i32 to index
      %get3A_182 = tpu.vector_load %arg7[%get3A_181] {strides = array<i32>} : memref<10000xi32, #tpu.memory_space<vmem>>, vector<16xi32>,
      %eq3A_183 = arith.constant 0 : i32
      %eq3A_184 = vector.broadcast %eq3A_183 : i32 to vector<16xi32>
      %eq3A_185 = arith.cmpi eq, %get3A_182, %eq3A_184 : vector<16xi32>
      %jit3A_186 = arith.constant 1.000000e+00 : f32
      %jit3A_187 = arith.constant 0.000000e+00 : f32
      %broadcast_in_dim3A_188 = vector.broadcast %jit3A_186 : f32 to vector<16xf32>
      %broadcast_in_dim3A_189 = vector.broadcast %jit3A_187 : f32 to vector<16xf32>
      %select_n3A_190 = arith.select %eq3A_185, %broadcast_in_dim3A_188, %broadcast_in_dim3A_189 : vector<16xi1>, vector<16xf32>
      %swap3A_191 = arith.constant 96 : index
      %swap3A_192 = tpu.vector_load %arg10[%swap3A_191] {strides = array<i32>} : memref<400xf32, #tpu.memory_space<vmem>>, vector<16xf32>,
      tpu.vector_store %arg10[%swap3A_191], %select_n3A_190 {strides = array<i32>} : memref<400xf32, #tpu.memory_space<vmem>>, vector<16xf32>,
      %jit3A_193 = arith.constant 1 : i32
      %jit3A_194 = arith.constant 0 : i32
      %broadcast_in_dim3A_195 = vector.broadcast %jit3A_193 : i32 to vector<16xi32>
      %broadcast_in_dim3A_196 = vector.broadcast %jit3A_194 : i32 to vector<16xi32>
      %select_n3A_197 = arith.select %eq3A_185, %broadcast_in_dim3A_195, %broadcast_in_dim3A_196 : vector<16xi1>, vector<16xi32>
      %reduce_sum3A_198 = arith.constant true
      %reduce_sum3A_199 = vector.broadcast %reduce_sum3A_198 : i1 to vector<16xi1>
      %reduce_sum3A_200 = tpu.scan <sum>, %select_n3A_197 masked %reduce_sum3A_199 : vector<16xi32>, vector<16xi1> -> vector<16xi32>
      %reduce_sum3A_201 = vector.extract %reduce_sum3A_200[15] : i32 from vector<16xi32>
      %add3A_202 = arith.addi %add3A_176, %reduce_sum3A_201 : i32
      %mul3A_203 = arith.constant 400 : i32
      %mul3A_204 = arith.muli %scan3A_24, %mul3A_203 : i32
      %add3A_205 = arith.constant 112 : i32
      %add3A_206 = arith.addi %mul3A_204, %add3A_205 : i32
      %get3A_207 = arith.index_cast %add3A_206 : i32 to index
      %get3A_208 = tpu.vector_load %arg7[%get3A_207] {strides = array<i32>} : memref<10000xi32, #tpu.memory_space<vmem>>, vector<16xi32>,
      %eq3A_209 = arith.constant 0 : i32
      %eq3A_210 = vector.broadcast %eq3A_209 : i32 to vector<16xi32>
      %eq3A_211 = arith.cmpi eq, %get3A_208, %eq3A_210 : vector<16xi32>
      %jit3A_212 = arith.constant 1.000000e+00 : f32
      %jit3A_213 = arith.constant 0.000000e+00 : f32
      %broadcast_in_dim3A_214 = vector.broadcast %jit3A_212 : f32 to vector<16xf32>
      %broadcast_in_dim3A_215 = vector.broadcast %jit3A_213 : f32 to vector<16xf32>
      %select_n3A_216 = arith.select %eq3A_211, %broadcast_in_dim3A_214, %broadcast_in_dim3A_215 : vector<16xi1>, vector<16xf32>
      %swap3A_217 = arith.constant 112 : index
      %swap3A_218 = tpu.vector_load %arg10[%swap3A_217] {strides = array<i32>} : memref<400xf32, #tpu.memory_space<vmem>>, vector<16xf32>,
      tpu.vector_store %arg10[%swap3A_217], %select_n3A_216 {strides = array<i32>} : memref<400xf32, #tpu.memory_space<vmem>>, vector<16xf32>,
      %jit3A_219 = arith.constant 1 : i32
      %jit3A_220 = arith.constant 0 : i32
      %broadcast_in_dim3A_221 = vector.broadcast %jit3A_219 : i32 to vector<16xi32>
      %broadcast_in_dim3A_222 = vector.broadcast %jit3A_220 : i32 to vector<16xi32>
      %select_n3A_223 = arith.select %eq3A_211, %broadcast_in_dim3A_221, %broadcast_in_dim3A_222 : vector<16xi1>, vector<16xi32>
      %reduce_sum3A_224 = arith.constant true
      %reduce_sum3A_225 = vector.broadcast %reduce_sum3A_224 : i1 to vector<16xi1>
      %reduce_sum3A_226 = tpu.scan <sum>, %select_n3A_223 masked %reduce_sum3A_225 : vector<16xi32>, vector<16xi1> -> vector<16xi32>
      %reduce_sum3A_227 = vector.extract %reduce_sum3A_226[15] : i32 from vector<16xi32>
      %add3A_228 = arith.addi %add3A_202, %reduce_sum3A_227 : i32
      %mul3A_229 = arith.constant 400 : i32
      %mul3A_230 = arith.muli %scan3A_24, %mul3A_229 : i32
      %add3A_231 = arith.constant 128 : i32
      %add3A_232 = arith.addi %mul3A_230, %add3A_231 : i32
      %get3A_233 = arith.index_cast %add3A_232 : i32 to index
      %get3A_234 = tpu.vector_load %arg7[%get3A_233] {strides = array<i32>} : memref<10000xi32, #tpu.memory_space<vmem>>, vector<16xi32>,
      %eq3A_235 = arith.constant 0 : i32
      %eq3A_236 = vector.broadcast %eq3A_235 : i32 to vector<16xi32>
      %eq3A_237 = arith.cmpi eq, %get3A_234, %eq3A_236 : vector<16xi32>
      %jit3A_238 = arith.constant 1.000000e+00 : f32
      %jit3A_239 = arith.constant 0.000000e+00 : f32
      %broadcast_in_dim3A_240 = vector.broadcast %jit3A_238 : f32 to vector<16xf32>
      %broadcast_in_dim3A_241 = vector.broadcast %jit3A_239 : f32 to vector<16xf32>
      %select_n3A_242 = arith.select %eq3A_237, %broadcast_in_dim3A_240, %broadcast_in_dim3A_241 : vector<16xi1>, vector<16xf32>
      %swap3A_243 = arith.constant 128 : index
      %swap3A_244 = tpu.vector_load %arg10[%swap3A_243] {strides = array<i32>} : memref<400xf32, #tpu.memory_space<vmem>>, vector<16xf32>,
      tpu.vector_store %arg10[%swap3A_243], %select_n3A_242 {strides = array<i32>} : memref<400xf32, #tpu.memory_space<vmem>>, vector<16xf32>,
      %jit3A_245 = arith.constant 1 : i32
      %jit3A_246 = arith.constant 0 : i32
      %broadcast_in_dim3A_247 = vector.broadcast %jit3A_245 : i32 to vector<16xi32>
      %broadcast_in_dim3A_248 = vector.broadcast %jit3A_246 : i32 to vector<16xi32>
      %select_n3A_249 = arith.select %eq3A_237, %broadcast_in_dim3A_247, %broadcast_in_dim3A_248 : vector<16xi1>, vector<16xi32>
      %reduce_sum3A_250 = arith.constant true
      %reduce_sum3A_251 = vector.broadcast %reduce_sum3A_250 : i1 to vector<16xi1>
      %reduce_sum3A_252 = tpu.scan <sum>, %select_n3A_249 masked %reduce_sum3A_251 : vector<16xi32>, vector<16xi1> -> vector<16xi32>
      %reduce_sum3A_253 = vector.extract %reduce_sum3A_252[15] : i32 from vector<16xi32>
      %add3A_254 = arith.addi %add3A_228, %reduce_sum3A_253 : i32
      %mul3A_255 = arith.constant 400 : i32
      %mul3A_256 = arith.muli %scan3A_24, %mul3A_255 : i32
      %add3A_257 = arith.constant 144 : i32
      %add3A_258 = arith.addi %mul3A_256, %add3A_257 : i32
      %get3A_259 = arith.index_cast %add3A_258 : i32 to index
      %get3A_260 = tpu.vector_load %arg7[%get3A_259] {strides = array<i32>} : memref<10000xi32, #tpu.memory_space<vmem>>, vector<16xi32>,
      %eq3A_261 = arith.constant 0 : i32
      %eq3A_262 = vector.broadcast %eq3A_261 : i32 to vector<16xi32>
      %eq3A_263 = arith.cmpi eq, %get3A_260, %eq3A_262 : vector<16xi32>
      %jit3A_264 = arith.constant 1.000000e+00 : f32
      %jit3A_265 = arith.constant 0.000000e+00 : f32
      %broadcast_in_dim3A_266 = vector.broadcast %jit3A_264 : f32 to vector<16xf32>
      %broadcast_in_dim3A_267 = vector.broadcast %jit3A_265 : f32 to vector<16xf32>
      %select_n3A_268 = arith.select %eq3A_263, %broadcast_in_dim3A_266, %broadcast_in_dim3A_267 : vector<16xi1>, vector<16xf32>
      %swap3A_269 = arith.constant 144 : index
      %swap3A_270 = tpu.vector_load %arg10[%swap3A_269] {strides = array<i32>} : memref<400xf32, #tpu.memory_space<vmem>>, vector<16xf32>,
      tpu.vector_store %arg10[%swap3A_269], %select_n3A_268 {strides = array<i32>} : memref<400xf32, #tpu.memory_space<vmem>>, vector<16xf32>,
      %jit3A_271 = arith.constant 1 : i32
      %jit3A_272 = arith.constant 0 : i32
      %broadcast_in_dim3A_273 = vector.broadcast %jit3A_271 : i32 to vector<16xi32>
      %broadcast_in_dim3A_274 = vector.broadcast %jit3A_272 : i32 to vector<16xi32>
      %select_n3A_275 = arith.select %eq3A_263, %broadcast_in_dim3A_273, %broadcast_in_dim3A_274 : vector<16xi1>, vector<16xi32>
      %reduce_sum3A_276 = arith.constant true
      %reduce_sum3A_277 = vector.broadcast %reduce_sum3A_276 : i1 to vector<16xi1>
      %reduce_sum3A_278 = tpu.scan <sum>, %select_n3A_275 masked %reduce_sum3A_277 : vector<16xi32>, vector<16xi1> -> vector<16xi32>
      %reduce_sum3A_279 = vector.extract %reduce_sum3A_278[15] : i32 from vector<16xi32>
      %add3A_280 = arith.addi %add3A_254, %reduce_sum3A_279 : i32
      %mul3A_281 = arith.constant 400 : i32
      %mul3A_282 = arith.muli %scan3A_24, %mul3A_281 : i32
      %add3A_283 = arith.constant 160 : i32
      %add3A_284 = arith.addi %mul3A_282, %add3A_283 : i32
      %get3A_285 = arith.index_cast %add3A_284 : i32 to index
      %get3A_286 = tpu.vector_load %arg7[%get3A_285] {strides = array<i32>} : memref<10000xi32, #tpu.memory_space<vmem>>, vector<16xi32>,
      %eq3A_287 = arith.constant 0 : i32
      %eq3A_288 = vector.broadcast %eq3A_287 : i32 to vector<16xi32>
      %eq3A_289 = arith.cmpi eq, %get3A_286, %eq3A_288 : vector<16xi32>
      %jit3A_290 = arith.constant 1.000000e+00 : f32
      %jit3A_291 = arith.constant 0.000000e+00 : f32
      %broadcast_in_dim3A_292 = vector.broadcast %jit3A_290 : f32 to vector<16xf32>
      %broadcast_in_dim3A_293 = vector.broadcast %jit3A_291 : f32 to vector<16xf32>
      %select_n3A_294 = arith.select %eq3A_289, %broadcast_in_dim3A_292, %broadcast_in_dim3A_293 : vector<16xi1>, vector<16xf32>
      %swap3A_295 = arith.constant 160 : index
      %swap3A_296 = tpu.vector_load %arg10[%swap3A_295] {strides = array<i32>} : memref<400xf32, #tpu.memory_space<vmem>>, vector<16xf32>,
      tpu.vector_store %arg10[%swap3A_295], %select_n3A_294 {strides = array<i32>} : memref<400xf32, #tpu.memory_space<vmem>>, vector<16xf32>,
      %jit3A_297 = arith.constant 1 : i32
      %jit3A_298 = arith.constant 0 : i32
      %broadcast_in_dim3A_299 = vector.broadcast %jit3A_297 : i32 to vector<16xi32>
      %broadcast_in_dim3A_300 = vector.broadcast %jit3A_298 : i32 to vector<16xi32>
      %select_n3A_301 = arith.select %eq3A_289, %broadcast_in_dim3A_299, %broadcast_in_dim3A_300 : vector<16xi1>, vector<16xi32>
      %reduce_sum3A_302 = arith.constant true
      %reduce_sum3A_303 = vector.broadcast %reduce_sum3A_302 : i1 to vector<16xi1>
      %reduce_sum3A_304 = tpu.scan <sum>, %select_n3A_301 masked %reduce_sum3A_303 : vector<16xi32>, vector<16xi1> -> vector<16xi32>
      %reduce_sum3A_305 = vector.extract %reduce_sum3A_304[15] : i32 from vector<16xi32>
      %add3A_306 = arith.addi %add3A_280, %reduce_sum3A_305 : i32
      %mul3A_307 = arith.constant 400 : i32
      %mul3A_308 = arith.muli %scan3A_24, %mul3A_307 : i32
      %add3A_309 = arith.constant 176 : i32
      %add3A_310 = arith.addi %mul3A_308, %add3A_309 : i32
      %get3A_311 = arith.index_cast %add3A_310 : i32 to index
      %get3A_312 = tpu.vector_load %arg7[%get3A_311] {strides = array<i32>} : memref<10000xi32, #tpu.memory_space<vmem>>, vector<16xi32>,
      %eq3A_313 = arith.constant 0 : i32
      %eq3A_314 = vector.broadcast %eq3A_313 : i32 to vector<16xi32>
      %eq3A_315 = arith.cmpi eq, %get3A_312, %eq3A_314 : vector<16xi32>
      %jit3A_316 = arith.constant 1.000000e+00 : f32
      %jit3A_317 = arith.constant 0.000000e+00 : f32
      %broadcast_in_dim3A_318 = vector.broadcast %jit3A_316 : f32 to vector<16xf32>
      %broadcast_in_dim3A_319 = vector.broadcast %jit3A_317 : f32 to vector<16xf32>
      %select_n3A_320 = arith.select %eq3A_315, %broadcast_in_dim3A_318, %broadcast_in_dim3A_319 : vector<16xi1>, vector<16xf32>
      %swap3A_321 = arith.constant 176 : index
      %swap3A_322 = tpu.vector_load %arg10[%swap3A_321] {strides = array<i32>} : memref<400xf32, #tpu.memory_space<vmem>>, vector<16xf32>,
      tpu.vector_store %arg10[%swap3A_321], %select_n3A_320 {strides = array<i32>} : memref<400xf32, #tpu.memory_space<vmem>>, vector<16xf32>,
      %jit3A_323 = arith.constant 1 : i32
      %jit3A_324 = arith.constant 0 : i32
      %broadcast_in_dim3A_325 = vector.broadcast %jit3A_323 : i32 to vector<16xi32>
      %broadcast_in_dim3A_326 = vector.broadcast %jit3A_324 : i32 to vector<16xi32>
      %select_n3A_327 = arith.select %eq3A_315, %broadcast_in_dim3A_325, %broadcast_in_dim3A_326 : vector<16xi1>, vector<16xi32>
      %reduce_sum3A_328 = arith.constant true
      %reduce_sum3A_329 = vector.broadcast %reduce_sum3A_328 : i1 to vector<16xi1>
      %reduce_sum3A_330 = tpu.scan <sum>, %select_n3A_327 masked %reduce_sum3A_329 : vector<16xi32>, vector<16xi1> -> vector<16xi32>
      %reduce_sum3A_331 = vector.extract %reduce_sum3A_330[15] : i32 from vector<16xi32>
      %add3A_332 = arith.addi %add3A_306, %reduce_sum3A_331 : i32
      %mul3A_333 = arith.constant 400 : i32
      %mul3A_334 = arith.muli %scan3A_24, %mul3A_333 : i32
      %add3A_335 = arith.constant 192 : i32
      %add3A_336 = arith.addi %mul3A_334, %add3A_335 : i32
      %get3A_337 = arith.index_cast %add3A_336 : i32 to index
      %get3A_338 = tpu.vector_load %arg7[%get3A_337] {strides = array<i32>} : memref<10000xi32, #tpu.memory_space<vmem>>, vector<16xi32>,
      %eq3A_339 = arith.constant 0 : i32
      %eq3A_340 = vector.broadcast %eq3A_339 : i32 to vector<16xi32>
      %eq3A_341 = arith.cmpi eq, %get3A_338, %eq3A_340 : vector<16xi32>
      %jit3A_342 = arith.constant 1.000000e+00 : f32
      %jit3A_343 = arith.constant 0.000000e+00 : f32
      %broadcast_in_dim3A_344 = vector.broadcast %jit3A_342 : f32 to vector<16xf32>
      %broadcast_in_dim3A_345 = vector.broadcast %jit3A_343 : f32 to vector<16xf32>
      %select_n3A_346 = arith.select %eq3A_341, %broadcast_in_dim3A_344, %broadcast_in_dim3A_345 : vector<16xi1>, vector<16xf32>
      %swap3A_347 = arith.constant 192 : index
      %swap3A_348 = tpu.vector_load %arg10[%swap3A_347] {strides = array<i32>} : memref<400xf32, #tpu.memory_space<vmem>>, vector<16xf32>,
      tpu.vector_store %arg10[%swap3A_347], %select_n3A_346 {strides = array<i32>} : memref<400xf32, #tpu.memory_space<vmem>>, vector<16xf32>,
      %jit3A_349 = arith.constant 1 : i32
      %jit3A_350 = arith.constant 0 : i32
      %broadcast_in_dim3A_351 = vector.broadcast %jit3A_349 : i32 to vector<16xi32>
      %broadcast_in_dim3A_352 = vector.broadcast %jit3A_350 : i32 to vector<16xi32>
      %select_n3A_353 = arith.select %eq3A_341, %broadcast_in_dim3A_351, %broadcast_in_dim3A_352 : vector<16xi1>, vector<16xi32>
      %reduce_sum3A_354 = arith.constant true
      %reduce_sum3A_355 = vector.broadcast %reduce_sum3A_354 : i1 to vector<16xi1>
      %reduce_sum3A_356 = tpu.scan <sum>, %select_n3A_353 masked %reduce_sum3A_355 : vector<16xi32>, vector<16xi1> -> vector<16xi32>
      %reduce_sum3A_357 = vector.extract %reduce_sum3A_356[15] : i32 from vector<16xi32>
      %add3A_358 = arith.addi %add3A_332, %reduce_sum3A_357 : i32
      %mul3A_359 = arith.constant 400 : i32
      %mul3A_360 = arith.muli %scan3A_24, %mul3A_359 : i32
      %add3A_361 = arith.constant 208 : i32
      %add3A_362 = arith.addi %mul3A_360, %add3A_361 : i32
      %get3A_363 = arith.index_cast %add3A_362 : i32 to index
      %get3A_364 = tpu.vector_load %arg7[%get3A_363] {strides = array<i32>} : memref<10000xi32, #tpu.memory_space<vmem>>, vector<16xi32>,
      %eq3A_365 = arith.constant 0 : i32
      %eq3A_366 = vector.broadcast %eq3A_365 : i32 to vector<16xi32>
      %eq3A_367 = arith.cmpi eq, %get3A_364, %eq3A_366 : vector<16xi32>
      %jit3A_368 = arith.constant 1.000000e+00 : f32
      %jit3A_369 = arith.constant 0.000000e+00 : f32
      %broadcast_in_dim3A_370 = vector.broadcast %jit3A_368 : f32 to vector<16xf32>
      %broadcast_in_dim3A_371 = vector.broadcast %jit3A_369 : f32 to vector<16xf32>
      %select_n3A_372 = arith.select %eq3A_367, %broadcast_in_dim3A_370, %broadcast_in_dim3A_371 : vector<16xi1>, vector<16xf32>
      %swap3A_373 = arith.constant 208 : index
      %swap3A_374 = tpu.vector_load %arg10[%swap3A_373] {strides = array<i32>} : memref<400xf32, #tpu.memory_space<vmem>>, vector<16xf32>,
      tpu.vector_store %arg10[%swap3A_373], %select_n3A_372 {strides = array<i32>} : memref<400xf32, #tpu.memory_space<vmem>>, vector<16xf32>,
      %jit3A_375 = arith.constant 1 : i32
      %jit3A_376 = arith.constant 0 : i32
      %broadcast_in_dim3A_377 = vector.broadcast %jit3A_375 : i32 to vector<16xi32>
      %broadcast_in_dim3A_378 = vector.broadcast %jit3A_376 : i32 to vector<16xi32>
      %select_n3A_379 = arith.select %eq3A_367, %broadcast_in_dim3A_377, %broadcast_in_dim3A_378 : vector<16xi1>, vector<16xi32>
      %reduce_sum3A_380 = arith.constant true
      %reduce_sum3A_381 = vector.broadcast %reduce_sum3A_380 : i1 to vector<16xi1>
      %reduce_sum3A_382 = tpu.scan <sum>, %select_n3A_379 masked %reduce_sum3A_381 : vector<16xi32>, vector<16xi1> -> vector<16xi32>
      %reduce_sum3A_383 = vector.extract %reduce_sum3A_382[15] : i32 from vector<16xi32>
      %add3A_384 = arith.addi %add3A_358, %reduce_sum3A_383 : i32
      %mul3A_385 = arith.constant 400 : i32
      %mul3A_386 = arith.muli %scan3A_24, %mul3A_385 : i32
      %add3A_387 = arith.constant 224 : i32
      %add3A_388 = arith.addi %mul3A_386, %add3A_387 : i32
      %get3A_389 = arith.index_cast %add3A_388 : i32 to index
      %get3A_390 = tpu.vector_load %arg7[%get3A_389] {strides = array<i32>} : memref<10000xi32, #tpu.memory_space<vmem>>, vector<16xi32>,
      %eq3A_391 = arith.constant 0 : i32
      %eq3A_392 = vector.broadcast %eq3A_391 : i32 to vector<16xi32>
      %eq3A_393 = arith.cmpi eq, %get3A_390, %eq3A_392 : vector<16xi32>
      %jit3A_394 = arith.constant 1.000000e+00 : f32
      %jit3A_395 = arith.constant 0.000000e+00 : f32
      %broadcast_in_dim3A_396 = vector.broadcast %jit3A_394 : f32 to vector<16xf32>
      %broadcast_in_dim3A_397 = vector.broadcast %jit3A_395 : f32 to vector<16xf32>
      %select_n3A_398 = arith.select %eq3A_393, %broadcast_in_dim3A_396, %broadcast_in_dim3A_397 : vector<16xi1>, vector<16xf32>
      %swap3A_399 = arith.constant 224 : index
      %swap3A_400 = tpu.vector_load %arg10[%swap3A_399] {strides = array<i32>} : memref<400xf32, #tpu.memory_space<vmem>>, vector<16xf32>,
      tpu.vector_store %arg10[%swap3A_399], %select_n3A_398 {strides = array<i32>} : memref<400xf32, #tpu.memory_space<vmem>>, vector<16xf32>,
      %jit3A_401 = arith.constant 1 : i32
      %jit3A_402 = arith.constant 0 : i32
      %broadcast_in_dim3A_403 = vector.broadcast %jit3A_401 : i32 to vector<16xi32>
      %broadcast_in_dim3A_404 = vector.broadcast %jit3A_402 : i32 to vector<16xi32>
      %select_n3A_405 = arith.select %eq3A_393, %broadcast_in_dim3A_403, %broadcast_in_dim3A_404 : vector<16xi1>, vector<16xi32>
      %reduce_sum3A_406 = arith.constant true
      %reduce_sum3A_407 = vector.broadcast %reduce_sum3A_406 : i1 to vector<16xi1>
      %reduce_sum3A_408 = tpu.scan <sum>, %select_n3A_405 masked %reduce_sum3A_407 : vector<16xi32>, vector<16xi1> -> vector<16xi32>
      %reduce_sum3A_409 = vector.extract %reduce_sum3A_408[15] : i32 from vector<16xi32>
      %add3A_410 = arith.addi %add3A_384, %reduce_sum3A_409 : i32
      %mul3A_411 = arith.constant 400 : i32
      %mul3A_412 = arith.muli %scan3A_24, %mul3A_411 : i32
      %add3A_413 = arith.constant 240 : i32
      %add3A_414 = arith.addi %mul3A_412, %add3A_413 : i32
      %get3A_415 = arith.index_cast %add3A_414 : i32 to index
      %get3A_416 = tpu.vector_load %arg7[%get3A_415] {strides = array<i32>} : memref<10000xi32, #tpu.memory_space<vmem>>, vector<16xi32>,
      %eq3A_417 = arith.constant 0 : i32
      %eq3A_418 = vector.broadcast %eq3A_417 : i32 to vector<16xi32>
      %eq3A_419 = arith.cmpi eq, %get3A_416, %eq3A_418 : vector<16xi32>
      %jit3A_420 = arith.constant 1.000000e+00 : f32
      %jit3A_421 = arith.constant 0.000000e+00 : f32
      %broadcast_in_dim3A_422 = vector.broadcast %jit3A_420 : f32 to vector<16xf32>
      %broadcast_in_dim3A_423 = vector.broadcast %jit3A_421 : f32 to vector<16xf32>
      %select_n3A_424 = arith.select %eq3A_419, %broadcast_in_dim3A_422, %broadcast_in_dim3A_423 : vector<16xi1>, vector<16xf32>
      %swap3A_425 = arith.constant 240 : index
      %swap3A_426 = tpu.vector_load %arg10[%swap3A_425] {strides = array<i32>} : memref<400xf32, #tpu.memory_space<vmem>>, vector<16xf32>,
      tpu.vector_store %arg10[%swap3A_425], %select_n3A_424 {strides = array<i32>} : memref<400xf32, #tpu.memory_space<vmem>>, vector<16xf32>,
      %jit3A_427 = arith.constant 1 : i32
      %jit3A_428 = arith.constant 0 : i32
      %broadcast_in_dim3A_429 = vector.broadcast %jit3A_427 : i32 to vector<16xi32>
      %broadcast_in_dim3A_430 = vector.broadcast %jit3A_428 : i32 to vector<16xi32>
      %select_n3A_431 = arith.select %eq3A_419, %broadcast_in_dim3A_429, %broadcast_in_dim3A_430 : vector<16xi1>, vector<16xi32>
      %reduce_sum3A_432 = arith.constant true
      %reduce_sum3A_433 = vector.broadcast %reduce_sum3A_432 : i1 to vector<16xi1>
      %reduce_sum3A_434 = tpu.scan <sum>, %select_n3A_431 masked %reduce_sum3A_433 : vector<16xi32>, vector<16xi1> -> vector<16xi32>
      %reduce_sum3A_435 = vector.extract %reduce_sum3A_434[15] : i32 from vector<16xi32>
      %add3A_436 = arith.addi %add3A_410, %reduce_sum3A_435 : i32
      %mul3A_437 = arith.constant 400 : i32
      %mul3A_438 = arith.muli %scan3A_24, %mul3A_437 : i32
      %add3A_439 = arith.constant 256 : i32
      %add3A_440 = arith.addi %mul3A_438, %add3A_439 : i32
      %get3A_441 = arith.index_cast %add3A_440 : i32 to index
      %get3A_442 = tpu.vector_load %arg7[%get3A_441] {strides = array<i32>} : memref<10000xi32, #tpu.memory_space<vmem>>, vector<16xi32>,
      %eq3A_443 = arith.constant 0 : i32
      %eq3A_444 = vector.broadcast %eq3A_443 : i32 to vector<16xi32>
      %eq3A_445 = arith.cmpi eq, %get3A_442, %eq3A_444 : vector<16xi32>
      %jit3A_446 = arith.constant 1.000000e+00 : f32
      %jit3A_447 = arith.constant 0.000000e+00 : f32
      %broadcast_in_dim3A_448 = vector.broadcast %jit3A_446 : f32 to vector<16xf32>
      %broadcast_in_dim3A_449 = vector.broadcast %jit3A_447 : f32 to vector<16xf32>
      %select_n3A_450 = arith.select %eq3A_445, %broadcast_in_dim3A_448, %broadcast_in_dim3A_449 : vector<16xi1>, vector<16xf32>
      %swap3A_451 = arith.constant 256 : index
      %swap3A_452 = tpu.vector_load %arg10[%swap3A_451] {strides = array<i32>} : memref<400xf32, #tpu.memory_space<vmem>>, vector<16xf32>,
      tpu.vector_store %arg10[%swap3A_451], %select_n3A_450 {strides = array<i32>} : memref<400xf32, #tpu.memory_space<vmem>>, vector<16xf32>,
      %jit3A_453 = arith.constant 1 : i32
      %jit3A_454 = arith.constant 0 : i32
      %broadcast_in_dim3A_455 = vector.broadcast %jit3A_453 : i32 to vector<16xi32>
      %broadcast_in_dim3A_456 = vector.broadcast %jit3A_454 : i32 to vector<16xi32>
      %select_n3A_457 = arith.select %eq3A_445, %broadcast_in_dim3A_455, %broadcast_in_dim3A_456 : vector<16xi1>, vector<16xi32>
      %reduce_sum3A_458 = arith.constant true
      %reduce_sum3A_459 = vector.broadcast %reduce_sum3A_458 : i1 to vector<16xi1>
      %reduce_sum3A_460 = tpu.scan <sum>, %select_n3A_457 masked %reduce_sum3A_459 : vector<16xi32>, vector<16xi1> -> vector<16xi32>
      %reduce_sum3A_461 = vector.extract %reduce_sum3A_460[15] : i32 from vector<16xi32>
      %add3A_462 = arith.addi %add3A_436, %reduce_sum3A_461 : i32
      %mul3A_463 = arith.constant 400 : i32
      %mul3A_464 = arith.muli %scan3A_24, %mul3A_463 : i32
      %add3A_465 = arith.constant 272 : i32
      %add3A_466 = arith.addi %mul3A_464, %add3A_465 : i32
      %get3A_467 = arith.index_cast %add3A_466 : i32 to index
      %get3A_468 = tpu.vector_load %arg7[%get3A_467] {strides = array<i32>} : memref<10000xi32, #tpu.memory_space<vmem>>, vector<16xi32>,
      %eq3A_469 = arith.constant 0 : i32
      %eq3A_470 = vector.broadcast %eq3A_469 : i32 to vector<16xi32>
      %eq3A_471 = arith.cmpi eq, %get3A_468, %eq3A_470 : vector<16xi32>
      %jit3A_472 = arith.constant 1.000000e+00 : f32
      %jit3A_473 = arith.constant 0.000000e+00 : f32
      %broadcast_in_dim3A_474 = vector.broadcast %jit3A_472 : f32 to vector<16xf32>
      %broadcast_in_dim3A_475 = vector.broadcast %jit3A_473 : f32 to vector<16xf32>
      %select_n3A_476 = arith.select %eq3A_471, %broadcast_in_dim3A_474, %broadcast_in_dim3A_475 : vector<16xi1>, vector<16xf32>
      %swap3A_477 = arith.constant 272 : index
      %swap3A_478 = tpu.vector_load %arg10[%swap3A_477] {strides = array<i32>} : memref<400xf32, #tpu.memory_space<vmem>>, vector<16xf32>,
      tpu.vector_store %arg10[%swap3A_477], %select_n3A_476 {strides = array<i32>} : memref<400xf32, #tpu.memory_space<vmem>>, vector<16xf32>,
      %jit3A_479 = arith.constant 1 : i32
      %jit3A_480 = arith.constant 0 : i32
      %broadcast_in_dim3A_481 = vector.broadcast %jit3A_479 : i32 to vector<16xi32>
      %broadcast_in_dim3A_482 = vector.broadcast %jit3A_480 : i32 to vector<16xi32>
      %select_n3A_483 = arith.select %eq3A_471, %broadcast_in_dim3A_481, %broadcast_in_dim3A_482 : vector<16xi1>, vector<16xi32>
      %reduce_sum3A_484 = arith.constant true
      %reduce_sum3A_485 = vector.broadcast %reduce_sum3A_484 : i1 to vector<16xi1>
      %reduce_sum3A_486 = tpu.scan <sum>, %select_n3A_483 masked %reduce_sum3A_485 : vector<16xi32>, vector<16xi1> -> vector<16xi32>
      %reduce_sum3A_487 = vector.extract %reduce_sum3A_486[15] : i32 from vector<16xi32>
      %add3A_488 = arith.addi %add3A_462, %reduce_sum3A_487 : i32
      %mul3A_489 = arith.constant 400 : i32
      %mul3A_490 = arith.muli %scan3A_24, %mul3A_489 : i32
      %add3A_491 = arith.constant 288 : i32
      %add3A_492 = arith.addi %mul3A_490, %add3A_491 : i32
      %get3A_493 = arith.index_cast %add3A_492 : i32 to index
      %get3A_494 = tpu.vector_load %arg7[%get3A_493] {strides = array<i32>} : memref<10000xi32, #tpu.memory_space<vmem>>, vector<16xi32>,
      %eq3A_495 = arith.constant 0 : i32
      %eq3A_496 = vector.broadcast %eq3A_495 : i32 to vector<16xi32>
      %eq3A_497 = arith.cmpi eq, %get3A_494, %eq3A_496 : vector<16xi32>
      %jit3A_498 = arith.constant 1.000000e+00 : f32
      %jit3A_499 = arith.constant 0.000000e+00 : f32
      %broadcast_in_dim3A_500 = vector.broadcast %jit3A_498 : f32 to vector<16xf32>
      %broadcast_in_dim3A_501 = vector.broadcast %jit3A_499 : f32 to vector<16xf32>
      %select_n3A_502 = arith.select %eq3A_497, %broadcast_in_dim3A_500, %broadcast_in_dim3A_501 : vector<16xi1>, vector<16xf32>
      %swap3A_503 = arith.constant 288 : index
      %swap3A_504 = tpu.vector_load %arg10[%swap3A_503] {strides = array<i32>} : memref<400xf32, #tpu.memory_space<vmem>>, vector<16xf32>,
      tpu.vector_store %arg10[%swap3A_503], %select_n3A_502 {strides = array<i32>} : memref<400xf32, #tpu.memory_space<vmem>>, vector<16xf32>,
      %jit3A_505 = arith.constant 1 : i32
      %jit3A_506 = arith.constant 0 : i32
      %broadcast_in_dim3A_507 = vector.broadcast %jit3A_505 : i32 to vector<16xi32>
      %broadcast_in_dim3A_508 = vector.broadcast %jit3A_506 : i32 to vector<16xi32>
      %select_n3A_509 = arith.select %eq3A_497, %broadcast_in_dim3A_507, %broadcast_in_dim3A_508 : vector<16xi1>, vector<16xi32>
      %reduce_sum3A_510 = arith.constant true
      %reduce_sum3A_511 = vector.broadcast %reduce_sum3A_510 : i1 to vector<16xi1>
      %reduce_sum3A_512 = tpu.scan <sum>, %select_n3A_509 masked %reduce_sum3A_511 : vector<16xi32>, vector<16xi1> -> vector<16xi32>
      %reduce_sum3A_513 = vector.extract %reduce_sum3A_512[15] : i32 from vector<16xi32>
      %add3A_514 = arith.addi %add3A_488, %reduce_sum3A_513 : i32
      %mul3A_515 = arith.constant 400 : i32
      %mul3A_516 = arith.muli %scan3A_24, %mul3A_515 : i32
      %add3A_517 = arith.constant 304 : i32
      %add3A_518 = arith.addi %mul3A_516, %add3A_517 : i32
      %get3A_519 = arith.index_cast %add3A_518 : i32 to index
      %get3A_520 = tpu.vector_load %arg7[%get3A_519] {strides = array<i32>} : memref<10000xi32, #tpu.memory_space<vmem>>, vector<16xi32>,
      %eq3A_521 = arith.constant 0 : i32
      %eq3A_522 = vector.broadcast %eq3A_521 : i32 to vector<16xi32>
      %eq3A_523 = arith.cmpi eq, %get3A_520, %eq3A_522 : vector<16xi32>
      %jit3A_524 = arith.constant 1.000000e+00 : f32
      %jit3A_525 = arith.constant 0.000000e+00 : f32
      %broadcast_in_dim3A_526 = vector.broadcast %jit3A_524 : f32 to vector<16xf32>
      %broadcast_in_dim3A_527 = vector.broadcast %jit3A_525 : f32 to vector<16xf32>
      %select_n3A_528 = arith.select %eq3A_523, %broadcast_in_dim3A_526, %broadcast_in_dim3A_527 : vector<16xi1>, vector<16xf32>
      %swap3A_529 = arith.constant 304 : index
      %swap3A_530 = tpu.vector_load %arg10[%swap3A_529] {strides = array<i32>} : memref<400xf32, #tpu.memory_space<vmem>>, vector<16xf32>,
      tpu.vector_store %arg10[%swap3A_529], %select_n3A_528 {strides = array<i32>} : memref<400xf32, #tpu.memory_space<vmem>>, vector<16xf32>,
      %jit3A_531 = arith.constant 1 : i32
      %jit3A_532 = arith.constant 0 : i32
      %broadcast_in_dim3A_533 = vector.broadcast %jit3A_531 : i32 to vector<16xi32>
      %broadcast_in_dim3A_534 = vector.broadcast %jit3A_532 : i32 to vector<16xi32>
      %select_n3A_535 = arith.select %eq3A_523, %broadcast_in_dim3A_533, %broadcast_in_dim3A_534 : vector<16xi1>, vector<16xi32>
      %reduce_sum3A_536 = arith.constant true
      %reduce_sum3A_537 = vector.broadcast %reduce_sum3A_536 : i1 to vector<16xi1>
      %reduce_sum3A_538 = tpu.scan <sum>, %select_n3A_535 masked %reduce_sum3A_537 : vector<16xi32>, vector<16xi1> -> vector<16xi32>
      %reduce_sum3A_539 = vector.extract %reduce_sum3A_538[15] : i32 from vector<16xi32>
      %add3A_540 = arith.addi %add3A_514, %reduce_sum3A_539 : i32
      %mul3A_541 = arith.constant 400 : i32
      %mul3A_542 = arith.muli %scan3A_24, %mul3A_541 : i32
      %add3A_543 = arith.constant 320 : i32
      %add3A_544 = arith.addi %mul3A_542, %add3A_543 : i32
      %get3A_545 = arith.index_cast %add3A_544 : i32 to index
      %get3A_546 = tpu.vector_load %arg7[%get3A_545] {strides = array<i32>} : memref<10000xi32, #tpu.memory_space<vmem>>, vector<16xi32>,
      %eq3A_547 = arith.constant 0 : i32
      %eq3A_548 = vector.broadcast %eq3A_547 : i32 to vector<16xi32>
      %eq3A_549 = arith.cmpi eq, %get3A_546, %eq3A_548 : vector<16xi32>
      %jit3A_550 = arith.constant 1.000000e+00 : f32
      %jit3A_551 = arith.constant 0.000000e+00 : f32
      %broadcast_in_dim3A_552 = vector.broadcast %jit3A_550 : f32 to vector<16xf32>
      %broadcast_in_dim3A_553 = vector.broadcast %jit3A_551 : f32 to vector<16xf32>
      %select_n3A_554 = arith.select %eq3A_549, %broadcast_in_dim3A_552, %broadcast_in_dim3A_553 : vector<16xi1>, vector<16xf32>
      %swap3A_555 = arith.constant 320 : index
      %swap3A_556 = tpu.vector_load %arg10[%swap3A_555] {strides = array<i32>} : memref<400xf32, #tpu.memory_space<vmem>>, vector<16xf32>,
      tpu.vector_store %arg10[%swap3A_555], %select_n3A_554 {strides = array<i32>} : memref<400xf32, #tpu.memory_space<vmem>>, vector<16xf32>,
      %jit3A_557 = arith.constant 1 : i32
      %jit3A_558 = arith.constant 0 : i32
      %broadcast_in_dim3A_559 = vector.broadcast %jit3A_557 : i32 to vector<16xi32>
      %broadcast_in_dim3A_560 = vector.broadcast %jit3A_558 : i32 to vector<16xi32>
      %select_n3A_561 = arith.select %eq3A_549, %broadcast_in_dim3A_559, %broadcast_in_dim3A_560 : vector<16xi1>, vector<16xi32>
      %reduce_sum3A_562 = arith.constant true
      %reduce_sum3A_563 = vector.broadcast %reduce_sum3A_562 : i1 to vector<16xi1>
      %reduce_sum3A_564 = tpu.scan <sum>, %select_n3A_561 masked %reduce_sum3A_563 : vector<16xi32>, vector<16xi1> -> vector<16xi32>
      %reduce_sum3A_565 = vector.extract %reduce_sum3A_564[15] : i32 from vector<16xi32>
      %add3A_566 = arith.addi %add3A_540, %reduce_sum3A_565 : i32
      %mul3A_567 = arith.constant 400 : i32
      %mul3A_568 = arith.muli %scan3A_24, %mul3A_567 : i32
      %add3A_569 = arith.constant 336 : i32
      %add3A_570 = arith.addi %mul3A_568, %add3A_569 : i32
      %get3A_571 = arith.index_cast %add3A_570 : i32 to index
      %get3A_572 = tpu.vector_load %arg7[%get3A_571] {strides = array<i32>} : memref<10000xi32, #tpu.memory_space<vmem>>, vector<16xi32>,
      %eq3A_573 = arith.constant 0 : i32
      %eq3A_574 = vector.broadcast %eq3A_573 : i32 to vector<16xi32>
      %eq3A_575 = arith.cmpi eq, %get3A_572, %eq3A_574 : vector<16xi32>
      %jit3A_576 = arith.constant 1.000000e+00 : f32
      %jit3A_577 = arith.constant 0.000000e+00 : f32
      %broadcast_in_dim3A_578 = vector.broadcast %jit3A_576 : f32 to vector<16xf32>
      %broadcast_in_dim3A_579 = vector.broadcast %jit3A_577 : f32 to vector<16xf32>
      %select_n3A_580 = arith.select %eq3A_575, %broadcast_in_dim3A_578, %broadcast_in_dim3A_579 : vector<16xi1>, vector<16xf32>
      %swap3A_581 = arith.constant 336 : index
      %swap3A_582 = tpu.vector_load %arg10[%swap3A_581] {strides = array<i32>} : memref<400xf32, #tpu.memory_space<vmem>>, vector<16xf32>,
      tpu.vector_store %arg10[%swap3A_581], %select_n3A_580 {strides = array<i32>} : memref<400xf32, #tpu.memory_space<vmem>>, vector<16xf32>,
      %jit3A_583 = arith.constant 1 : i32
      %jit3A_584 = arith.constant 0 : i32
      %broadcast_in_dim3A_585 = vector.broadcast %jit3A_583 : i32 to vector<16xi32>
      %broadcast_in_dim3A_586 = vector.broadcast %jit3A_584 : i32 to vector<16xi32>
      %select_n3A_587 = arith.select %eq3A_575, %broadcast_in_dim3A_585, %broadcast_in_dim3A_586 : vector<16xi1>, vector<16xi32>
      %reduce_sum3A_588 = arith.constant true
      %reduce_sum3A_589 = vector.broadcast %reduce_sum3A_588 : i1 to vector<16xi1>
      %reduce_sum3A_590 = tpu.scan <sum>, %select_n3A_587 masked %reduce_sum3A_589 : vector<16xi32>, vector<16xi1> -> vector<16xi32>
      %reduce_sum3A_591 = vector.extract %reduce_sum3A_590[15] : i32 from vector<16xi32>
      %add3A_592 = arith.addi %add3A_566, %reduce_sum3A_591 : i32
      %mul3A_593 = arith.constant 400 : i32
      %mul3A_594 = arith.muli %scan3A_24, %mul3A_593 : i32
      %add3A_595 = arith.constant 352 : i32
      %add3A_596 = arith.addi %mul3A_594, %add3A_595 : i32
      %get3A_597 = arith.index_cast %add3A_596 : i32 to index
      %get3A_598 = tpu.vector_load %arg7[%get3A_597] {strides = array<i32>} : memref<10000xi32, #tpu.memory_space<vmem>>, vector<16xi32>,
      %eq3A_599 = arith.constant 0 : i32
      %eq3A_600 = vector.broadcast %eq3A_599 : i32 to vector<16xi32>
      %eq3A_601 = arith.cmpi eq, %get3A_598, %eq3A_600 : vector<16xi32>
      %jit3A_602 = arith.constant 1.000000e+00 : f32
      %jit3A_603 = arith.constant 0.000000e+00 : f32
      %broadcast_in_dim3A_604 = vector.broadcast %jit3A_602 : f32 to vector<16xf32>
      %broadcast_in_dim3A_605 = vector.broadcast %jit3A_603 : f32 to vector<16xf32>
      %select_n3A_606 = arith.select %eq3A_601, %broadcast_in_dim3A_604, %broadcast_in_dim3A_605 : vector<16xi1>, vector<16xf32>
      %swap3A_607 = arith.constant 352 : index
      %swap3A_608 = tpu.vector_load %arg10[%swap3A_607] {strides = array<i32>} : memref<400xf32, #tpu.memory_space<vmem>>, vector<16xf32>,
      tpu.vector_store %arg10[%swap3A_607], %select_n3A_606 {strides = array<i32>} : memref<400xf32, #tpu.memory_space<vmem>>, vector<16xf32>,
      %jit3A_609 = arith.constant 1 : i32
      %jit3A_610 = arith.constant 0 : i32
      %broadcast_in_dim3A_611 = vector.broadcast %jit3A_609 : i32 to vector<16xi32>
      %broadcast_in_dim3A_612 = vector.broadcast %jit3A_610 : i32 to vector<16xi32>
      %select_n3A_613 = arith.select %eq3A_601, %broadcast_in_dim3A_611, %broadcast_in_dim3A_612 : vector<16xi1>, vector<16xi32>
      %reduce_sum3A_614 = arith.constant true
      %reduce_sum3A_615 = vector.broadcast %reduce_sum3A_614 : i1 to vector<16xi1>
      %reduce_sum3A_616 = tpu.scan <sum>, %select_n3A_613 masked %reduce_sum3A_615 : vector<16xi32>, vector<16xi1> -> vector<16xi32>
      %reduce_sum3A_617 = vector.extract %reduce_sum3A_616[15] : i32 from vector<16xi32>
      %add3A_618 = arith.addi %add3A_592, %reduce_sum3A_617 : i32
      %mul3A_619 = arith.constant 400 : i32
      %mul3A_620 = arith.muli %scan3A_24, %mul3A_619 : i32
      %add3A_621 = arith.constant 368 : i32
      %add3A_622 = arith.addi %mul3A_620, %add3A_621 : i32
      %get3A_623 = arith.index_cast %add3A_622 : i32 to index
      %get3A_624 = tpu.vector_load %arg7[%get3A_623] {strides = array<i32>} : memref<10000xi32, #tpu.memory_space<vmem>>, vector<16xi32>,
      %eq3A_625 = arith.constant 0 : i32
      %eq3A_626 = vector.broadcast %eq3A_625 : i32 to vector<16xi32>
      %eq3A_627 = arith.cmpi eq, %get3A_624, %eq3A_626 : vector<16xi32>
      %jit3A_628 = arith.constant 1.000000e+00 : f32
      %jit3A_629 = arith.constant 0.000000e+00 : f32
      %broadcast_in_dim3A_630 = vector.broadcast %jit3A_628 : f32 to vector<16xf32>
      %broadcast_in_dim3A_631 = vector.broadcast %jit3A_629 : f32 to vector<16xf32>
      %select_n3A_632 = arith.select %eq3A_627, %broadcast_in_dim3A_630, %broadcast_in_dim3A_631 : vector<16xi1>, vector<16xf32>
      %swap3A_633 = arith.constant 368 : index
      %swap3A_634 = tpu.vector_load %arg10[%swap3A_633] {strides = array<i32>} : memref<400xf32, #tpu.memory_space<vmem>>, vector<16xf32>,
      tpu.vector_store %arg10[%swap3A_633], %select_n3A_632 {strides = array<i32>} : memref<400xf32, #tpu.memory_space<vmem>>, vector<16xf32>,
      %jit3A_635 = arith.constant 1 : i32
      %jit3A_636 = arith.constant 0 : i32
      %broadcast_in_dim3A_637 = vector.broadcast %jit3A_635 : i32 to vector<16xi32>
      %broadcast_in_dim3A_638 = vector.broadcast %jit3A_636 : i32 to vector<16xi32>
      %select_n3A_639 = arith.select %eq3A_627, %broadcast_in_dim3A_637, %broadcast_in_dim3A_638 : vector<16xi1>, vector<16xi32>
      %reduce_sum3A_640 = arith.constant true
      %reduce_sum3A_641 = vector.broadcast %reduce_sum3A_640 : i1 to vector<16xi1>
      %reduce_sum3A_642 = tpu.scan <sum>, %select_n3A_639 masked %reduce_sum3A_641 : vector<16xi32>, vector<16xi1> -> vector<16xi32>
      %reduce_sum3A_643 = vector.extract %reduce_sum3A_642[15] : i32 from vector<16xi32>
      %add3A_644 = arith.addi %add3A_618, %reduce_sum3A_643 : i32
      %mul3A_645 = arith.constant 400 : i32
      %mul3A_646 = arith.muli %scan3A_24, %mul3A_645 : i32
      %add3A_647 = arith.constant 384 : i32
      %add3A_648 = arith.addi %mul3A_646, %add3A_647 : i32
      %get3A_649 = arith.index_cast %add3A_648 : i32 to index
      %get3A_650 = tpu.vector_load %arg7[%get3A_649] {strides = array<i32>} : memref<10000xi32, #tpu.memory_space<vmem>>, vector<16xi32>,
      %eq3A_651 = arith.constant 0 : i32
      %eq3A_652 = vector.broadcast %eq3A_651 : i32 to vector<16xi32>
      %eq3A_653 = arith.cmpi eq, %get3A_650, %eq3A_652 : vector<16xi32>
      %jit3A_654 = arith.constant 1.000000e+00 : f32
      %jit3A_655 = arith.constant 0.000000e+00 : f32
      %broadcast_in_dim3A_656 = vector.broadcast %jit3A_654 : f32 to vector<16xf32>
      %broadcast_in_dim3A_657 = vector.broadcast %jit3A_655 : f32 to vector<16xf32>
      %select_n3A_658 = arith.select %eq3A_653, %broadcast_in_dim3A_656, %broadcast_in_dim3A_657 : vector<16xi1>, vector<16xf32>
      %swap3A_659 = arith.constant 384 : index
      %swap3A_660 = tpu.vector_load %arg10[%swap3A_659] {strides = array<i32>} : memref<400xf32, #tpu.memory_space<vmem>>, vector<16xf32>,
      tpu.vector_store %arg10[%swap3A_659], %select_n3A_658 {strides = array<i32>} : memref<400xf32, #tpu.memory_space<vmem>>, vector<16xf32>,
      %jit3A_661 = arith.constant 1 : i32
      %jit3A_662 = arith.constant 0 : i32
      %broadcast_in_dim3A_663 = vector.broadcast %jit3A_661 : i32 to vector<16xi32>
      %broadcast_in_dim3A_664 = vector.broadcast %jit3A_662 : i32 to vector<16xi32>
      %select_n3A_665 = arith.select %eq3A_653, %broadcast_in_dim3A_663, %broadcast_in_dim3A_664 : vector<16xi1>, vector<16xi32>
      %reduce_sum3A_666 = arith.constant true
      %reduce_sum3A_667 = vector.broadcast %reduce_sum3A_666 : i1 to vector<16xi1>
      %reduce_sum3A_668 = tpu.scan <sum>, %select_n3A_665 masked %reduce_sum3A_667 : vector<16xi32>, vector<16xi1> -> vector<16xi32>
      %reduce_sum3A_669 = vector.extract %reduce_sum3A_668[15] : i32 from vector<16xi32>
      %add3A_670 = arith.addi %add3A_644, %reduce_sum3A_669 : i32
      %gt3A = arith.constant 0 : i32
      %gt3A_671 = arith.cmpi sgt, %add3A_670, %gt3A : i32
      %convert_element_type3A = arith.extui %gt3A_671 : i1 to i32
      %cond3A = arith.constant 0 : i32
      %cond3A_672 = arith.cmpi ne, %convert_element_type3A, %cond3A : i32
      scf.if %cond3A_672 {
        %mul3A_673 = arith.constant 400 : i32
        %mul3A_674 = arith.muli %scan3A_24, %mul3A_673 : i32
        "tpu.region"() ({
          %run_scoped3A_675 = tpu.sem_alloc : memref<!tpu.dma_semaphore, #tpu.memory_space<semaphore_mem>>
          %dma_start3A = tpu.memref_slice %arg8[%mul3A_674] : memref<10000xi32, #tpu.memory_space<vmem>> -> memref<400xi32, #tpu.memory_space<vmem>>
          %dma_start3A_676 = arith.constant 0 : i32
          %dma_start3A_677 = tpu.memref_slice %arg12[%dma_start3A_676] : memref<10240xf32, #tpu.memory_space<vmem_shared>> -> memref<10240xf32, #tpu.memory_space<vmem_shared>>
          tpu.enqueue_indirect_dma source(%arg10 : memref<400xf32, #tpu.memory_space<vmem>>) target(%dma_start3A_677 : memref<10240xf32, #tpu.memory_space<vmem_shared>>) offsets(%dma_start3A : memref<400xi32, #tpu.memory_space<vmem>>) semaphore(%run_scoped3A_675 : memref<!tpu.dma_semaphore, #tpu.memory_space<semaphore_mem>>) {add = true}
          %dma_wait3A = tpu.memref_slice %arg8[%mul3A_674] : memref<10000xi32, #tpu.memory_space<vmem>> -> memref<400xi32, #tpu.memory_space<vmem>>
          %dma_wait3A_678 = arith.constant 0 : i32
          %dma_wait3A_679 = tpu.memref_slice %arg12[%dma_wait3A_678] : memref<10240xf32, #tpu.memory_space<vmem_shared>> -> memref<10240xf32, #tpu.memory_space<vmem_shared>>
          tpu.wait_indirect_dma semaphore(%run_scoped3A_675 : memref<!tpu.dma_semaphore, #tpu.memory_space<semaphore_mem>>) src(%arg10 : memref<400xf32, #tpu.memory_space<vmem>>) dst(%dma_wait3A_679 : memref<10240xf32, #tpu.memory_space<vmem_shared>>)
          tpu.yield
        }) : () -> ()
      } else {
      }
    }
    %scan3A_14 = arith.constant 25 : i32
    %barrier3A_15 = arith.constant 0 : index
    tpu.barrier barrier_id(%barrier3A_15)
    %mul3A_16 = arith.constant 640 : i32
    %mul3A_17 = arith.muli %arg1, %mul3A_16 : i32
    %mul3A_18 = arith.constant 640 : i32
    %mul3A_19 = arith.muli %arg1, %mul3A_18 : i32
    "tpu.region"() ({
      %run_scoped3A_24 = tpu.sem_alloc : memref<!tpu.dma_semaphore, #tpu.memory_space<semaphore_mem>>
      %dma_start3A = tpu.memref_slice %arg5[%arg0, %mul3A_19] : memref<2x10240xf32, #tpu.memory_space<hbm>> -> memref<1x640xf32, #tpu.memory_space<hbm>>
      %dma_start3A_25 = tpu.memref_squeeze %dma_start3A : memref<1x640xf32, #tpu.memory_space<hbm>> -> memref<640xf32, #tpu.memory_space<hbm>>
      %dma_start3A_26 = tpu.memref_slice %arg11[%mul3A_17] : memref<10240xf32, #tpu.memory_space<vmem_shared>> -> memref<640xf32, #tpu.memory_space<vmem_shared>>
      tpu.enqueue_dma source(%dma_start3A_26 : memref<640xf32, #tpu.memory_space<vmem_shared>>) target(%dma_start3A_25 : memref<640xf32, #tpu.memory_space<hbm>>) target_semaphore(%run_scoped3A_24 : memref<!tpu.dma_semaphore, #tpu.memory_space<semaphore_mem>>)
      %dma_wait3A = tpu.memref_slice %arg5[%arg0, %mul3A_19] : memref<2x10240xf32, #tpu.memory_space<hbm>> -> memref<1x640xf32, #tpu.memory_space<hbm>>
      %dma_wait3A_27 = tpu.memref_squeeze %dma_wait3A : memref<1x640xf32, #tpu.memory_space<hbm>> -> memref<640xf32, #tpu.memory_space<hbm>>
      %dma_wait3A_28 = tpu.memref_slice %arg11[%mul3A_17] : memref<10240xf32, #tpu.memory_space<vmem_shared>> -> memref<640xf32, #tpu.memory_space<vmem_shared>>
      tpu.wait_dma2 semaphore(%run_scoped3A_24 : memref<!tpu.dma_semaphore, #tpu.memory_space<semaphore_mem>>) src(%dma_wait3A_28 : memref<640xf32, #tpu.memory_space<vmem_shared>>) dst(%dma_wait3A_27 : memref<640xf32, #tpu.memory_space<hbm>>)
      tpu.yield
    }) : () -> ()
    %mul3A_20 = arith.constant 640 : i32
    %mul3A_21 = arith.muli %arg1, %mul3A_20 : i32
    %mul3A_22 = arith.constant 640 : i32
    %mul3A_23 = arith.muli %arg1, %mul3A_22 : i32
    "tpu.region"() ({
      %run_scoped3A_24 = tpu.sem_alloc : memref<!tpu.dma_semaphore, #tpu.memory_space<semaphore_mem>>
      %dma_start3A = tpu.memref_slice %arg6[%arg0, %mul3A_23] : memref<2x10240xf32, #tpu.memory_space<hbm>> -> memref<1x640xf32, #tpu.memory_space<hbm>>
      %dma_start3A_25 = tpu.memref_squeeze %dma_start3A : memref<1x640xf32, #tpu.memory_space<hbm>> -> memref<640xf32, #tpu.memory_space<hbm>>
      %dma_start3A_26 = tpu.memref_slice %arg12[%mul3A_21] : memref<10240xf32, #tpu.memory_space<vmem_shared>> -> memref<640xf32, #tpu.memory_space<vmem_shared>>
      tpu.enqueue_dma source(%dma_start3A_26 : memref<640xf32, #tpu.memory_space<vmem_shared>>) target(%dma_start3A_25 : memref<640xf32, #tpu.memory_space<hbm>>) target_semaphore(%run_scoped3A_24 : memref<!tpu.dma_semaphore, #tpu.memory_space<semaphore_mem>>)
      %dma_wait3A = tpu.memref_slice %arg6[%arg0, %mul3A_23] : memref<2x10240xf32, #tpu.memory_space<hbm>> -> memref<1x640xf32, #tpu.memory_space<hbm>>
      %dma_wait3A_27 = tpu.memref_squeeze %dma_wait3A : memref<1x640xf32, #tpu.memory_space<hbm>> -> memref<640xf32, #tpu.memory_space<hbm>>
      %dma_wait3A_28 = tpu.memref_slice %arg12[%mul3A_21] : memref<10240xf32, #tpu.memory_space<vmem_shared>> -> memref<640xf32, #tpu.memory_space<vmem_shared>>
      tpu.wait_dma2 semaphore(%run_scoped3A_24 : memref<!tpu.dma_semaphore, #tpu.memory_space<semaphore_mem>>) src(%dma_wait3A_28 : memref<640xf32, #tpu.memory_space<vmem_shared>>) dst(%dma_wait3A_27 : memref<640xf32, #tpu.memory_space<hbm>>)
      tpu.yield
    }) : () -> ()
    return
  }
}

module attributes {stable_mosaic.version = 14 : i64} {
  func.func @_tc_h(%arg0: memref<10000x128xf32, #tpu.memory_space<vmem>>, %arg1: memref<128x32xf32, #tpu.memory_space<vmem>>, %arg2: memref<10000x32xf32, #tpu.memory_space<vmem>>) attributes {dimension_semantics = [], scalar_prefetch = 0 : i64, scratch_operands = 0 : i64, tpu.core_type = #tpu.core_type<tc>} {
    %get3A = arith.constant 0 : index
    %get3A_0 = arith.constant 0 : index
    %get3A_1 = vector.load %arg0[%get3A, %get3A_0] : memref<10000x128xf32, #tpu.memory_space<vmem>>, vector<10000x128xf32>
    %get3A_2 = arith.constant 0 : index
    %get3A_3 = arith.constant 0 : index
    %get3A_4 = vector.load %arg1[%get3A_2, %get3A_3] : memref<128x32xf32, #tpu.memory_space<vmem>>, vector<128x32xf32>
    %dot_general3A = arith.constant dense<0.000000e+00> : vector<10000x32xf32>
    %dot_general3A_5 = tpu.matmul %get3A_1, %get3A_4, %dot_general3A {dimension_numbers = #tpu.dot_dimension_numbers<[1], [0], [0], [1], [0, 0, 1, 1], [], []>, transpose_lhs_hint = false} : vector<10000x128xf32>, vector<128x32xf32>, vector<10000x32xf32> -> vector<10000x32xf32>
    %swap3A = arith.constant 0 : index
    %swap3A_6 = arith.constant 0 : index
    %swap3A_7 = vector.load %arg2[%swap3A, %swap3A_6] : memref<10000x32xf32, #tpu.memory_space<vmem>>, vector<10000x32xf32>
    tpu.vector_store %arg2[%swap3A, %swap3A_6], %dot_general3A_5 {strides = array<i32>} : memref<10000x32xf32, #tpu.memory_space<vmem>>, vector<10000x32xf32>,
    return
  }
}

module attributes {stable_mosaic.version = 14 : i64} {
  func.func @_tc_hs(%arg0: memref<10000x32xf32, #tpu.memory_space<vmem>>, %arg1: memref<2x10240xf32, #tpu.memory_space<vmem>>, %arg2: memref<10000x32xf32, #tpu.memory_space<vmem>>) attributes {dimension_semantics = [], scalar_prefetch = 0 : i64, scratch_operands = 0 : i64, tpu.core_type = #tpu.core_type<tc>} {
    %get3A = arith.constant 0 : index
    %get3A_0 = arith.constant 0 : index
    %get3A_1 = vector.load %arg1[%get3A, %get3A_0] : memref<2x10240xf32, #tpu.memory_space<vmem>>, vector<2x10240xf32>
    %slice3A = vector.extract_strided_slice %get3A_1 {offsets = [0, 0], sizes = [1, 10240], strides = [1, 1]} : vector<2x10240xf32> to vector<1x10240xf32>
    %squeeze3A = vector.shape_cast %slice3A : vector<1x10240xf32> to vector<10240xf32>
    %slice3A_2 = vector.extract_strided_slice %get3A_1 {offsets = [1, 0], sizes = [1, 10240], strides = [1, 1]} : vector<2x10240xf32> to vector<1x10240xf32>
    %squeeze3A_3 = vector.shape_cast %slice3A_2 : vector<1x10240xf32> to vector<10240xf32>
    %add3A = arith.addf %squeeze3A, %squeeze3A_3 : vector<10240xf32>
    %add3A_4 = arith.constant 1.000000e+00 : f32
    %add3A_5 = vector.broadcast %add3A_4 : f32 to vector<10240xf32>
    %add3A_6 = arith.addf %add3A, %add3A_5 : vector<10240xf32>
    %rsqrt3A = math.rsqrt %add3A_6 : vector<10240xf32>
    %get3A_7 = arith.constant 0 : index
    %get3A_8 = arith.constant 0 : index
    %get3A_9 = vector.load %arg0[%get3A_7, %get3A_8] : memref<10000x32xf32, #tpu.memory_space<vmem>>, vector<10000x32xf32>
    %slice3A_10 = vector.extract_strided_slice %rsqrt3A {offsets = [0], sizes = [10000], strides = [1]} : vector<10240xf32> to vector<10000xf32>
    %reshape3A = vector.shape_cast %slice3A_10 : vector<10000xf32> to vector<10000x1xf32>
    %mul3A = vector.broadcast %reshape3A : vector<10000x1xf32> to vector<10000x32xf32>
    %mul3A_11 = arith.mulf %get3A_9, %mul3A : vector<10000x32xf32>
    %swap3A = arith.constant 0 : index
    %swap3A_12 = arith.constant 0 : index
    %swap3A_13 = vector.load %arg2[%swap3A, %swap3A_12] : memref<10000x32xf32, #tpu.memory_space<vmem>>, vector<10000x32xf32>
    tpu.vector_store %arg2[%swap3A, %swap3A_12], %mul3A_11 {strides = array<i32>} : memref<10000x32xf32, #tpu.memory_space<vmem>>, vector<10000x32xf32>,
    return
  }
}

module attributes {stable_mosaic.version = 14 : i64} {
  func.func @_tc_final(%arg0: memref<2x10240x32xf32, #tpu.memory_space<vmem>>, %arg1: memref<10000x32xf32, #tpu.memory_space<vmem>>, %arg2: memref<2x10240xf32, #tpu.memory_space<vmem>>, %arg3: memref<2x10240xf32, #tpu.memory_space<vmem>>, %arg4: memref<1x32xf32, #tpu.memory_space<vmem>>, %arg5: memref<32x64xf32, #tpu.memory_space<vmem>>, %arg6: memref<1x64xf32, #tpu.memory_space<vmem>>, %arg7: memref<1x64xf32, #tpu.memory_space<vmem>>) attributes {dimension_semantics = [], scalar_prefetch = 0 : i64, scratch_operands = 0 : i64, tpu.core_type = #tpu.core_type<tc>} {
    %get3A = arith.constant 0 : index
    %get3A_0 = arith.constant 0 : index
    %get3A_1 = vector.load %arg2[%get3A, %get3A_0] : memref<2x10240xf32, #tpu.memory_space<vmem>>, vector<2x10240xf32>
    %slice3A = vector.extract_strided_slice %get3A_1 {offsets = [0, 0], sizes = [1, 10240], strides = [1, 1]} : vector<2x10240xf32> to vector<1x10240xf32>
    %squeeze3A = vector.shape_cast %slice3A : vector<1x10240xf32> to vector<10240xf32>
    %slice3A_2 = vector.extract_strided_slice %get3A_1 {offsets = [1, 0], sizes = [1, 10240], strides = [1, 1]} : vector<2x10240xf32> to vector<1x10240xf32>
    %squeeze3A_3 = vector.shape_cast %slice3A_2 : vector<1x10240xf32> to vector<10240xf32>
    %add3A = arith.addf %squeeze3A, %squeeze3A_3 : vector<10240xf32>
    %add3A_4 = arith.constant 1.000000e+00 : f32
    %add3A_5 = vector.broadcast %add3A_4 : f32 to vector<10240xf32>
    %add3A_6 = arith.addf %add3A, %add3A_5 : vector<10240xf32>
    %rsqrt3A = math.rsqrt %add3A_6 : vector<10240xf32>
    %slice3A_7 = vector.extract_strided_slice %rsqrt3A {offsets = [0], sizes = [10000], strides = [1]} : vector<10240xf32> to vector<10000xf32>
    %reshape3A = vector.shape_cast %slice3A_7 : vector<10000xf32> to vector<10000x1xf32>
    %get3A_8 = arith.constant 0 : index
    %get3A_9 = arith.constant 0 : index
    %get3A_10 = arith.constant 0 : index
    %get3A_11 = vector.load %arg0[%get3A_8, %get3A_9, %get3A_10] : memref<2x10240x32xf32, #tpu.memory_space<vmem>>, vector<2x10240x32xf32>
    %slice3A_12 = vector.extract_strided_slice %get3A_11 {offsets = [0, 0, 0], sizes = [1, 10240, 32], strides = [1, 1, 1]} : vector<2x10240x32xf32> to vector<1x10240x32xf32>
    %squeeze3A_13 = vector.shape_cast %slice3A_12 : vector<1x10240x32xf32> to vector<10240x32xf32>
    %slice3A_14 = vector.extract_strided_slice %get3A_11 {offsets = [1, 0, 0], sizes = [1, 10240, 32], strides = [1, 1, 1]} : vector<2x10240x32xf32> to vector<1x10240x32xf32>
    %squeeze3A_15 = vector.shape_cast %slice3A_14 : vector<1x10240x32xf32> to vector<10240x32xf32>
    %add3A_16 = arith.addf %squeeze3A_13, %squeeze3A_15 : vector<10240x32xf32>
    %slice3A_17 = vector.extract_strided_slice %add3A_16 {offsets = [0, 0], sizes = [10000, 32], strides = [1, 1]} : vector<10240x32xf32> to vector<10000x32xf32>
    %get3A_18 = arith.constant 0 : index
    %get3A_19 = arith.constant 0 : index
    %get3A_20 = vector.load %arg1[%get3A_18, %get3A_19] : memref<10000x32xf32, #tpu.memory_space<vmem>>, vector<10000x32xf32>
    %add3A_21 = arith.addf %slice3A_17, %get3A_20 : vector<10000x32xf32>
    %mul3A = vector.broadcast %reshape3A : vector<10000x1xf32> to vector<10000x32xf32>
    %mul3A_22 = arith.mulf %add3A_21, %mul3A : vector<10000x32xf32>
    %get3A_23 = arith.constant 0 : index
    %get3A_24 = arith.constant 0 : index
    %get3A_25 = vector.load %arg4[%get3A_23, %get3A_24] : memref<1x32xf32, #tpu.memory_space<vmem>>, vector<1x32xf32>
    %add3A_26 = vector.broadcast %get3A_25 : vector<1x32xf32> to vector<10000x32xf32>
    %add3A_27 = arith.addf %mul3A_22, %add3A_26 : vector<10000x32xf32>
    %max3A = arith.constant 0.000000e+00 : f32
    %max3A_28 = vector.broadcast %max3A : f32 to vector<10000x32xf32>
    %max3A_29 = arith.maximumf %add3A_27, %max3A_28 : vector<10000x32xf32>
    %get3A_30 = arith.constant 0 : index
    %get3A_31 = arith.constant 0 : index
    %get3A_32 = vector.load %arg3[%get3A_30, %get3A_31] : memref<2x10240xf32, #tpu.memory_space<vmem>>, vector<2x10240xf32>
    %slice3A_33 = vector.extract_strided_slice %get3A_32 {offsets = [0, 0], sizes = [1, 10240], strides = [1, 1]} : vector<2x10240xf32> to vector<1x10240xf32>
    %squeeze3A_34 = vector.shape_cast %slice3A_33 : vector<1x10240xf32> to vector<10240xf32>
    %slice3A_35 = vector.extract_strided_slice %get3A_32 {offsets = [1, 0], sizes = [1, 10240], strides = [1, 1]} : vector<2x10240xf32> to vector<1x10240xf32>
    %squeeze3A_36 = vector.shape_cast %slice3A_35 : vector<1x10240xf32> to vector<10240xf32>
    %add3A_37 = arith.addf %squeeze3A_34, %squeeze3A_36 : vector<10240xf32>
    %slice3A_38 = vector.extract_strided_slice %add3A_37 {offsets = [0], sizes = [10000], strides = [1]} : vector<10240xf32> to vector<10000xf32>
    %reshape3A_39 = vector.shape_cast %slice3A_38 : vector<10000xf32> to vector<10000x1xf32>
    %mul3A_40 = arith.mulf %reshape3A_39, %reshape3A : vector<10000x1xf32>
    %mul3A_41 = vector.broadcast %mul3A_40 : vector<10000x1xf32> to vector<10000x32xf32>
    %mul3A_42 = arith.mulf %max3A_29, %mul3A_41 : vector<10000x32xf32>
    %reduce_sum3A = arith.constant dense<0.000000e+00> : vector<32xf32>
    %reduce_sum3A_43 = vector.multi_reduction <add>, %mul3A_42, %reduce_sum3A [0] : vector<10000x32xf32> to vector<32xf32>
    %broadcast_in_dim3A = vector.shape_cast %reduce_sum3A_43 : vector<32xf32> to vector<1x32xf32>
    %slice3A_44 = vector.extract_strided_slice %rsqrt3A {offsets = [0], sizes = [1], strides = [1]} : vector<10240xf32> to vector<1xf32>
    %reshape3A_45 = vector.shape_cast %slice3A_44 : vector<1xf32> to vector<1x1xf32>
    %mul3A_46 = vector.broadcast %reshape3A_45 : vector<1x1xf32> to vector<1x32xf32>
    %mul3A_47 = arith.mulf %broadcast_in_dim3A, %mul3A_46 : vector<1x32xf32>
    %slice3A_48 = vector.extract_strided_slice %max3A_29 {offsets = [0, 0], sizes = [1, 32], strides = [1, 1]} : vector<10000x32xf32> to vector<1x32xf32>
    %mul3A_49 = arith.mulf %reshape3A_45, %reshape3A_45 : vector<1x1xf32>
    %mul3A_50 = vector.broadcast %mul3A_49 : vector<1x1xf32> to vector<1x32xf32>
    %mul3A_51 = arith.mulf %slice3A_48, %mul3A_50 : vector<1x32xf32>
    %add3A_52 = arith.addf %mul3A_47, %mul3A_51 : vector<1x32xf32>
    %get3A_53 = arith.constant 0 : index
    %get3A_54 = arith.constant 0 : index
    %get3A_55 = vector.load %arg5[%get3A_53, %get3A_54] : memref<32x64xf32, #tpu.memory_space<vmem>>, vector<32x64xf32>
    %dot_general3A = arith.constant dense<0.000000e+00> : vector<1x64xf32>
    %dot_general3A_56 = tpu.matmul %add3A_52, %get3A_55, %dot_general3A {dimension_numbers = #tpu.dot_dimension_numbers<[1], [0], [0], [1], [0, 0, 1, 1], [], []>, transpose_lhs_hint = false} : vector<1x32xf32>, vector<32x64xf32>, vector<1x64xf32> -> vector<1x64xf32>
    %get3A_57 = arith.constant 0 : index
    %get3A_58 = arith.constant 0 : index
    %get3A_59 = vector.load %arg6[%get3A_57, %get3A_58] : memref<1x64xf32, #tpu.memory_space<vmem>>, vector<1x64xf32>
    %add3A_60 = arith.addf %dot_general3A_56, %get3A_59 : vector<1x64xf32>
    %swap3A = arith.constant 0 : index
    %swap3A_61 = arith.constant 0 : index
    %swap3A_62 = vector.load %arg7[%swap3A, %swap3A_61] : memref<1x64xf32, #tpu.memory_space<vmem>>, vector<1x64xf32>
    tpu.vector_store %arg7[%swap3A, %swap3A_61], %add3A_60 {strides = array<i32>} : memref<1x64xf32, #tpu.memory_space<vmem>>, vector<1x64xf32>,
    return
  }
}

</mosaic_0001>

<sc_bundles>
// kernel: kernel.10.cloned.1.call-start
scs
__scs_entry_jumppad:
0x0: {  	(pc) =	sbr.rel $0x88, $3  }
0x1: {  	(tag) =	ssettag $0x0;
	lr =	simm.s32 $0x1  }
0x2: {  	[smem:$0x3F9B] =	sst lr;
	_ =	strace $0xD0000000  }
0x3: {  	_ = 	snop  }
0x4: {  	_ = 	snop  }
0x5: {  	_ = 	snop  }
0x6: {  	_ = 	snop  }
0x7: {  	_ = 	snop  }
__scs_overlays_trampoline_lowered:
0x8: {  	[smem:$0x3FAA] =	sst s0  }
0x9: {  	[smem:$0x3FAB] =	sst s1  }
0xa: {  	[smem:$0x3FAC] =	sst s2  }
0xb: {  	[smem:$0x3FAD] =	sst s3  }
0xc: {  	[smem:$0x3FAE] =	sst s4  }
0xd: {  	[smem:$0x3FAF] =	sst s5  }
0xe: {  	[smem:$0x3FB0] =	sst s6  }
0xf: {  	[smem:$0x3FB1] =	sst s7  }
0x10: {  	[smem:$0x3FB2] =	sst s8  }
0x11: {  	[smem:$0x3FB3] =	sst s9;
	s0 =	simm.s32 @!p0 $0x0  }
0x12: {  	s1 =	sld [smem:$0x3F99];
	s0 =	simm.s32 @p0 $0x1  }
0x13: {  	[smem:$0x3FB4] =	sst s0;
	s0 =	simm.s32 @!p1 $0x0  }
0x14: {  	s2 =	sld [smem:$0x3F98];
	s0 =	simm.s32 @p1 $0x1  }
0x15: {  	[smem:$0x3FB5] =	sst s0;
	s0 =	simm.s32 @!p2 $0x0  }
0x16: {  	s3 =	sld [smem:$0x3FDB];
	s0 =	simm.s32 @p2 $0x1  }
0x17: {  	s4 =	simm.s32 $0x1BF5;
	[smem:$0x3FB7] =	sst s0  }
0x18: {  	s0 =	sld [smem:$0x3F9A];
	_ =	swait.ge [sflag:s4], $0x0  }
0x19: {  	s7 =	sld [smem:$0x3F9B]  }
0x1a: {  	s8 =	sadd.s32 $0xFFFFE003, lr  }
0x1b: {  	s9 =	sadd.s32 $0xFFFFFEF7, lr;
	s5 =	simm.s32 $0xFFFFFFFF;
	p2 =	slt.u32 s8, $0xFFFFF086  }
0x1c: {  	p1 =	slt.u32 s9, $0xF7A;
	s5 =	simm.s32 @!p2 $0x0  }
0x1d: {  	s5 =	simm.s32 @p1 $0x1;
	p0 =	seq.s32 s7, s2  }
0x1e: {  	s7 =	smul.u32 @!p0 $0xF7A, s2;
	p2 =	seq.s32 @!p0 s5, $0x0  }
0x1f: {  	s9 =	smul.u32 $0xF7A, s1;
	s8 =	simm.s32 @!p0 $0x1BF5;
	p2 =	por !p2, p0  }
0x20: {  	[sflag:s8] =	ssyncset.s32 @!p0 $0xFFFFF086;
	s6 =	sadd.s32 @!p0 s3, s7;
	s7 =	simm.s32 @!p0 $0x108  }
0x21: {  	s3 =	sadd.s32 s3, s9;
	s6 =	sadd.s32 @!p0 $0x88, s6;
	s7 =	simm.s32 @p2 $0x1082  }
0x22: {  	[simem:s7], [sflag:s8] =	dma.local @!p0 [hbm:s6], $0xF7A  }
0x23: {  	s9 =	sor.u32 $0xD0000000, s2;
	s6 =	simm.s32 $0x108;
	_ =	swait.ge @!p0 [sflag:s8], $0x0  }
0x24: {  	s3 =	sadd.s32 $0x88, s3;
	s6 =	simm.s32 @!p1 $0x1082;
	[sflag:s4] =	ssyncset.s32 $0xFFFFF086  }
0x25: {  	[simem:s6], [sflag:s4] =	dma.local [hbm:s3], $0xF7A  }
0x26: {  	[smem:$0x3F9B] =	sst s1;
	(tag) =	ssettag s2;
	_ =	strace s9  }
0x27: {  	s1 =	sld [smem:$0x3FAB]  }
0x28: {  	s2 =	sld [smem:$0x3FAC]  }
0x29: {  	s4 =	sld [smem:$0x3FAE]  }
0x2a: {  	p0 =	seq.s32 s5, $0x0;
	s5 =	sld [smem:$0x3FAF]  }
0x2b: {  	s6 =	sld [smem:$0x3FB0]  }
0x2c: {  	s7 =	sld [smem:$0x3FB1]  }
0x2d: {  	s3 =	simm.s32 $0x108;
	s8 =	sld [smem:$0x3FB2]  }
0x2e: {  	s3 =	simm.s32 @!p0 $0x1082;
	s9 =	sld [smem:$0x3FB3]  }
0x2f: {  	lr =	sadd.s32 s0, s3;
	s0 =	sld [smem:$0x3FAA]  }
0x30: {  	s3 =	sld [smem:$0x3FAD]  }
0x31: {  	[smem:$0x3FB6] =	sst s10  }
0x32: {  	s10 =	sld [smem:$0x3FB4];
	_ =	sdelay $0x3  }
0x33: {  	p0 =	seq.s32 s10, $0x1;
	s10 =	sld [smem:$0x3FB6];
	_ =	sdelay $0x3  }
0x34: {  	[smem:$0x3FB6] =	sst s10  }
0x35: {  	s10 =	sld [smem:$0x3FB5];
	_ =	sdelay $0x3  }
0x36: {  	p1 =	seq.s32 s10, $0x1;
	s10 =	sld [smem:$0x3FB6];
	_ =	sdelay $0x3  }
0x37: {  	[smem:$0x3FB6] =	sst s10  }
0x38: {  	s10 =	sld [smem:$0x3FB7]  }
0x39: {  	_ = 	snop;
	(pc) =	sbr.ind lr, $3  }
0x3a: {  	_ = 	snop  }
0x3b: {  	_ = 	snop  }
0x3c: {  	p2 =	seq.s32 s10, $0x1;
	s10 =	sld [smem:$0x3FB6]  }
0x3d: {  	_ =	shalt  }
0x3e: {  	_ =	shalt  }
0x3f: {  	_ =	shalt  }
0x40: {  	_ =	shalt  }
0x41: {  	_ =	shalt  }
0x42: {  	_ =	shalt  }
0x43: {  	_ =	shalt  }
0x44: {  	_ =	shalt  }
0x45: {  	_ =	shalt  }
0x46: {  	_ =	shalt  }
0x47: {  	_ =	shalt  }
0x48: {  	_ =	shalt  }
0x49: {  	_ =	shalt  }
0x4a: {  	_ =	shalt  }
0x4b: {  	_ =	shalt  }
0x4c: {  	_ =	shalt  }
0x4d: {  	_ =	shalt  }
0x4e: {  	_ =	shalt  }
0x4f: {  	_ =	shalt  }
0x50: {  	_ =	shalt  }
0x51: {  	_ =	shalt  }
0x52: {  	_ =	shalt  }
0x53: {  	_ =	shalt  }
0x54: {  	_ =	shalt  }
0x55: {  	_ =	shalt  }
0x56: {  	_ =	shalt  }
0x57: {  	_ =	shalt  }
0x58: {  	_ =	shalt  }
0x59: {  	_ =	shalt  }
0x5a: {  	_ =	shalt  }
0x5b: {  	_ =	shalt  }
0x5c: {  	_ =	shalt  }
0x5d: {  	_ =	shalt  }
0x5e: {  	_ =	shalt  }
0x5f: {  	_ =	shalt  }
0x60: {  	_ =	shalt  }
0x61: {  	_ =	shalt  }
0x62: {  	_ =	shalt  }
0x63: {  	_ =	shalt  }
0x64: {  	_ =	shalt  }
0x65: {  	_ =	shalt  }
0x66: {  	_ =	shalt  }
0x67: {  	_ =	shalt  }
0x68: {  	_ =	shalt  }
0x69: {  	_ =	shalt  }
0x6a: {  	_ =	shalt  }
0x6b: {  	_ =	shalt  }
0x6c: {  	_ =	shalt  }
0x6d: {  	_ =	shalt  }
0x6e: {  	_ =	shalt  }
0x6f: {  	_ =	shalt  }
0x70: {  	_ =	shalt  }
0x71: {  	_ =	shalt  }
0x72: {  	_ =	shalt  }
0x73: {  	_ =	shalt  }
0x74: {  	_ =	shalt  }
0x75: {  	_ =	shalt  }
0x76: {  	_ =	shalt  }
0x77: {  	_ =	shalt  }
0x78: {  	_ =	shalt  }
0x79: {  	_ =	shalt  }
0x7a: {  	_ =	shalt  }
0x7b: {  	_ =	shalt  }
0x7c: {  	_ =	shalt  }
0x7d: {  	_ =	shalt  }
0x7e: {  	_ =	shalt  }
0x7f: {  	_ =	shalt  }
0x80: {  	_ =	shalt  }
0x81: {  	_ =	shalt  }
0x82: {  	_ =	shalt  }
0x83: {  	_ =	shalt  }
0x84: {  	_ =	shalt  }
0x85: {  	_ =	shalt  }
0x86: {  	_ =	shalt  }
0x87: {  	_ =	shalt  }
.Lfunc_end0:
.L_simem_size_0:
called_computation.1_lowered:
.L_overlay_start_0:
0x88: {  	s2 =	sld [smem:$0x3FD9]  }
0x89: {  	s3 =	sld [smem:$0x3FFE];
	_ =	sdelay $0x1  }
0x8a: {  	s1 =	srdreg.scid  }
0x8b: {  	s0 =	sand.u32 $0x1, s1  }
0x8c: {  	s16 =	sshll.u32 s0, $0xA;
	s2 =	sadd.s32 s3, s2  }
0x8d: {  	s2 =	sadd.s32 s2, s16  }
0x8e: {  	[smem:$0x3FC2] =	sst s2  }
0x8f: {  	_ = 	snop  }
0x90: {  	(tm) =	ssettm $0x1  }
0x91: {  	s17 =	sld [smem:$0x3FFB];
	_ =	sdelay $0x3  }
0x92: {  	_ =	strace s17  }
0x93: {  	s2 =	sld [smem:$0x3FFC];
	_ =	sdelay $0x3  }
0x94: {  	_ =	strace s2  }
0x95: {  	s2 =	sld [smem:$0x3FFD];
	_ =	sdelay $0x3  }
0x96: {  	_ =	strace s2  }
0x97: {  	_ =	strace $0x8FFFFFFF  }
0x98: {  	s18 =	sld [smem:$0x3FDB];
	_ =	sdelay $0x1  }
0x99: {  	s19 =	simm.s32 $_scs_section_size  }
0x9a: {  	s4 =	simm.s32 $_size__tile_overlayer_lowered;
	s5 =	simm.s32 $_tile_overlayer_lowered  }
0x9b: {  	s22 =	simm.s32 $0x1BFF;
	s21 =	sshll.u32 s5, $0x1;
	s2 =	sadd.s32 s19, s18  }
0x9c: {  	s6 =	simm.s32 $0x0;
	s20 =	sshll.u32 s4, $0x1;
	s4 =	sadd.s32 s21, s2  }
0x9d: {  	[timem:s6], [sflag:s22] =	dma.local [hbm:s4], s20  }
0x9e: {  	_ =	swait.ge [sflag:s22], s20  }
0x9f: {  	s3 =	ssub.s32 $0x0, s20;
	[sflag:s22] =	ssyncset.done $0x0  }
0xa0: {  	[sflag:s22] =	ssyncadd.s32 s3;
	_ =	sdelay $0x1  }
0xa1: {  	s23 =	simm.s32 $0x1B8B  }
0xa2: {  	_ =	swait.ge [sflag:s23], $0x1  }
0xa3: {  	[sflag:s23] =	ssyncset.done $0x0  }
0xa4: {  	s25 =	simm.s32 $0x1B8E;
	s24 =	sld [smem:$0x3FFE];
	[sflag:s23] =	ssyncadd.s32 $0xFFFFFFFF  }
0xa5: {  	s26 =	simm.s32 $execute0_lowered;
	[smem:$0x3FD2] =	sst s25  }
0xa6: {  	s4 =	sshll.u32 s26, $0x1;
	_ =	strace $0x80000049;
	[dreg:$0x1] =	wrdreg $0xFFFFFFFF  }
0xa7: {  	s28 =	simm.s32 $_size_execute0_lowered;
	s2 =	sadd.s32 s2, s4;
	[dreg:$0x0] =	wrdreg $0x0  }
0xa8: {  	s4 =	sshll.u32 s28, $0x1;
	[dreg:$0x2] =	wrdreg s2  }
0xa9: {  	[dreg:$0x3] =	wrdreg s4  }
0xaa: {  	[dreg:$0x4] =	wrdreg $0xC0  }
0xab: {  	_ =	task [dreg:s6], $0x5FFFF  }
0xac: {  	[dreg:$0x1] =	wrdreg $0xFFFFFFFF  }
0xad: {  	[dreg:$0x0] =	wrdreg $0x60  }
0xae: {  	[dreg:$0x2] =	wrdreg s24  }
0xaf: {  	[dreg:$0x3] =	wrdreg $0x148200  }
0xb0: {  	[dreg:$0x4] =	wrdreg $0x9  }
0xb1: {  	_ =	task.clear_ibuf [dreg:s6], $0x5FFFF;
	_ =	strace $0x90000049  }
0xb2: {  	s29 =	simm.s32 $0x9;
	_ =	strace $0x8000004B  }
0xb3: {  	_ =	swait.ge [sflag:s29], $0x1  }
0xb4: {  	[sflag:s29] =	ssyncadd.s32 $0xFFFFFFFF  }
0xb5: {  	_ =	strace $0x9000004B  }
0xb6: {  	_ =	sfence  }
0xb7: {  	s30 =	sld [smem:$0x0];
	_ =	sdelay $0x2  }
0xb8: {  	s31 =	sshll.u32 s1, $0xD;
	s1 =	sshrl.u32 s1, $0x2  }
0xb9: {  	s3 =	sand.u32 $0x4000, s31;
	s1 =	sadd.s32 s1, s30  }
0xba: {  	s0 =	sor.u32 s3, s0;
	s1 =	sshll.u32 s1, $0x11  }
0xbb: {  	s0 =	sor.u32 s1, s0  }
0xbc: {  	s0 =	sadd.s32 $0x8F2B, s0  }
0xbd: {  	[sflag:s0] =	ssyncadd.remote.s32 $0x1  }
0xbe: {  	_ =	sfence.sel $0xFFFF  }
0xbf: {  	[dreg:$0x0] =	wrdreg $0xFFFFFFFF;
	(pc) =	sbr.abs _section_cstart, $3  }
0xc0: {  	[dreg:$0x1] =	wrdreg $0xFFFFFFFF  }
0xc1: {  	_ =	task.clear_ibuf [dreg:s6], $0x2FFFF;
	_ =	strace $0x9FFFFFFF  }
0xc2: {  	(tm) =	ssettm $0x7FFFFFFF  }
0xc3: {  	_ =	shalt  }
tec
execute0_lowered:
.L_overlay_start_1:
0x0: {  	(tag) =	ssettag $0x1  }
0x1: {  	s3 =	rddreg [dreg:$0x0]  }
0x2: {  	s2 =	rddreg [dreg:$0x1];
	s30 =	simm.s32 $0x0  }
0x3: {  	[smem:$0x7FF] =	sst s30;
	s6 =	sadd.s32 $0x15800, s3  }
0x4: {  	s9 =	simm.s32 $0x320;
	_ =	strace $0x8000004A;
	[dreg:$0x3] =	wrdreg s6  }
0x5: {  	s10 =	simm.s32 $0x4B0;
	[dreg:$0x7] =	wrdreg s9  }
0x6: {  	s11 =	simm.s32 $0x640;
	[dreg:$0x8] =	wrdreg s10  }
0x7: {  	s12 =	simm.s32 $0x7D0;
	[dreg:$0x9] =	wrdreg s11  }
0x8: {  	s13 =	simm.s32 $0x28A0;
	[dreg:$0xa] =	wrdreg s12  }
0x9: {  	s14 =	simm.s32 $0x960;
	[dreg:$0xb] =	wrdreg s13  }
0xa: {  	s15 =	simm.s32 $0x2A30;
	[dreg:$0xc] =	wrdreg s14  }
0xb: {  	s16 =	simm.s32 $0xAF0;
	[dreg:$0xd] =	wrdreg s15  }
0xc: {  	s18 =	simm.s32 $0x2BC0;
	[dreg:$0xe] =	wrdreg s16  }
0xd: {  	s19 =	simm.s32 $0xC80;
	[dreg:$0xf] =	wrdreg s18  }
0xe: {  	s20 =	simm.s32 $0x2D50;
	[dreg:$0x10] =	wrdreg s19  }
0xf: {  	s21 =	simm.s32 $0xE10;
	[dreg:$0x11] =	wrdreg s20  }
0x10: {  	s0 =	srdreg.scid;
	s22 =	simm.s32 $0x2EE0;
	[dreg:$0x12] =	wrdreg s21  }
0x11: {  	s17 =	stileid.u32;
	s23 =	simm.s32 $0xFA0;
	[dreg:$0x13] =	wrdreg s22  }
0x12: {  	s24 =	simm.s32 $0x3070;
	s25 =	simm.s32 $0x1130;
	[dreg:$0x14] =	wrdreg s23  }
0x13: {  	s26 =	simm.s32 $0x3200;
	s31 =	simm.s32 $0x2710;
	[dreg:$0x15] =	wrdreg s24  }
0x14: {  	s29 =	simm.s32 $0x2260;
	s28 =	simm.s32 $0x4330;
	[dreg:$0x16] =	wrdreg s25  }
0x15: {  	p0 =	por $0x0, $0x0;
	[dreg:$0x17] =	wrdreg s26;
	s9 =	simm.s32 $0x3520  }
0x16: {  	s0 =	sand.u32 $0x1, s0;
	s11 =	simm.s32 $0x15E0;
	[dreg:$0x1b] =	wrdreg s9  }
0x17: {  	s4 =	smul.u32 $0x5000, s17;
	s12 =	simm.s32 $0x36B0;
	[dreg:$0x1c] =	wrdreg s11  }
0x18: {  	s1 =	sshll.u32 s0, $0x4;
	s13 =	simm.s32 $0x1770;
	[dreg:$0x1d] =	wrdreg s12  }
0x19: {  	s5 =	smul.u32 $0x50000, s0;
	s14 =	simm.s32 $0x3840;
	[dreg:$0x1e] =	wrdreg s13  }
0x1a: {  	s6 =	sadd.s32 $0x17000, s3;
	s15 =	simm.s32 $0x1900;
	[dreg:$0x1f] =	wrdreg s14  }
0x1b: {  	s0 =	ssub.s32 $0x2, s0;
	s16 =	simm.s32 $0x39D0;
	[smem:$0x7F3] =	sst s15  }
0x1c: {  	s10 =	sshll.u32 s17, $0x6;
	s18 =	simm.s32 $0x1A90;
	[smem:$0x7F4] =	sst s16  }
0x1d: {  	s19 =	simm.s32 $0x3B60;
	s20 =	simm.s32 $0x1C20;
	[smem:$0x7F5] =	sst s18  }
0x1e: {  	s21 =	simm.s32 $0x3CF0;
	s22 =	simm.s32 $0x1DB0;
	[smem:$0x7F6] =	sst s19  }
0x1f: {  	s23 =	simm.s32 $0x3E80;
	s24 =	simm.s32 $0x1F40;
	[smem:$0x7F7] =	sst s20  }
0x20: {  	s25 =	simm.s32 $0x4010;
	s26 =	simm.s32 $0x20D0;
	[smem:$0x7F8] =	sst s21  }
0x21: {  	s1 =	sor.u32 s17, s1;
	s13 =	simm.s32 $0x4E20;
	[smem:$0x7F9] =	sst s22  }
0x22: {  	s11 =	simm.s32 $0x8020;
	s9 =	simm.s32 $0xE420;
	[smem:$0x7FA] =	sst s23  }
0x23: {  	s18 =	simm.s32 $0x1;
	s16 =	simm.s32 $0x2;
	[smem:$0x7FB] =	sst s24  }
0x24: {  	s15 =	simm.s32 $0x3;
	[smem:$0x7FC] =	sst s25;
	s14 =	simm.s32 $0x4  }
0x25: {  	s12 =	simm.s32 $0x5;
	[smem:$0x7FD] =	sst s26;
	s24 =	simm.s32 $0x41A0  }
0x26: {  	s26 =	simm.s32 $0x23F0;
	s25 =	simm.s32 $0x2580;
	s23 =	simm.s32 $0x4650  }
0x27: {  	s22 =	simm.s32 $0x47E0;
	s21 =	simm.s32 $0x4970;
	s5 =	sadd.s32 s4, s5  }
0x28: {  	s20 =	simm.s32 $0x4B00;
	s1 =	smul.u32 $0x2710, s1;
	s5 =	sshrl.u32 s5, $0x3  }
0x29: {  	s19 =	simm.s32 $0x4C90;
	s4 =	sadd.s32 s4, s2;
	s5 =	sadd.s32 s5, s3  }
0x2a: {  	s1 =	sshrl.u32 s1, $0x3;
	s8 =	sadd.s32 $0x20E00, s5;
	s5 =	sshrl.u32 s0, $0x1  }
0x2b: {  	s4 =	sshrl.u32 s4, $0x3;
	s1 =	sadd.s32 s1, s3;
	s0 =	ssub.s32 s0, s5  }
0x2c: {  	s3 =	simm.s32 $0x12C0;
	[dreg:$0x6] =	wrdreg s8;
	s0 =	smax.u32 s0, $0x1  }
0x2d: {  	s7 =	sadd.s32 $0x1E00, s1;
	[dreg:$0x18] =	wrdreg s3;
	p1 =	sne.s32 s0, $0x1  }
.Ltmp0:
0x2e: {  	s1 =	sadd.s32 $0xBA40, s1;
	[dreg:$0x4] =	wrdreg s7;
	(pc) =	sbr.rel @!p1 .LBB2_1-.Ltmp0, $4  }
0x2f: {  	s8 =	simm.s32 $0x1450;
	s3 =	sor.u32 $0x1C06, s10;
	[dreg:$0x5] =	wrdreg s1  }
0x30: {  	s5 =	simm.s32 $0x6;
	s7 =	simm.s32 $0x3390;
	[dreg:$0x1a] =	wrdreg s8  }
0x31: {  	s10 =	simm.s32 $0xB220;
	s8 =	simm.s32 $0x11620;
	[dreg:$0x19] =	wrdreg s7  }
0x32: {  	s7 =	simm.s32 $0x190;
	s1 =	sadd.s32 $0xFFFFFFFF, s0;
	s0 =	rddreg [dreg:$0x3]  }
0x33: {  	[spmem:s4], [sflag:s3] =	dma.local [hbm:s0], $0xA00  }
0x34: {  	_ =	swait.ge [sflag:s5], $0xA00  }
0x35: {  	[sflag:s5] =	ssyncset.done $0x0  }
0x36: {  	s17 =	rddreg [dreg:$0x4];
	[sflag:s5] =	ssyncadd.s32 $0xFFFFF600  }
0x37: {  	[tilespmem:s30], [sflag:$0x6] =	stream.linear.gather [hbm4b:s17+s30], $0x2710, $0x38;
	[tilespmem:$0x19820] =	vst v63  }
0x38: {  	_ =	swait.ge [sflag:s5], $0x2710  }
0x39: {  	[sflag:s5] =	ssyncset.done $0x0  }
0x3a: {  	s17 =	rddreg [dreg:$0x5];
	[sflag:s5] =	ssyncadd.s32 $0xFFFFD8F0  }
0x3b: {  	[tilespmem:s31], [sflag:$0x6] =	stream.linear.gather [hbm4b:s17+s30], $0x2710, $0x38;
	[tilespmem:$0x19820] =	vst v63  }
0x3c: {  	_ =	swait.ge [sflag:s5], $0x2710  }
0x3d: {  	[sflag:s5] =	ssyncset.done $0x0  }
0x3e: {  	[sflag:s5] =	ssyncadd.s32 $0xFFFFD8F0  }
0x3f: {  	[bflag:$0x0] =	sbarrier.arrive $0xFFFF  }
0x40: {  	[tilespmem:s13], [sflag:$0x1] =	stream.indirect.gather [hbm4b:s6+s7], $0x20, s30, s7, $0xb8;
	[tilespmem:$0x19820] =	vst v63  }
0x41: {  	_ = 	snop  }
0x42: {  	[tilespmem:s11], [sflag:$0x2] =	stream.indirect.gather [hbm4b:s6+s7], $0x20, s7, s7, $0xb8;
	[tilespmem:$0x19820] =	vst v63  }
0x43: {  	s0 =	rddreg [dreg:$0x7]  }
0x44: {  	[tilespmem:s10], [sflag:$0x3] =	stream.indirect.gather [hbm4b:s6+s7], $0x20, s0, s7, $0xb8;
	[tilespmem:$0x19820] =	vst v63  }
0x45: {  	s17 =	smov.u32 s1;
	s1 =	rddreg [dreg:$0x8]  }
0x46: {  	[tilespmem:s9], [sflag:$0x4] =	stream.indirect.gather [hbm4b:s6+s7], $0x20, s1, s7, $0xb8;
	[tilespmem:$0x19820] =	vst v63  }
0x47: {  	s0 =	rddreg [dreg:$0x9]  }
0x48: {  	[tilespmem:s8], [sflag:$0x5] =	stream.indirect.gather [hbm4b:s6+s7], $0x20, s0, s7, $0xb8;
	[tilespmem:$0x19820] =	vst v63  }
0x49: {  	_ =	swait.ge [sflag:s18], $0x3200  }
0x4a: {  	[sflag:s18] =	ssyncset.done $0x0  }
0x4b: {  	[sflag:s18] =	ssyncadd.s32 $0xFFFFCE00  }
0x4c: {  	[spmem:s2] =	stream.indirect.scatter.add.f32 [tilespmem:s13], [sflag:$0x6], $0x20, s31, s7, $0xb8;
	[tilespmem:$0x19820] =	vst v63  }
0x4d: {  	_ =	swait.ge [sflag:s5], $0x3200  }
0x4e: {  	[sflag:s5] =	ssyncset.done $0x0  }
0x4f: {  	s1 =	rddreg [dreg:$0xa];
	[sflag:s5] =	ssyncadd.s32 $0xFFFFCE00  }
0x50: {  	[tilespmem:s13], [sflag:$0x1] =	stream.indirect.gather [hbm4b:s6+s7], $0x20, s1, s7, $0xb8;
	[tilespmem:$0x19820] =	vst v63  }
0x51: {  	_ =	swait.ge [sflag:s16], $0x3200  }
0x52: {  	[sflag:s16] =	ssyncset.done $0x0  }
0x53: {  	s1 =	rddreg [dreg:$0xb];
	[sflag:s16] =	ssyncadd.s32 $0xFFFFCE00  }
0x54: {  	[spmem:s2] =	stream.indirect.scatter.add.f32 [tilespmem:s11], [sflag:$0x6], $0x20, s1, s7, $0xb8;
	[tilespmem:$0x19820] =	vst v63  }
0x55: {  	_ =	swait.ge [sflag:s5], $0x3200  }
0x56: {  	[sflag:s5] =	ssyncset.done $0x0  }
0x57: {  	s1 =	rddreg [dreg:$0xc];
	[sflag:s5] =	ssyncadd.s32 $0xFFFFCE00  }
0x58: {  	[tilespmem:s11], [sflag:$0x2] =	stream.indirect.gather [hbm4b:s6+s7], $0x20, s1, s7, $0xb8;
	[tilespmem:$0x19820] =	vst v63  }
0x59: {  	_ =	swait.ge [sflag:s15], $0x3200  }
0x5a: {  	[sflag:s15] =	ssyncset.done $0x0  }
0x5b: {  	s1 =	rddreg [dreg:$0xd];
	[sflag:s15] =	ssyncadd.s32 $0xFFFFCE00  }
0x5c: {  	[spmem:s2] =	stream.indirect.scatter.add.f32 [tilespmem:s10], [sflag:$0x6], $0x20, s1, s7, $0xb8;
	[tilespmem:$0x19820] =	vst v63  }
0x5d: {  	_ =	swait.ge [sflag:s5], $0x3200  }
0x5e: {  	[sflag:s5] =	ssyncset.done $0x0  }
0x5f: {  	s1 =	rddreg [dreg:$0xe];
	[sflag:s5] =	ssyncadd.s32 $0xFFFFCE00  }
0x60: {  	[tilespmem:s10], [sflag:$0x3] =	stream.indirect.gather [hbm4b:s6+s7], $0x20, s1, s7, $0xb8;
	[tilespmem:$0x19820] =	vst v63  }
0x61: {  	_ =	swait.ge [sflag:s14], $0x3200  }
0x62: {  	[sflag:s14] =	ssyncset.done $0x0  }
0x63: {  	s1 =	rddreg [dreg:$0xf];
	[sflag:s14] =	ssyncadd.s32 $0xFFFFCE00  }
0x64: {  	[spmem:s2] =	stream.indirect.scatter.add.f32 [tilespmem:s9], [sflag:$0x6], $0x20, s1, s7, $0xb8;
	[tilespmem:$0x19820] =	vst v63  }
0x65: {  	_ =	swait.ge [sflag:s5], $0x3200  }
0x66: {  	[sflag:s5] =	ssyncset.done $0x0  }
0x67: {  	s1 =	rddreg [dreg:$0x10];
	[sflag:s5] =	ssyncadd.s32 $0xFFFFCE00  }
0x68: {  	[tilespmem:s9], [sflag:$0x4] =	stream.indirect.gather [hbm4b:s6+s7], $0x20, s1, s7, $0xb8;
	[tilespmem:$0x19820] =	vst v63  }
0x69: {  	_ =	swait.ge [sflag:s12], $0x3200  }
0x6a: {  	[sflag:s12] =	ssyncset.done $0x0  }
0x6b: {  	s1 =	rddreg [dreg:$0x11];
	[sflag:s12] =	ssyncadd.s32 $0xFFFFCE00  }
0x6c: {  	[spmem:s2] =	stream.indirect.scatter.add.f32 [tilespmem:s8], [sflag:$0x6], $0x20, s1, s7, $0xb8;
	[tilespmem:$0x19820] =	vst v63  }
0x6d: {  	_ =	swait.ge [sflag:s5], $0x3200  }
0x6e: {  	[sflag:s5] =	ssyncset.done $0x0  }
0x6f: {  	s1 =	rddreg [dreg:$0x12];
	[sflag:s5] =	ssyncadd.s32 $0xFFFFCE00  }
0x70: {  	[tilespmem:s8], [sflag:$0x5] =	stream.indirect.gather [hbm4b:s6+s7], $0x20, s1, s7, $0xb8;
	[tilespmem:$0x19820] =	vst v63  }
0x71: {  	_ =	swait.ge [sflag:s18], $0x3200  }
0x72: {  	[sflag:s18] =	ssyncset.done $0x0  }
0x73: {  	s1 =	rddreg [dreg:$0x13];
	[sflag:s18] =	ssyncadd.s32 $0xFFFFCE00  }
0x74: {  	[spmem:s2] =	stream.indirect.scatter.add.f32 [tilespmem:s13], [sflag:$0x6], $0x20, s1, s7, $0xb8;
	[tilespmem:$0x19820] =	vst v63  }
0x75: {  	_ =	swait.ge [sflag:s5], $0x3200  }
0x76: {  	[sflag:s5] =	ssyncset.done $0x0  }
0x77: {  	s1 =	rddreg [dreg:$0x14];
	[sflag:s5] =	ssyncadd.s32 $0xFFFFCE00  }
0x78: {  	[tilespmem:s13], [sflag:$0x1] =	stream.indirect.gather [hbm4b:s6+s7], $0x20, s1, s7, $0xb8;
	[tilespmem:$0x19820] =	vst v63  }
0x79: {  	_ =	swait.ge [sflag:s16], $0x3200  }
0x7a: {  	[sflag:s16] =	ssyncset.done $0x0  }
0x7b: {  	s1 =	rddreg [dreg:$0x15];
	[sflag:s16] =	ssyncadd.s32 $0xFFFFCE00  }
0x7c: {  	[spmem:s2] =	stream.indirect.scatter.add.f32 [tilespmem:s11], [sflag:$0x6], $0x20, s1, s7, $0xb8;
	[tilespmem:$0x19820] =	vst v63  }
0x7d: {  	_ =	swait.ge [sflag:s5], $0x3200  }
0x7e: {  	[sflag:s5] =	ssyncset.done $0x0  }
0x7f: {  	s1 =	rddreg [dreg:$0x16];
	[sflag:s5] =	ssyncadd.s32 $0xFFFFCE00  }
0x80: {  	[tilespmem:s11], [sflag:$0x2] =	stream.indirect.gather [hbm4b:s6+s7], $0x20, s1, s7, $0xb8;
	[tilespmem:$0x19820] =	vst v63  }
0x81: {  	_ =	swait.ge [sflag:s15], $0x3200  }
0x82: {  	[sflag:s15] =	ssyncset.done $0x0  }
0x83: {  	s1 =	rddreg [dreg:$0x17];
	[sflag:s15] =	ssyncadd.s32 $0xFFFFCE00  }
0x84: {  	[spmem:s2] =	stream.indirect.scatter.add.f32 [tilespmem:s10], [sflag:$0x6], $0x20, s1, s7, $0xb8;
	[tilespmem:$0x19820] =	vst v63  }
0x85: {  	_ =	swait.ge [sflag:s5], $0x3200  }
0x86: {  	[sflag:s5] =	ssyncset.done $0x0  }
0x87: {  	s1 =	rddreg [dreg:$0x18];
	[sflag:s5] =	ssyncadd.s32 $0xFFFFCE00  }
0x88: {  	[tilespmem:s10], [sflag:$0x3] =	stream.indirect.gather [hbm4b:s6+s7], $0x20, s1, s7, $0xb8;
	[tilespmem:$0x19820] =	vst v63  }
0x89: {  	_ =	swait.ge [sflag:s14], $0x3200  }
0x8a: {  	[sflag:s14] =	ssyncset.done $0x0  }
0x8b: {  	s1 =	rddreg [dreg:$0x19];
	[sflag:s14] =	ssyncadd.s32 $0xFFFFCE00  }
0x8c: {  	[spmem:s2] =	stream.indirect.scatter.add.f32 [tilespmem:s9], [sflag:$0x6], $0x20, s1, s7, $0xb8;
	[tilespmem:$0x19820] =	vst v63  }
0x8d: {  	_ =	swait.ge [sflag:s5], $0x3200  }
0x8e: {  	[sflag:s5] =	ssyncset.done $0x0  }
0x8f: {  	s1 =	rddreg [dreg:$0x1a];
	[sflag:s5] =	ssyncadd.s32 $0xFFFFCE00  }
0x90: {  	[tilespmem:s9], [sflag:$0x4] =	stream.indirect.gather [hbm4b:s6+s7], $0x20, s1, s7, $0xb8;
	[tilespmem:$0x19820] =	vst v63  }
0x91: {  	_ =	swait.ge [sflag:s12], $0x3200  }
0x92: {  	[sflag:s12] =	ssyncset.done $0x0  }
0x93: {  	s1 =	rddreg [dreg:$0x1b];
	[sflag:s12] =	ssyncadd.s32 $0xFFFFCE00  }
0x94: {  	[spmem:s2] =	stream.indirect.scatter.add.f32 [tilespmem:s8], [sflag:$0x6], $0x20, s1, s7, $0xb8;
	[tilespmem:$0x19820] =	vst v63  }
0x95: {  	_ =	swait.ge [sflag:s5], $0x3200  }
0x96: {  	[sflag:s5] =	ssyncset.done $0x0  }
0x97: {  	s1 =	rddreg [dreg:$0x1c];
	[sflag:s5] =	ssyncadd.s32 $0xFFFFCE00  }
0x98: {  	[tilespmem:s8], [sflag:$0x5] =	stream.indirect.gather [hbm4b:s6+s7], $0x20, s1, s7, $0xb8;
	[tilespmem:$0x19820] =	vst v63  }
0x99: {  	_ =	swait.ge [sflag:s18], $0x3200  }
0x9a: {  	[sflag:s18] =	ssyncset.done $0x0  }
0x9b: {  	s1 =	rddreg [dreg:$0x1d];
	[sflag:s18] =	ssyncadd.s32 $0xFFFFCE00  }
0x9c: {  	[spmem:s2] =	stream.indirect.scatter.add.f32 [tilespmem:s13], [sflag:$0x6], $0x20, s1, s7, $0xb8;
	[tilespmem:$0x19820] =	vst v63  }
0x9d: {  	_ =	swait.ge [sflag:s5], $0x3200  }
0x9e: {  	[sflag:s5] =	ssyncset.done $0x0  }
0x9f: {  	s1 =	rddreg [dreg:$0x1e];
	[sflag:s5] =	ssyncadd.s32 $0xFFFFCE00  }
0xa0: {  	[tilespmem:s13], [sflag:$0x1] =	stream.indirect.gather [hbm4b:s6+s7], $0x20, s1, s7, $0xb8;
	[tilespmem:$0x19820] =	vst v63  }
0xa1: {  	_ =	swait.ge [sflag:s16], $0x3200  }
0xa2: {  	[sflag:s16] =	ssyncset.done $0x0  }
0xa3: {  	s1 =	rddreg [dreg:$0x1f];
	[sflag:s16] =	ssyncadd.s32 $0xFFFFCE00  }
0xa4: {  	[spmem:s2] =	stream.indirect.scatter.add.f32 [tilespmem:s11], [sflag:$0x6], $0x20, s1, s7, $0xb8;
	[tilespmem:$0x19820] =	vst v63  }
0xa5: {  	_ =	swait.ge [sflag:s5], $0x3200  }
0xa6: {  	s1 =	sld [smem:$0x7F3]  }
0xa7: {  	[sflag:s5] =	ssyncset.done $0x0  }
0xa8: {  	[sflag:s5] =	ssyncadd.s32 $0xFFFFCE00  }
0xa9: {  	[tilespmem:s11], [sflag:$0x2] =	stream.indirect.gather [hbm4b:s6+s7], $0x20, s1, s7, $0xb8;
	[tilespmem:$0x19820] =	vst v63  }
0xaa: {  	_ =	swait.ge [sflag:s15], $0x3200  }
0xab: {  	s1 =	sld [smem:$0x7F4]  }
0xac: {  	[sflag:s15] =	ssyncset.done $0x0  }
0xad: {  	[sflag:s15] =	ssyncadd.s32 $0xFFFFCE00  }
0xae: {  	[spmem:s2] =	stream.indirect.scatter.add.f32 [tilespmem:s10], [sflag:$0x6], $0x20, s1, s7, $0xb8;
	[tilespmem:$0x19820] =	vst v63  }
0xaf: {  	_ =	swait.ge [sflag:s5], $0x3200  }
0xb0: {  	s1 =	sld [smem:$0x7F5]  }
0xb1: {  	[sflag:s5] =	ssyncset.done $0x0  }
0xb2: {  	[sflag:s5] =	ssyncadd.s32 $0xFFFFCE00  }
0xb3: {  	[tilespmem:s10], [sflag:$0x3] =	stream.indirect.gather [hbm4b:s6+s7], $0x20, s1, s7, $0xb8;
	[tilespmem:$0x19820] =	vst v63  }
0xb4: {  	_ =	swait.ge [sflag:s14], $0x3200  }
0xb5: {  	s1 =	sld [smem:$0x7F6]  }
0xb6: {  	[sflag:s14] =	ssyncset.done $0x0  }
0xb7: {  	[sflag:s14] =	ssyncadd.s32 $0xFFFFCE00  }
0xb8: {  	[spmem:s2] =	stream.indirect.scatter.add.f32 [tilespmem:s9], [sflag:$0x6], $0x20, s1, s7, $0xb8;
	[tilespmem:$0x19820] =	vst v63  }
0xb9: {  	_ =	swait.ge [sflag:s5], $0x3200  }
0xba: {  	s1 =	sld [smem:$0x7F7]  }
0xbb: {  	[sflag:s5] =	ssyncset.done $0x0  }
0xbc: {  	[sflag:s5] =	ssyncadd.s32 $0xFFFFCE00  }
0xbd: {  	[tilespmem:s9], [sflag:$0x4] =	stream.indirect.gather [hbm4b:s6+s7], $0x20, s1, s7, $0xb8;
	[tilespmem:$0x19820] =	vst v63  }
0xbe: {  	_ =	swait.ge [sflag:s12], $0x3200  }
0xbf: {  	s1 =	sld [smem:$0x7F8]  }
0xc0: {  	[sflag:s12] =	ssyncset.done $0x0  }
0xc1: {  	[sflag:s12] =	ssyncadd.s32 $0xFFFFCE00  }
0xc2: {  	[spmem:s2] =	stream.indirect.scatter.add.f32 [tilespmem:s8], [sflag:$0x6], $0x20, s1, s7, $0xb8;
	[tilespmem:$0x19820] =	vst v63  }
0xc3: {  	_ =	swait.ge [sflag:s5], $0x3200  }
0xc4: {  	s1 =	sld [smem:$0x7F9]  }
0xc5: {  	[sflag:s5] =	ssyncset.done $0x0  }
0xc6: {  	[sflag:s5] =	ssyncadd.s32 $0xFFFFCE00  }
0xc7: {  	[tilespmem:s8], [sflag:$0x5] =	stream.indirect.gather [hbm4b:s6+s7], $0x20, s1, s7, $0xb8;
	[tilespmem:$0x19820] =	vst v63  }
0xc8: {  	_ =	swait.ge [sflag:s18], $0x3200  }
0xc9: {  	s1 =	sld [smem:$0x7FA]  }
0xca: {  	[sflag:s18] =	ssyncset.done $0x0  }
0xcb: {  	[sflag:s18] =	ssyncadd.s32 $0xFFFFCE00  }
0xcc: {  	[spmem:s2] =	stream.indirect.scatter.add.f32 [tilespmem:s13], [sflag:$0x6], $0x20, s1, s7, $0xb8;
	[tilespmem:$0x19820] =	vst v63  }
0xcd: {  	_ =	swait.ge [sflag:s5], $0x3200  }
0xce: {  	s1 =	sld [smem:$0x7FB]  }
0xcf: {  	[sflag:s5] =	ssyncset.done $0x0  }
0xd0: {  	[sflag:s5] =	ssyncadd.s32 $0xFFFFCE00  }
0xd1: {  	[tilespmem:s13], [sflag:$0x1] =	stream.indirect.gather [hbm4b:s6+s7], $0x20, s1, s7, $0xb8;
	[tilespmem:$0x19820] =	vst v63  }
0xd2: {  	_ =	swait.ge [sflag:s16], $0x3200  }
0xd3: {  	s1 =	sld [smem:$0x7FC]  }
0xd4: {  	[sflag:s16] =	ssyncset.done $0x0  }
0xd5: {  	[sflag:s16] =	ssyncadd.s32 $0xFFFFCE00  }
0xd6: {  	[spmem:s2] =	stream.indirect.scatter.add.f32 [tilespmem:s11], [sflag:$0x6], $0x20, s1, s7, $0xb8;
	[tilespmem:$0x19820] =	vst v63  }
0xd7: {  	_ =	swait.ge [sflag:s5], $0x3200  }
0xd8: {  	s1 =	sld [smem:$0x7FD]  }
0xd9: {  	[sflag:s5] =	ssyncset.done $0x0  }
0xda: {  	[sflag:s5] =	ssyncadd.s32 $0xFFFFCE00  }
0xdb: {  	[tilespmem:s11], [sflag:$0x2] =	stream.indirect.gather [hbm4b:s6+s7], $0x20, s1, s7, $0xb8;
	[tilespmem:$0x19820] =	vst v63  }
0xdc: {  	_ =	swait.ge [sflag:s15], $0x3200  }
0xdd: {  	[sflag:s15] =	ssyncset.done $0x0  }
0xde: {  	[sflag:s15] =	ssyncadd.s32 $0xFFFFCE00  }
0xdf: {  	[spmem:s2] =	stream.indirect.scatter.add.f32 [tilespmem:s10], [sflag:$0x6], $0x20, s24, s7, $0xb8;
	[tilespmem:$0x19820] =	vst v63  }
0xe0: {  	_ =	swait.ge [sflag:s5], $0x3200  }
0xe1: {  	[sflag:s5] =	ssyncset.done $0x0  }
0xe2: {  	[sflag:s5] =	ssyncadd.s32 $0xFFFFCE00  }
0xe3: {  	[tilespmem:s10], [sflag:$0x3] =	stream.indirect.gather [hbm4b:s6+s7], $0x20, s29, s7, $0xb8;
	[tilespmem:$0x19820] =	vst v63  }
0xe4: {  	_ =	swait.ge [sflag:s14], $0x3200  }
0xe5: {  	[sflag:s14] =	ssyncset.done $0x0  }
0xe6: {  	[sflag:s14] =	ssyncadd.s32 $0xFFFFCE00  }
0xe7: {  	[spmem:s2] =	stream.indirect.scatter.add.f32 [tilespmem:s9], [sflag:$0x6], $0x20, s28, s7, $0xb8;
	[tilespmem:$0x19820] =	vst v63  }
0xe8: {  	_ =	swait.ge [sflag:s5], $0x3200  }
0xe9: {  	[sflag:s5] =	ssyncset.done $0x0  }
0xea: {  	[sflag:s5] =	ssyncadd.s32 $0xFFFFCE00  }
0xeb: {  	[tilespmem:s9], [sflag:$0x4] =	stream.indirect.gather [hbm4b:s6+s7], $0x20, s26, s7, $0xb8;
	[tilespmem:$0x19820] =	vst v63  }
0xec: {  	_ =	swait.ge [sflag:s12], $0x3200  }
0xed: {  	[sflag:s12] =	ssyncset.done $0x0  }
0xee: {  	s1 =	simm.s32 $0x44C0;
	[sflag:s12] =	ssyncadd.s32 $0xFFFFCE00  }
0xef: {  	[spmem:s2] =	stream.indirect.scatter.add.f32 [tilespmem:s8], [sflag:$0x6], $0x20, s1, s7, $0xb8;
	[tilespmem:$0x19820] =	vst v63  }
0xf0: {  	_ =	swait.ge [sflag:s5], $0x3200  }
0xf1: {  	[sflag:s5] =	ssyncset.done $0x0  }
0xf2: {  	[sflag:s5] =	ssyncadd.s32 $0xFFFFCE00  }
0xf3: {  	[tilespmem:s8], [sflag:$0x5] =	stream.indirect.gather [hbm4b:s6+s7], $0x20, s25, s7, $0xb8;
	[tilespmem:$0x19820] =	vst v63  }
0xf4: {  	_ =	swait.ge [sflag:s18], $0x3200  }
0xf5: {  	[sflag:s18] =	ssyncset.done $0x0  }
0xf6: {  	[sflag:s18] =	ssyncadd.s32 $0xFFFFCE00  }
0xf7: {  	[spmem:s2] =	stream.indirect.scatter.add.f32 [tilespmem:s13], [sflag:$0x6], $0x20, s23, s7, $0xb8;
	[tilespmem:$0x19820] =	vst v63  }
0xf8: {  	_ =	swait.ge [sflag:s5], $0x3200  }
0xf9: {  	[sflag:s5] =	ssyncset.done $0x0  }
0xfa: {  	[sflag:s5] =	ssyncadd.s32 $0xFFFFCE00  }
0xfb: {  	_ =	swait.ge [sflag:s16], $0x3200  }
0xfc: {  	[sflag:s16] =	ssyncset.done $0x0  }
0xfd: {  	[sflag:s16] =	ssyncadd.s32 $0xFFFFCE00  }
0xfe: {  	[spmem:s2] =	stream.indirect.scatter.add.f32 [tilespmem:s11], [sflag:$0x6], $0x20, s22, s7, $0xb8;
	[tilespmem:$0x19820] =	vst v63  }
0xff: {  	_ =	swait.ge [sflag:s5], $0x3200  }
0x100: {  	[sflag:s5] =	ssyncset.done $0x0  }
0x101: {  	[sflag:s5] =	ssyncadd.s32 $0xFFFFCE00  }
0x102: {  	_ =	swait.ge [sflag:s15], $0x3200  }
0x103: {  	[sflag:s15] =	ssyncset.done $0x0  }
0x104: {  	[sflag:s15] =	ssyncadd.s32 $0xFFFFCE00  }
0x105: {  	[spmem:s2] =	stream.indirect.scatter.add.f32 [tilespmem:s10], [sflag:$0x6], $0x20, s21, s7, $0xb8;
	[tilespmem:$0x19820] =	vst v63  }
0x106: {  	_ =	swait.ge [sflag:s5], $0x3200  }
0x107: {  	[sflag:s5] =	ssyncset.done $0x0  }
0x108: {  	[sflag:s5] =	ssyncadd.s32 $0xFFFFCE00  }
0x109: {  	_ =	swait.ge [sflag:s14], $0x3200  }
0x10a: {  	[sflag:s14] =	ssyncset.done $0x0  }
0x10b: {  	[sflag:s14] =	ssyncadd.s32 $0xFFFFCE00  }
0x10c: {  	[spmem:s2] =	stream.indirect.scatter.add.f32 [tilespmem:s9], [sflag:$0x6], $0x20, s20, s7, $0xb8;
	[tilespmem:$0x19820] =	vst v63  }
0x10d: {  	_ =	swait.ge [sflag:s5], $0x3200  }
0x10e: {  	[sflag:s5] =	ssyncset.done $0x0  }
0x10f: {  	[sflag:s5] =	ssyncadd.s32 $0xFFFFCE00  }
0x110: {  	_ =	swait.ge [sflag:s12], $0x3200  }
0x111: {  	[sflag:s12] =	ssyncset.done $0x0  }
0x112: {  	[sflag:s12] =	ssyncadd.s32 $0xFFFFCE00  }
0x113: {  	[spmem:s2] =	stream.indirect.scatter.add.f32 [tilespmem:s8], [sflag:$0x6], $0x20, s19, s7, $0xb8;
	[tilespmem:$0x19820] =	vst v63  }
0x114: {  	_ =	swait.ge [sflag:s5], $0x3200  }
0x115: {  	[sflag:s5] =	ssyncset.done $0x0  }
0x116: {  	p1 =	sne.s32 s17, $0x1;
	[sflag:s5] =	ssyncadd.s32 $0xFFFFCE00  }
.Ltmp1:
0x117: {  	[bflag:$0x0] =	sbarrier.arrive $0xFFFF;
	(pc) =	sbr.rel @!p1 .LBB2_3-.Ltmp1, $4  }
0x118: {  	s1 =	rddreg [dreg:$0x6]  }
0x119: {  	[hbm:s1], [sflag:s3] =	dma.local [spmem:s4], $0xA00  }
0x11a: {  	p0 =	por $0x1, $0x1;
	_ =	swait.ge [sflag:s5], $0xA00  }
0x11b: {  	s1 =	sadd.s32 $0xFFFFFFFF, s17;
	s0 =	rddreg [dreg:$0x3];
	[sflag:s5] =	ssyncset.done $0x0  }
.LBB2_4:
0x11c: {  	[sflag:s5] =	ssyncadd.s32 $0xFFFFF600  }
0x11d: {  	[spmem:s4], [sflag:s3] =	dma.local [hbm:s0], $0xA00  }
0x11e: {  	_ =	swait.ge [sflag:s5], $0xA00  }
0x11f: {  	[sflag:s5] =	ssyncset.done $0x0  }
0x120: {  	s17 =	rddreg [dreg:$0x4];
	[sflag:s5] =	ssyncadd.s32 $0xFFFFF600  }
0x121: {  	[tilespmem:s30], [sflag:$0x6] =	stream.linear.gather [hbm4b:s17+s30], $0x2710, $0x38;
	[tilespmem:$0x19820] =	vst v63  }
0x122: {  	_ =	swait.ge [sflag:s5], $0x2710  }
0x123: {  	[sflag:s5] =	ssyncset.done $0x0  }
0x124: {  	s17 =	rddreg [dreg:$0x5];
	[sflag:s5] =	ssyncadd.s32 $0xFFFFD8F0  }
0x125: {  	[tilespmem:s31], [sflag:$0x6] =	stream.linear.gather [hbm4b:s17+s30], $0x2710, $0x38;
	[tilespmem:$0x19820] =	vst v63  }
0x126: {  	_ =	swait.ge [sflag:s5], $0x2710  }
0x127: {  	[sflag:s5] =	ssyncset.done $0x0  }
0x128: {  	[sflag:s5] =	ssyncadd.s32 $0xFFFFD8F0  }
0x129: {  	[bflag:$0x0] =	sbarrier.arrive $0xFFFF  }
0x12a: {  	[tilespmem:s13], [sflag:$0x1] =	stream.indirect.gather [hbm4b:s6+s7], $0x20, s30, s7, $0xb8;
	[tilespmem:$0x19820] =	vst v63  }
0x12b: {  	_ = 	snop  }
0x12c: {  	[tilespmem:s11], [sflag:$0x2] =	stream.indirect.gather [hbm4b:s6+s7], $0x20, s7, s7, $0xb8;
	[tilespmem:$0x19820] =	vst v63  }
0x12d: {  	s0 =	rddreg [dreg:$0x7]  }
0x12e: {  	[tilespmem:s10], [sflag:$0x3] =	stream.indirect.gather [hbm4b:s6+s7], $0x20, s0, s7, $0xb8;
	[tilespmem:$0x19820] =	vst v63  }
0x12f: {  	s17 =	rddreg [dreg:$0x8]  }
0x130: {  	[tilespmem:s9], [sflag:$0x4] =	stream.indirect.gather [hbm4b:s6+s7], $0x20, s17, s7, $0xb8;
	[tilespmem:$0x19820] =	vst v63  }
0x131: {  	s0 =	rddreg [dreg:$0x9]  }
0x132: {  	[tilespmem:s8], [sflag:$0x5] =	stream.indirect.gather [hbm4b:s6+s7], $0x20, s0, s7, $0xb8;
	[tilespmem:$0x19820] =	vst v63  }
0x133: {  	_ =	swait.ge [sflag:s18], $0x3200  }
0x134: {  	[sflag:s18] =	ssyncset.done $0x0  }
0x135: {  	[sflag:s18] =	ssyncadd.s32 $0xFFFFCE00  }
0x136: {  	[spmem:s2] =	stream.indirect.scatter.add.f32 [tilespmem:s13], [sflag:$0x6], $0x20, s31, s7, $0xb8;
	[tilespmem:$0x19820] =	vst v63  }
0x137: {  	_ =	swait.ge [sflag:s5], $0x3200  }
0x138: {  	[sflag:s5] =	ssyncset.done $0x0  }
0x139: {  	s17 =	rddreg [dreg:$0xa];
	[sflag:s5] =	ssyncadd.s32 $0xFFFFCE00  }
0x13a: {  	[tilespmem:s13], [sflag:$0x1] =	stream.indirect.gather [hbm4b:s6+s7], $0x20, s17, s7, $0xb8;
	[tilespmem:$0x19820] =	vst v63  }
0x13b: {  	_ =	swait.ge [sflag:s16], $0x3200  }
0x13c: {  	[sflag:s16] =	ssyncset.done $0x0  }
0x13d: {  	s17 =	rddreg [dreg:$0xb];
	[sflag:s16] =	ssyncadd.s32 $0xFFFFCE00  }
0x13e: {  	[spmem:s2] =	stream.indirect.scatter.add.f32 [tilespmem:s11], [sflag:$0x6], $0x20, s17, s7, $0xb8;
	[tilespmem:$0x19820] =	vst v63  }
0x13f: {  	_ =	swait.ge [sflag:s5], $0x3200  }
0x140: {  	[sflag:s5] =	ssyncset.done $0x0  }
0x141: {  	s17 =	rddreg [dreg:$0xc];
	[sflag:s5] =	ssyncadd.s32 $0xFFFFCE00  }
0x142: {  	[tilespmem:s11], [sflag:$0x2] =	stream.indirect.gather [hbm4b:s6+s7], $0x20, s17, s7, $0xb8;
	[tilespmem:$0x19820] =	vst v63  }
0x143: {  	_ =	swait.ge [sflag:s15], $0x3200  }
0x144: {  	[sflag:s15] =	ssyncset.done $0x0  }
0x145: {  	s17 =	rddreg [dreg:$0xd];
	[sflag:s15] =	ssyncadd.s32 $0xFFFFCE00  }
0x146: {  	[spmem:s2] =	stream.indirect.scatter.add.f32 [tilespmem:s10], [sflag:$0x6], $0x20, s17, s7, $0xb8;
	[tilespmem:$0x19820] =	vst v63  }
0x147: {  	_ =	swait.ge [sflag:s5], $0x3200  }
0x148: {  	[sflag:s5] =	ssyncset.done $0x0  }
0x149: {  	s17 =	rddreg [dreg:$0xe];
	[sflag:s5] =	ssyncadd.s32 $0xFFFFCE00  }
0x14a: {  	[tilespmem:s10], [sflag:$0x3] =	stream.indirect.gather [hbm4b:s6+s7], $0x20, s17, s7, $0xb8;
	[tilespmem:$0x19820] =	vst v63  }
0x14b: {  	_ =	swait.ge [sflag:s14], $0x3200  }
0x14c: {  	[sflag:s14] =	ssyncset.done $0x0  }
0x14d: {  	s17 =	rddreg [dreg:$0xf];
	[sflag:s14] =	ssyncadd.s32 $0xFFFFCE00  }
0x14e: {  	[spmem:s2] =	stream.indirect.scatter.add.f32 [tilespmem:s9], [sflag:$0x6], $0x20, s17, s7, $0xb8;
	[tilespmem:$0x19820] =	vst v63  }
0x14f: {  	_ =	swait.ge [sflag:s5], $0x3200  }
0x150: {  	[sflag:s5] =	ssyncset.done $0x0  }
0x151: {  	s17 =	rddreg [dreg:$0x10];
	[sflag:s5] =	ssyncadd.s32 $0xFFFFCE00  }
0x152: {  	[tilespmem:s9], [sflag:$0x4] =	stream.indirect.gather [hbm4b:s6+s7], $0x20, s17, s7, $0xb8;
	[tilespmem:$0x19820] =	vst v63  }
0x153: {  	_ =	swait.ge [sflag:s12], $0x3200  }
0x154: {  	[sflag:s12] =	ssyncset.done $0x0  }
0x155: {  	s17 =	rddreg [dreg:$0x11];
	[sflag:s12] =	ssyncadd.s32 $0xFFFFCE00  }
0x156: {  	[spmem:s2] =	stream.indirect.scatter.add.f32 [tilespmem:s8], [sflag:$0x6], $0x20, s17, s7, $0xb8;
	[tilespmem:$0x19820] =	vst v63  }
0x157: {  	_ =	swait.ge [sflag:s5], $0x3200  }
0x158: {  	[sflag:s5] =	ssyncset.done $0x0  }
0x159: {  	s17 =	rddreg [dreg:$0x12];
	[sflag:s5] =	ssyncadd.s32 $0xFFFFCE00  }
0x15a: {  	[tilespmem:s8], [sflag:$0x5] =	stream.indirect.gather [hbm4b:s6+s7], $0x20, s17, s7, $0xb8;
	[tilespmem:$0x19820] =	vst v63  }
0x15b: {  	_ =	swait.ge [sflag:s18], $0x3200  }
0x15c: {  	[sflag:s18] =	ssyncset.done $0x0  }
0x15d: {  	s17 =	rddreg [dreg:$0x13];
	[sflag:s18] =	ssyncadd.s32 $0xFFFFCE00  }
0x15e: {  	[spmem:s2] =	stream.indirect.scatter.add.f32 [tilespmem:s13], [sflag:$0x6], $0x20, s17, s7, $0xb8;
	[tilespmem:$0x19820] =	vst v63  }
0x15f: {  	_ =	swait.ge [sflag:s5], $0x3200  }
0x160: {  	[sflag:s5] =	ssyncset.done $0x0  }
0x161: {  	s17 =	rddreg [dreg:$0x14];
	[sflag:s5] =	ssyncadd.s32 $0xFFFFCE00  }
0x162: {  	[tilespmem:s13], [sflag:$0x1] =	stream.indirect.gather [hbm4b:s6+s7], $0x20, s17, s7, $0xb8;
	[tilespmem:$0x19820] =	vst v63  }
0x163: {  	_ =	swait.ge [sflag:s16], $0x3200  }
0x164: {  	[sflag:s16] =	ssyncset.done $0x0  }
0x165: {  	s17 =	rddreg [dreg:$0x15];
	[sflag:s16] =	ssyncadd.s32 $0xFFFFCE00  }
0x166: {  	[spmem:s2] =	stream.indirect.scatter.add.f32 [tilespmem:s11], [sflag:$0x6], $0x20, s17, s7, $0xb8;
	[tilespmem:$0x19820] =	vst v63  }
0x167: {  	_ =	swait.ge [sflag:s5], $0x3200  }
0x168: {  	[sflag:s5] =	ssyncset.done $0x0  }
0x169: {  	s17 =	rddreg [dreg:$0x16];
	[sflag:s5] =	ssyncadd.s32 $0xFFFFCE00  }
0x16a: {  	[tilespmem:s11], [sflag:$0x2] =	stream.indirect.gather [hbm4b:s6+s7], $0x20, s17, s7, $0xb8;
	[tilespmem:$0x19820] =	vst v63  }
0x16b: {  	_ =	swait.ge [sflag:s15], $0x3200  }
0x16c: {  	[sflag:s15] =	ssyncset.done $0x0  }
0x16d: {  	s17 =	rddreg [dreg:$0x17];
	[sflag:s15] =	ssyncadd.s32 $0xFFFFCE00  }
0x16e: {  	[spmem:s2] =	stream.indirect.scatter.add.f32 [tilespmem:s10], [sflag:$0x6], $0x20, s17, s7, $0xb8;
	[tilespmem:$0x19820] =	vst v63  }
0x16f: {  	_ =	swait.ge [sflag:s5], $0x3200  }
0x170: {  	[sflag:s5] =	ssyncset.done $0x0  }
0x171: {  	s17 =	rddreg [dreg:$0x18];
	[sflag:s5] =	ssyncadd.s32 $0xFFFFCE00  }
0x172: {  	[tilespmem:s10], [sflag:$0x3] =	stream.indirect.gather [hbm4b:s6+s7], $0x20, s17, s7, $0xb8;
	[tilespmem:$0x19820] =	vst v63  }
0x173: {  	_ =	swait.ge [sflag:s14], $0x3200  }
0x174: {  	[sflag:s14] =	ssyncset.done $0x0  }
0x175: {  	s17 =	rddreg [dreg:$0x19];
	[sflag:s14] =	ssyncadd.s32 $0xFFFFCE00  }
0x176: {  	[spmem:s2] =	stream.indirect.scatter.add.f32 [tilespmem:s9], [sflag:$0x6], $0x20, s17, s7, $0xb8;
	[tilespmem:$0x19820] =	vst v63  }
0x177: {  	_ =	swait.ge [sflag:s5], $0x3200  }
0x178: {  	[sflag:s5] =	ssyncset.done $0x0  }
0x179: {  	s17 =	rddreg [dreg:$0x1a];
	[sflag:s5] =	ssyncadd.s32 $0xFFFFCE00  }
0x17a: {  	[tilespmem:s9], [sflag:$0x4] =	stream.indirect.gather [hbm4b:s6+s7], $0x20, s17, s7, $0xb8;
	[tilespmem:$0x19820] =	vst v63  }
0x17b: {  	_ =	swait.ge [sflag:s12], $0x3200  }
0x17c: {  	[sflag:s12] =	ssyncset.done $0x0  }
0x17d: {  	s17 =	rddreg [dreg:$0x1b];
	[sflag:s12] =	ssyncadd.s32 $0xFFFFCE00  }
0x17e: {  	[spmem:s2] =	stream.indirect.scatter.add.f32 [tilespmem:s8], [sflag:$0x6], $0x20, s17, s7, $0xb8;
	[tilespmem:$0x19820] =	vst v63  }
0x17f: {  	_ =	swait.ge [sflag:s5], $0x3200  }
0x180: {  	[sflag:s5] =	ssyncset.done $0x0  }
0x181: {  	s17 =	rddreg [dreg:$0x1c];
	[sflag:s5] =	ssyncadd.s32 $0xFFFFCE00  }
0x182: {  	[tilespmem:s8], [sflag:$0x5] =	stream.indirect.gather [hbm4b:s6+s7], $0x20, s17, s7, $0xb8;
	[tilespmem:$0x19820] =	vst v63  }
0x183: {  	_ =	swait.ge [sflag:s18], $0x3200  }
0x184: {  	[sflag:s18] =	ssyncset.done $0x0  }
0x185: {  	s17 =	rddreg [dreg:$0x1d];
	[sflag:s18] =	ssyncadd.s32 $0xFFFFCE00  }
0x186: {  	[spmem:s2] =	stream.indirect.scatter.add.f32 [tilespmem:s13], [sflag:$0x6], $0x20, s17, s7, $0xb8;
	[tilespmem:$0x19820] =	vst v63  }
0x187: {  	_ =	swait.ge [sflag:s5], $0x3200  }
0x188: {  	[sflag:s5] =	ssyncset.done $0x0  }
0x189: {  	s17 =	rddreg [dreg:$0x1e];
	[sflag:s5] =	ssyncadd.s32 $0xFFFFCE00  }
0x18a: {  	[tilespmem:s13], [sflag:$0x1] =	stream.indirect.gather [hbm4b:s6+s7], $0x20, s17, s7, $0xb8;
	[tilespmem:$0x19820] =	vst v63  }
0x18b: {  	_ =	swait.ge [sflag:s16], $0x3200  }
0x18c: {  	[sflag:s16] =	ssyncset.done $0x0  }
0x18d: {  	s17 =	rddreg [dreg:$0x1f];
	[sflag:s16] =	ssyncadd.s32 $0xFFFFCE00  }
0x18e: {  	[spmem:s2] =	stream.indirect.scatter.add.f32 [tilespmem:s11], [sflag:$0x6], $0x20, s17, s7, $0xb8;
	[tilespmem:$0x19820] =	vst v63  }
0x18f: {  	_ =	swait.ge [sflag:s5], $0x3200  }
0x190: {  	s17 =	sld [smem:$0x7F3]  }
0x191: {  	[sflag:s5] =	ssyncset.done $0x0  }
0x192: {  	[sflag:s5] =	ssyncadd.s32 $0xFFFFCE00  }
0x193: {  	[tilespmem:s11], [sflag:$0x2] =	stream.indirect.gather [hbm4b:s6+s7], $0x20, s17, s7, $0xb8;
	[tilespmem:$0x19820] =	vst v63  }
0x194: {  	_ =	swait.ge [sflag:s15], $0x3200  }
0x195: {  	s17 =	sld [smem:$0x7F4]  }
0x196: {  	[sflag:s15] =	ssyncset.done $0x0  }
0x197: {  	[sflag:s15] =	ssyncadd.s32 $0xFFFFCE00  }
0x198: {  	[spmem:s2] =	stream.indirect.scatter.add.f32 [tilespmem:s10], [sflag:$0x6], $0x20, s17, s7, $0xb8;
	[tilespmem:$0x19820] =	vst v63  }
0x199: {  	_ =	swait.ge [sflag:s5], $0x3200  }
0x19a: {  	s17 =	sld [smem:$0x7F5]  }
0x19b: {  	[sflag:s5] =	ssyncset.done $0x0  }
0x19c: {  	[sflag:s5] =	ssyncadd.s32 $0xFFFFCE00  }
0x19d: {  	[tilespmem:s10], [sflag:$0x3] =	stream.indirect.gather [hbm4b:s6+s7], $0x20, s17, s7, $0xb8;
	[tilespmem:$0x19820] =	vst v63  }
0x19e: {  	_ =	swait.ge [sflag:s14], $0x3200  }
0x19f: {  	s17 =	sld [smem:$0x7F6]  }
0x1a0: {  	[sflag:s14] =	ssyncset.done $0x0  }
0x1a1: {  	[sflag:s14] =	ssyncadd.s32 $0xFFFFCE00  }
0x1a2: {  	[spmem:s2] =	stream.indirect.scatter.add.f32 [tilespmem:s9], [sflag:$0x6], $0x20, s17, s7, $0xb8;
	[tilespmem:$0x19820] =	vst v63  }
0x1a3: {  	_ =	swait.ge [sflag:s5], $0x3200  }
0x1a4: {  	s17 =	sld [smem:$0x7F7]  }
0x1a5: {  	[sflag:s5] =	ssyncset.done $0x0  }
0x1a6: {  	[sflag:s5] =	ssyncadd.s32 $0xFFFFCE00  }
0x1a7: {  	[tilespmem:s9], [sflag:$0x4] =	stream.indirect.gather [hbm4b:s6+s7], $0x20, s17, s7, $0xb8;
	[tilespmem:$0x19820] =	vst v63  }
0x1a8: {  	_ =	swait.ge [sflag:s12], $0x3200  }
0x1a9: {  	s17 =	sld [smem:$0x7F8]  }
0x1aa: {  	[sflag:s12] =	ssyncset.done $0x0  }
0x1ab: {  	[sflag:s12] =	ssyncadd.s32 $0xFFFFCE00  }
0x1ac: {  	[spmem:s2] =	stream.indirect.scatter.add.f32 [tilespmem:s8], [sflag:$0x6], $0x20, s17, s7, $0xb8;
	[tilespmem:$0x19820] =	vst v63  }
0x1ad: {  	_ =	swait.ge [sflag:s5], $0x3200  }
0x1ae: {  	s17 =	sld [smem:$0x7F9]  }
0x1af: {  	[sflag:s5] =	ssyncset.done $0x0  }
0x1b0: {  	[sflag:s5] =	ssyncadd.s32 $0xFFFFCE00  }
0x1b1: {  	[tilespmem:s8], [sflag:$0x5] =	stream.indirect.gather [hbm4b:s6+s7], $0x20, s17, s7, $0xb8;
	[tilespmem:$0x19820] =	vst v63  }
0x1b2: {  	_ =	swait.ge [sflag:s18], $0x3200  }
0x1b3: {  	s17 =	sld [smem:$0x7FA]  }
0x1b4: {  	[sflag:s18] =	ssyncset.done $0x0  }
0x1b5: {  	[sflag:s18] =	ssyncadd.s32 $0xFFFFCE00  }
0x1b6: {  	[spmem:s2] =	stream.indirect.scatter.add.f32 [tilespmem:s13], [sflag:$0x6], $0x20, s17, s7, $0xb8;
	[tilespmem:$0x19820] =	vst v63  }
0x1b7: {  	_ =	swait.ge [sflag:s5], $0x3200  }
0x1b8: {  	s17 =	sld [smem:$0x7FB]  }
0x1b9: {  	[sflag:s5] =	ssyncset.done $0x0  }
0x1ba: {  	[sflag:s5] =	ssyncadd.s32 $0xFFFFCE00  }
0x1bb: {  	[tilespmem:s13], [sflag:$0x1] =	stream.indirect.gather [hbm4b:s6+s7], $0x20, s17, s7, $0xb8;
	[tilespmem:$0x19820] =	vst v63  }
0x1bc: {  	_ =	swait.ge [sflag:s16], $0x3200  }
0x1bd: {  	s17 =	sld [smem:$0x7FC]  }
0x1be: {  	[sflag:s16] =	ssyncset.done $0x0  }
0x1bf: {  	[sflag:s16] =	ssyncadd.s32 $0xFFFFCE00  }
0x1c0: {  	[spmem:s2] =	stream.indirect.scatter.add.f32 [tilespmem:s11], [sflag:$0x6], $0x20, s17, s7, $0xb8;
	[tilespmem:$0x19820] =	vst v63  }
0x1c1: {  	_ =	swait.ge [sflag:s5], $0x3200  }
0x1c2: {  	s17 =	sld [smem:$0x7FD]  }
0x1c3: {  	[sflag:s5] =	ssyncset.done $0x0  }
0x1c4: {  	[sflag:s5] =	ssyncadd.s32 $0xFFFFCE00  }
0x1c5: {  	[tilespmem:s11], [sflag:$0x2] =	stream.indirect.gather [hbm4b:s6+s7], $0x20, s17, s7, $0xb8;
	[tilespmem:$0x19820] =	vst v63  }
0x1c6: {  	_ =	swait.ge [sflag:s15], $0x3200  }
0x1c7: {  	[sflag:s15] =	ssyncset.done $0x0  }
0x1c8: {  	[sflag:s15] =	ssyncadd.s32 $0xFFFFCE00  }
0x1c9: {  	[spmem:s2] =	stream.indirect.scatter.add.f32 [tilespmem:s10], [sflag:$0x6], $0x20, s24, s7, $0xb8;
	[tilespmem:$0x19820] =	vst v63  }
0x1ca: {  	_ =	swait.ge [sflag:s5], $0x3200  }
0x1cb: {  	[sflag:s5] =	ssyncset.done $0x0  }
0x1cc: {  	[sflag:s5] =	ssyncadd.s32 $0xFFFFCE00  }
0x1cd: {  	[tilespmem:s10], [sflag:$0x3] =	stream.indirect.gather [hbm4b:s6+s7], $0x20, s29, s7, $0xb8;
	[tilespmem:$0x19820] =	vst v63  }
0x1ce: {  	_ =	swait.ge [sflag:s14], $0x3200  }
0x1cf: {  	[sflag:s14] =	ssyncset.done $0x0  }
0x1d0: {  	[sflag:s14] =	ssyncadd.s32 $0xFFFFCE00  }
0x1d1: {  	[spmem:s2] =	stream.indirect.scatter.add.f32 [tilespmem:s9], [sflag:$0x6], $0x20, s28, s7, $0xb8;
	[tilespmem:$0x19820] =	vst v63  }
0x1d2: {  	_ =	swait.ge [sflag:s5], $0x3200  }
0x1d3: {  	[sflag:s5] =	ssyncset.done $0x0  }
0x1d4: {  	[sflag:s5] =	ssyncadd.s32 $0xFFFFCE00  }
0x1d5: {  	[tilespmem:s9], [sflag:$0x4] =	stream.indirect.gather [hbm4b:s6+s7], $0x20, s26, s7, $0xb8;
	[tilespmem:$0x19820] =	vst v63  }
0x1d6: {  	_ =	swait.ge [sflag:s12], $0x3200  }
0x1d7: {  	[sflag:s12] =	ssyncset.done $0x0  }
0x1d8: {  	s17 =	simm.s32 $0x44C0;
	[sflag:s12] =	ssyncadd.s32 $0xFFFFCE00  }
0x1d9: {  	[spmem:s2] =	stream.indirect.scatter.add.f32 [tilespmem:s8], [sflag:$0x6], $0x20, s17, s7, $0xb8;
	[tilespmem:$0x19820] =	vst v63  }
0x1da: {  	_ =	swait.ge [sflag:s5], $0x3200  }
0x1db: {  	[sflag:s5] =	ssyncset.done $0x0  }
0x1dc: {  	[sflag:s5] =	ssyncadd.s32 $0xFFFFCE00  }
0x1dd: {  	[tilespmem:s8], [sflag:$0x5] =	stream.indirect.gather [hbm4b:s6+s7], $0x20, s25, s7, $0xb8;
	[tilespmem:$0x19820] =	vst v63  }
0x1de: {  	_ =	swait.ge [sflag:s18], $0x3200  }
0x1df: {  	[sflag:s18] =	ssyncset.done $0x0  }
0x1e0: {  	[sflag:s18] =	ssyncadd.s32 $0xFFFFCE00  }
0x1e1: {  	[spmem:s2] =	stream.indirect.scatter.add.f32 [tilespmem:s13], [sflag:$0x6], $0x20, s23, s7, $0xb8;
	[tilespmem:$0x19820] =	vst v63  }
0x1e2: {  	_ =	swait.ge [sflag:s5], $0x3200  }
0x1e3: {  	[sflag:s5] =	ssyncset.done $0x0  }
0x1e4: {  	[sflag:s5] =	ssyncadd.s32 $0xFFFFCE00  }
0x1e5: {  	_ =	swait.ge [sflag:s16], $0x3200  }
0x1e6: {  	[sflag:s16] =	ssyncset.done $0x0  }
0x1e7: {  	[sflag:s16] =	ssyncadd.s32 $0xFFFFCE00  }
0x1e8: {  	[spmem:s2] =	stream.indirect.scatter.add.f32 [tilespmem:s11], [sflag:$0x6], $0x20, s22, s7, $0xb8;
	[tilespmem:$0x19820] =	vst v63  }
0x1e9: {  	_ =	swait.ge [sflag:s5], $0x3200  }
0x1ea: {  	[sflag:s5] =	ssyncset.done $0x0  }
0x1eb: {  	[sflag:s5] =	ssyncadd.s32 $0xFFFFCE00  }
0x1ec: {  	_ =	swait.ge [sflag:s15], $0x3200  }
0x1ed: {  	[sflag:s15] =	ssyncset.done $0x0  }
0x1ee: {  	[sflag:s15] =	ssyncadd.s32 $0xFFFFCE00  }
0x1ef: {  	[spmem:s2] =	stream.indirect.scatter.add.f32 [tilespmem:s10], [sflag:$0x6], $0x20, s21, s7, $0xb8;
	[tilespmem:$0x19820] =	vst v63  }
0x1f0: {  	_ =	swait.ge [sflag:s5], $0x3200  }
0x1f1: {  	[sflag:s5] =	ssyncset.done $0x0  }
0x1f2: {  	[sflag:s5] =	ssyncadd.s32 $0xFFFFCE00  }
0x1f3: {  	_ =	swait.ge [sflag:s14], $0x3200  }
0x1f4: {  	[sflag:s14] =	ssyncset.done $0x0  }
0x1f5: {  	[sflag:s14] =	ssyncadd.s32 $0xFFFFCE00  }
0x1f6: {  	[spmem:s2] =	stream.indirect.scatter.add.f32 [tilespmem:s9], [sflag:$0x6], $0x20, s20, s7, $0xb8;
	[tilespmem:$0x19820] =	vst v63  }
0x1f7: {  	_ =	swait.ge [sflag:s5], $0x3200  }
0x1f8: {  	[sflag:s5] =	ssyncset.done $0x0  }
0x1f9: {  	[sflag:s5] =	ssyncadd.s32 $0xFFFFCE00  }
0x1fa: {  	_ =	swait.ge [sflag:s12], $0x3200  }
0x1fb: {  	[sflag:s12] =	ssyncset.done $0x0  }
0x1fc: {  	[sflag:s12] =	ssyncadd.s32 $0xFFFFCE00  }
0x1fd: {  	[spmem:s2] =	stream.indirect.scatter.add.f32 [tilespmem:s8], [sflag:$0x6], $0x20, s19, s7, $0xb8;
	[tilespmem:$0x19820] =	vst v63  }
0x1fe: {  	_ =	swait.ge [sflag:s5], $0x3200  }
0x1ff: {  	[sflag:s5] =	ssyncset.done $0x0  }
0x200: {  	p1 =	sne.s32 s1, $0x1;
	[sflag:s5] =	ssyncadd.s32 $0xFFFFCE00  }
.Ltmp2:
0x201: {  	[bflag:$0x0] =	sbarrier.arrive $0xFFFF;
	(pc) =	sbr.rel @p1 .LBB2_4-.Ltmp2, $4  }
0x202: {  	s17 =	rddreg [dreg:$0x6]  }
0x203: {  	[hbm:s17], [sflag:s3] =	dma.local [spmem:s4], $0xA00  }
0x204: {  	_ =	swait.ge [sflag:s5], $0xA00  }
0x205: {  	s1 =	sadd.s32 $0xFFFFFFFF, s1;
	s0 =	rddreg [dreg:$0x3];
	[sflag:s5] =	ssyncset.done $0x0  }
0x206: {  	s19 =	simm.s32 $0x41A0;
	s29 =	simm.s32 $0x2260  }
0x207: {  	s28 =	simm.s32 $0x4330;
	s26 =	simm.s32 $0x23F0;
	s25 =	simm.s32 $0x2580  }
0x208: {  	s24 =	simm.s32 $0x44C0;
	s23 =	simm.s32 $0x4650;
	s22 =	simm.s32 $0x47E0  }
0x209: {  	s21 =	simm.s32 $0x4970;
	s20 =	simm.s32 $0x4B00;
	s17 =	stileid.u32  }
.LBB2_6:
0x20a: {  	[sflag:s5] =	ssyncadd.s32 @p0 $0xFFFFF600  }
0x20b: {  	[spmem:s4], [sflag:s3] =	dma.local [hbm:s0], $0xA00  }
0x20c: {  	_ =	swait.ge [sflag:s5], $0xA00  }
0x20d: {  	[sflag:s5] =	ssyncset.done $0x0  }
0x20e: {  	s1 =	rddreg [dreg:$0x4];
	[sflag:s5] =	ssyncadd.s32 $0xFFFFF600  }
0x20f: {  	[tilespmem:s30], [sflag:$0x6] =	stream.linear.gather [hbm4b:s1+s30], $0x2710, $0x38;
	[tilespmem:$0x19820] =	vst v63  }
0x210: {  	_ =	swait.ge [sflag:s5], $0x2710  }
0x211: {  	[sflag:s5] =	ssyncset.done $0x0  }
0x212: {  	s1 =	rddreg [dreg:$0x5];
	[sflag:s5] =	ssyncadd.s32 $0xFFFFD8F0  }
0x213: {  	[tilespmem:s31], [sflag:$0x6] =	stream.linear.gather [hbm4b:s1+s30], $0x2710, $0x38;
	[tilespmem:$0x19820] =	vst v63  }
0x214: {  	_ =	swait.ge [sflag:s5], $0x2710  }
0x215: {  	[sflag:s5] =	ssyncset.done $0x0  }
0x216: {  	[sflag:s5] =	ssyncadd.s32 $0xFFFFD8F0  }
0x217: {  	[bflag:$0x0] =	sbarrier.arrive $0xFFFF  }
0x218: {  	[tilespmem:s13], [sflag:$0x1] =	stream.indirect.gather [hbm4b:s6+s7], $0x20, s30, s7, $0xb8;
	[tilespmem:$0x19820] =	vst v63  }
0x219: {  	_ = 	snop  }
0x21a: {  	[tilespmem:s11], [sflag:$0x2] =	stream.indirect.gather [hbm4b:s6+s7], $0x20, s7, s7, $0xb8;
	[tilespmem:$0x19820] =	vst v63  }
0x21b: {  	s30 =	rddreg [dreg:$0x7]  }
0x21c: {  	[tilespmem:s10], [sflag:$0x3] =	stream.indirect.gather [hbm4b:s6+s7], $0x20, s30, s7, $0xb8;
	[tilespmem:$0x19820] =	vst v63  }
0x21d: {  	s1 =	rddreg [dreg:$0x8]  }
0x21e: {  	[tilespmem:s9], [sflag:$0x4] =	stream.indirect.gather [hbm4b:s6+s7], $0x20, s1, s7, $0xb8;
	[tilespmem:$0x19820] =	vst v63  }
0x21f: {  	s30 =	rddreg [dreg:$0x9]  }
0x220: {  	[tilespmem:s8], [sflag:$0x5] =	stream.indirect.gather [hbm4b:s6+s7], $0x20, s30, s7, $0xb8;
	[tilespmem:$0x19820] =	vst v63  }
0x221: {  	_ =	swait.ge [sflag:s18], $0x3200  }
0x222: {  	[sflag:s18] =	ssyncset.done $0x0  }
0x223: {  	[sflag:s18] =	ssyncadd.s32 $0xFFFFCE00  }
0x224: {  	[spmem:s2] =	stream.indirect.scatter.add.f32 [tilespmem:s13], [sflag:$0x6], $0x20, s31, s7, $0xb8;
	[tilespmem:$0x19820] =	vst v63  }
0x225: {  	_ =	swait.ge [sflag:s5], $0x3200  }
0x226: {  	[sflag:s5] =	ssyncset.done $0x0  }
0x227: {  	s30 =	rddreg [dreg:$0xa];
	[sflag:s5] =	ssyncadd.s32 $0xFFFFCE00  }
0x228: {  	[tilespmem:s13], [sflag:$0x1] =	stream.indirect.gather [hbm4b:s6+s7], $0x20, s30, s7, $0xb8;
	[tilespmem:$0x19820] =	vst v63  }
0x229: {  	_ =	swait.ge [sflag:s16], $0x3200  }
0x22a: {  	[sflag:s16] =	ssyncset.done $0x0  }
0x22b: {  	s31 =	rddreg [dreg:$0xb];
	[sflag:s16] =	ssyncadd.s32 $0xFFFFCE00  }
0x22c: {  	[spmem:s2] =	stream.indirect.scatter.add.f32 [tilespmem:s11], [sflag:$0x6], $0x20, s31, s7, $0xb8;
	[tilespmem:$0x19820] =	vst v63  }
0x22d: {  	_ =	swait.ge [sflag:s5], $0x3200  }
0x22e: {  	[sflag:s5] =	ssyncset.done $0x0  }
0x22f: {  	s1 =	rddreg [dreg:$0xc];
	[sflag:s5] =	ssyncadd.s32 $0xFFFFCE00  }
0x230: {  	[tilespmem:s11], [sflag:$0x2] =	stream.indirect.gather [hbm4b:s6+s7], $0x20, s1, s7, $0xb8;
	[tilespmem:$0x19820] =	vst v63  }
0x231: {  	_ =	swait.ge [sflag:s15], $0x3200  }
0x232: {  	[sflag:s15] =	ssyncset.done $0x0  }
0x233: {  	s30 =	rddreg [dreg:$0xd];
	[sflag:s15] =	ssyncadd.s32 $0xFFFFCE00  }
0x234: {  	[spmem:s2] =	stream.indirect.scatter.add.f32 [tilespmem:s10], [sflag:$0x6], $0x20, s30, s7, $0xb8;
	[tilespmem:$0x19820] =	vst v63  }
0x235: {  	_ =	swait.ge [sflag:s5], $0x3200  }
0x236: {  	[sflag:s5] =	ssyncset.done $0x0  }
0x237: {  	s31 =	rddreg [dreg:$0xe];
	[sflag:s5] =	ssyncadd.s32 $0xFFFFCE00  }
0x238: {  	[tilespmem:s10], [sflag:$0x3] =	stream.indirect.gather [hbm4b:s6+s7], $0x20, s31, s7, $0xb8;
	[tilespmem:$0x19820] =	vst v63  }
0x239: {  	_ =	swait.ge [sflag:s14], $0x3200  }
0x23a: {  	[sflag:s14] =	ssyncset.done $0x0  }
0x23b: {  	s1 =	rddreg [dreg:$0xf];
	[sflag:s14] =	ssyncadd.s32 $0xFFFFCE00  }
0x23c: {  	[spmem:s2] =	stream.indirect.scatter.add.f32 [tilespmem:s9], [sflag:$0x6], $0x20, s1, s7, $0xb8;
	[tilespmem:$0x19820] =	vst v63  }
0x23d: {  	_ =	swait.ge [sflag:s5], $0x3200  }
0x23e: {  	[sflag:s5] =	ssyncset.done $0x0  }
0x23f: {  	s30 =	rddreg [dreg:$0x10];
	[sflag:s5] =	ssyncadd.s32 $0xFFFFCE00  }
0x240: {  	[tilespmem:s9], [sflag:$0x4] =	stream.indirect.gather [hbm4b:s6+s7], $0x20, s30, s7, $0xb8;
	[tilespmem:$0x19820] =	vst v63  }
0x241: {  	_ =	swait.ge [sflag:s12], $0x3200  }
0x242: {  	[sflag:s12] =	ssyncset.done $0x0  }
0x243: {  	s31 =	rddreg [dreg:$0x11];
	[sflag:s12] =	ssyncadd.s32 $0xFFFFCE00  }
0x244: {  	[spmem:s2] =	stream.indirect.scatter.add.f32 [tilespmem:s8], [sflag:$0x6], $0x20, s31, s7, $0xb8;
	[tilespmem:$0x19820] =	vst v63  }
0x245: {  	_ =	swait.ge [sflag:s5], $0x3200  }
0x246: {  	[sflag:s5] =	ssyncset.done $0x0  }
0x247: {  	s1 =	rddreg [dreg:$0x12];
	[sflag:s5] =	ssyncadd.s32 $0xFFFFCE00  }
0x248: {  	[tilespmem:s8], [sflag:$0x5] =	stream.indirect.gather [hbm4b:s6+s7], $0x20, s1, s7, $0xb8;
	[tilespmem:$0x19820] =	vst v63  }
0x249: {  	_ =	swait.ge [sflag:s18], $0x3200  }
0x24a: {  	[sflag:s18] =	ssyncset.done $0x0  }
0x24b: {  	s30 =	rddreg [dreg:$0x13];
	[sflag:s18] =	ssyncadd.s32 $0xFFFFCE00  }
0x24c: {  	[spmem:s2] =	stream.indirect.scatter.add.f32 [tilespmem:s13], [sflag:$0x6], $0x20, s30, s7, $0xb8;
	[tilespmem:$0x19820] =	vst v63  }
0x24d: {  	_ =	swait.ge [sflag:s5], $0x3200  }
0x24e: {  	[sflag:s5] =	ssyncset.done $0x0  }
0x24f: {  	s31 =	rddreg [dreg:$0x14];
	[sflag:s5] =	ssyncadd.s32 $0xFFFFCE00  }
0x250: {  	[tilespmem:s13], [sflag:$0x1] =	stream.indirect.gather [hbm4b:s6+s7], $0x20, s31, s7, $0xb8;
	[tilespmem:$0x19820] =	vst v63  }
0x251: {  	_ =	swait.ge [sflag:s16], $0x3200  }
0x252: {  	[sflag:s16] =	ssyncset.done $0x0  }
0x253: {  	s1 =	rddreg [dreg:$0x15];
	[sflag:s16] =	ssyncadd.s32 $0xFFFFCE00  }
0x254: {  	[spmem:s2] =	stream.indirect.scatter.add.f32 [tilespmem:s11], [sflag:$0x6], $0x20, s1, s7, $0xb8;
	[tilespmem:$0x19820] =	vst v63  }
0x255: {  	_ =	swait.ge [sflag:s5], $0x3200  }
0x256: {  	[sflag:s5] =	ssyncset.done $0x0  }
0x257: {  	s30 =	rddreg [dreg:$0x16];
	[sflag:s5] =	ssyncadd.s32 $0xFFFFCE00  }
0x258: {  	[tilespmem:s11], [sflag:$0x2] =	stream.indirect.gather [hbm4b:s6+s7], $0x20, s30, s7, $0xb8;
	[tilespmem:$0x19820] =	vst v63  }
0x259: {  	_ =	swait.ge [sflag:s15], $0x3200  }
0x25a: {  	[sflag:s15] =	ssyncset.done $0x0  }
0x25b: {  	s31 =	rddreg [dreg:$0x17];
	[sflag:s15] =	ssyncadd.s32 $0xFFFFCE00  }
0x25c: {  	[spmem:s2] =	stream.indirect.scatter.add.f32 [tilespmem:s10], [sflag:$0x6], $0x20, s31, s7, $0xb8;
	[tilespmem:$0x19820] =	vst v63  }
0x25d: {  	_ =	swait.ge [sflag:s5], $0x3200  }
0x25e: {  	[sflag:s5] =	ssyncset.done $0x0  }
0x25f: {  	s1 =	rddreg [dreg:$0x18];
	[sflag:s5] =	ssyncadd.s32 $0xFFFFCE00  }
0x260: {  	[tilespmem:s10], [sflag:$0x3] =	stream.indirect.gather [hbm4b:s6+s7], $0x20, s1, s7, $0xb8;
	[tilespmem:$0x19820] =	vst v63  }
0x261: {  	_ =	swait.ge [sflag:s14], $0x3200  }
0x262: {  	[sflag:s14] =	ssyncset.done $0x0  }
0x263: {  	s30 =	rddreg [dreg:$0x19];
	[sflag:s14] =	ssyncadd.s32 $0xFFFFCE00  }
0x264: {  	[spmem:s2] =	stream.indirect.scatter.add.f32 [tilespmem:s9], [sflag:$0x6], $0x20, s30, s7, $0xb8;
	[tilespmem:$0x19820] =	vst v63  }
0x265: {  	_ =	swait.ge [sflag:s5], $0x3200  }
0x266: {  	[sflag:s5] =	ssyncset.done $0x0  }
0x267: {  	s31 =	rddreg [dreg:$0x1a];
	[sflag:s5] =	ssyncadd.s32 $0xFFFFCE00  }
0x268: {  	[tilespmem:s9], [sflag:$0x4] =	stream.indirect.gather [hbm4b:s6+s7], $0x20, s31, s7, $0xb8;
	[tilespmem:$0x19820] =	vst v63  }
0x269: {  	_ =	swait.ge [sflag:s12], $0x3200  }
0x26a: {  	[sflag:s12] =	ssyncset.done $0x0  }
0x26b: {  	s1 =	rddreg [dreg:$0x1b];
	[sflag:s12] =	ssyncadd.s32 $0xFFFFCE00  }
0x26c: {  	[spmem:s2] =	stream.indirect.scatter.add.f32 [tilespmem:s8], [sflag:$0x6], $0x20, s1, s7, $0xb8;
	[tilespmem:$0x19820] =	vst v63  }
0x26d: {  	_ =	swait.ge [sflag:s5], $0x3200  }
0x26e: {  	[sflag:s5] =	ssyncset.done $0x0  }
0x26f: {  	s30 =	rddreg [dreg:$0x1c];
	[sflag:s5] =	ssyncadd.s32 $0xFFFFCE00  }
0x270: {  	[tilespmem:s8], [sflag:$0x5] =	stream.indirect.gather [hbm4b:s6+s7], $0x20, s30, s7, $0xb8;
	[tilespmem:$0x19820] =	vst v63  }
0x271: {  	_ =	swait.ge [sflag:s18], $0x3200  }
0x272: {  	[sflag:s18] =	ssyncset.done $0x0  }
0x273: {  	s31 =	rddreg [dreg:$0x1d];
	[sflag:s18] =	ssyncadd.s32 $0xFFFFCE00  }
0x274: {  	[spmem:s2] =	stream.indirect.scatter.add.f32 [tilespmem:s13], [sflag:$0x6], $0x20, s31, s7, $0xb8;
	[tilespmem:$0x19820] =	vst v63  }
0x275: {  	_ =	swait.ge [sflag:s5], $0x3200  }
0x276: {  	[sflag:s5] =	ssyncset.done $0x0  }
0x277: {  	s1 =	rddreg [dreg:$0x1e];
	[sflag:s5] =	ssyncadd.s32 $0xFFFFCE00  }
0x278: {  	[tilespmem:s13], [sflag:$0x1] =	stream.indirect.gather [hbm4b:s6+s7], $0x20, s1, s7, $0xb8;
	[tilespmem:$0x19820] =	vst v63  }
0x279: {  	_ =	swait.ge [sflag:s16], $0x3200  }
0x27a: {  	[sflag:s16] =	ssyncset.done $0x0  }
0x27b: {  	s30 =	rddreg [dreg:$0x1f];
	[sflag:s16] =	ssyncadd.s32 $0xFFFFCE00  }
0x27c: {  	[spmem:s2] =	stream.indirect.scatter.add.f32 [tilespmem:s11], [sflag:$0x6], $0x20, s30, s7, $0xb8;
	[tilespmem:$0x19820] =	vst v63  }
0x27d: {  	_ =	swait.ge [sflag:s5], $0x3200  }
0x27e: {  	s31 =	sld [smem:$0x7F3]  }
0x27f: {  	[sflag:s5] =	ssyncset.done $0x0  }
0x280: {  	[sflag:s5] =	ssyncadd.s32 $0xFFFFCE00  }
0x281: {  	[tilespmem:s11], [sflag:$0x2] =	stream.indirect.gather [hbm4b:s6+s7], $0x20, s31, s7, $0xb8;
	[tilespmem:$0x19820] =	vst v63  }
0x282: {  	_ =	swait.ge [sflag:s15], $0x3200  }
0x283: {  	s1 =	sld [smem:$0x7F4]  }
0x284: {  	[sflag:s15] =	ssyncset.done $0x0  }
0x285: {  	[sflag:s15] =	ssyncadd.s32 $0xFFFFCE00  }
0x286: {  	[spmem:s2] =	stream.indirect.scatter.add.f32 [tilespmem:s10], [sflag:$0x6], $0x20, s1, s7, $0xb8;
	[tilespmem:$0x19820] =	vst v63  }
0x287: {  	_ =	swait.ge [sflag:s5], $0x3200  }
0x288: {  	s30 =	sld [smem:$0x7F5]  }
0x289: {  	[sflag:s5] =	ssyncset.done $0x0  }
0x28a: {  	[sflag:s5] =	ssyncadd.s32 $0xFFFFCE00  }
0x28b: {  	[tilespmem:s10], [sflag:$0x3] =	stream.indirect.gather [hbm4b:s6+s7], $0x20, s30, s7, $0xb8;
	[tilespmem:$0x19820] =	vst v63  }
0x28c: {  	_ =	swait.ge [sflag:s14], $0x3200  }
0x28d: {  	s31 =	sld [smem:$0x7F6]  }
0x28e: {  	[sflag:s14] =	ssyncset.done $0x0  }
0x28f: {  	[sflag:s14] =	ssyncadd.s32 $0xFFFFCE00  }
0x290: {  	[spmem:s2] =	stream.indirect.scatter.add.f32 [tilespmem:s9], [sflag:$0x6], $0x20, s31, s7, $0xb8;
	[tilespmem:$0x19820] =	vst v63  }
0x291: {  	_ =	swait.ge [sflag:s5], $0x3200  }
0x292: {  	s1 =	sld [smem:$0x7F7]  }
0x293: {  	[sflag:s5] =	ssyncset.done $0x0  }
0x294: {  	[sflag:s5] =	ssyncadd.s32 $0xFFFFCE00  }
0x295: {  	[tilespmem:s9], [sflag:$0x4] =	stream.indirect.gather [hbm4b:s6+s7], $0x20, s1, s7, $0xb8;
	[tilespmem:$0x19820] =	vst v63  }
0x296: {  	_ =	swait.ge [sflag:s12], $0x3200  }
0x297: {  	s30 =	sld [smem:$0x7F8]  }
0x298: {  	[sflag:s12] =	ssyncset.done $0x0  }
0x299: {  	[sflag:s12] =	ssyncadd.s32 $0xFFFFCE00  }
0x29a: {  	[spmem:s2] =	stream.indirect.scatter.add.f32 [tilespmem:s8], [sflag:$0x6], $0x20, s30, s7, $0xb8;
	[tilespmem:$0x19820] =	vst v63  }
0x29b: {  	_ =	swait.ge [sflag:s5], $0x3200  }
0x29c: {  	s31 =	sld [smem:$0x7F9]  }
0x29d: {  	[sflag:s5] =	ssyncset.done $0x0  }
0x29e: {  	[sflag:s5] =	ssyncadd.s32 $0xFFFFCE00  }
0x29f: {  	[tilespmem:s8], [sflag:$0x5] =	stream.indirect.gather [hbm4b:s6+s7], $0x20, s31, s7, $0xb8;
	[tilespmem:$0x19820] =	vst v63  }
0x2a0: {  	_ =	swait.ge [sflag:s18], $0x3200  }
0x2a1: {  	s1 =	sld [smem:$0x7FA]  }
0x2a2: {  	[sflag:s18] =	ssyncset.done $0x0  }
0x2a3: {  	[sflag:s18] =	ssyncadd.s32 $0xFFFFCE00  }
0x2a4: {  	[spmem:s2] =	stream.indirect.scatter.add.f32 [tilespmem:s13], [sflag:$0x6], $0x20, s1, s7, $0xb8;
	[tilespmem:$0x19820] =	vst v63  }
0x2a5: {  	_ =	swait.ge [sflag:s5], $0x3200  }
0x2a6: {  	s30 =	sld [smem:$0x7FB]  }
0x2a7: {  	[sflag:s5] =	ssyncset.done $0x0  }
0x2a8: {  	[sflag:s5] =	ssyncadd.s32 $0xFFFFCE00  }
0x2a9: {  	[tilespmem:s13], [sflag:$0x1] =	stream.indirect.gather [hbm4b:s6+s7], $0x20, s30, s7, $0xb8;
	[tilespmem:$0x19820] =	vst v63  }
0x2aa: {  	_ =	swait.ge [sflag:s16], $0x3200  }
0x2ab: {  	s31 =	sld [smem:$0x7FC]  }
0x2ac: {  	[sflag:s16] =	ssyncset.done $0x0  }
0x2ad: {  	[sflag:s16] =	ssyncadd.s32 $0xFFFFCE00  }
0x2ae: {  	[spmem:s2] =	stream.indirect.scatter.add.f32 [tilespmem:s11], [sflag:$0x6], $0x20, s31, s7, $0xb8;
	[tilespmem:$0x19820] =	vst v63  }
0x2af: {  	_ =	swait.ge [sflag:s5], $0x3200  }
0x2b0: {  	s1 =	sld [smem:$0x7FD]  }
0x2b1: {  	[sflag:s5] =	ssyncset.done $0x0  }
0x2b2: {  	[sflag:s5] =	ssyncadd.s32 $0xFFFFCE00  }
0x2b3: {  	[tilespmem:s11], [sflag:$0x2] =	stream.indirect.gather [hbm4b:s6+s7], $0x20, s1, s7, $0xb8;
	[tilespmem:$0x19820] =	vst v63  }
0x2b4: {  	_ =	swait.ge [sflag:s15], $0x3200  }
0x2b5: {  	[sflag:s15] =	ssyncset.done $0x0  }
0x2b6: {  	[sflag:s15] =	ssyncadd.s32 $0xFFFFCE00  }
0x2b7: {  	[spmem:s2] =	stream.indirect.scatter.add.f32 [tilespmem:s10], [sflag:$0x6], $0x20, s19, s7, $0xb8;
	[tilespmem:$0x19820] =	vst v63  }
0x2b8: {  	_ =	swait.ge [sflag:s5], $0x3200  }
0x2b9: {  	[sflag:s5] =	ssyncset.done $0x0  }
0x2ba: {  	[sflag:s5] =	ssyncadd.s32 $0xFFFFCE00  }
0x2bb: {  	[tilespmem:s10], [sflag:$0x3] =	stream.indirect.gather [hbm4b:s6+s7], $0x20, s29, s7, $0xb8;
	[tilespmem:$0x19820] =	vst v63  }
0x2bc: {  	_ =	swait.ge [sflag:s14], $0x3200  }
0x2bd: {  	[sflag:s14] =	ssyncset.done $0x0  }
0x2be: {  	[sflag:s14] =	ssyncadd.s32 $0xFFFFCE00  }
0x2bf: {  	[spmem:s2] =	stream.indirect.scatter.add.f32 [tilespmem:s9], [sflag:$0x6], $0x20, s28, s7, $0xb8;
	[tilespmem:$0x19820] =	vst v63  }
0x2c0: {  	_ =	swait.ge [sflag:s5], $0x3200  }
0x2c1: {  	[sflag:s5] =	ssyncset.done $0x0  }
0x2c2: {  	[sflag:s5] =	ssyncadd.s32 $0xFFFFCE00  }
0x2c3: {  	[tilespmem:s9], [sflag:$0x4] =	stream.indirect.gather [hbm4b:s6+s7], $0x20, s26, s7, $0xb8;
	[tilespmem:$0x19820] =	vst v63  }
0x2c4: {  	_ =	swait.ge [sflag:s12], $0x3200  }
0x2c5: {  	[sflag:s12] =	ssyncset.done $0x0  }
0x2c6: {  	[sflag:s12] =	ssyncadd.s32 $0xFFFFCE00  }
0x2c7: {  	[spmem:s2] =	stream.indirect.scatter.add.f32 [tilespmem:s8], [sflag:$0x6], $0x20, s24, s7, $0xb8;
	[tilespmem:$0x19820] =	vst v63  }
0x2c8: {  	_ =	swait.ge [sflag:s5], $0x3200  }
0x2c9: {  	[sflag:s5] =	ssyncset.done $0x0  }
0x2ca: {  	[sflag:s5] =	ssyncadd.s32 $0xFFFFCE00  }
0x2cb: {  	[tilespmem:s8], [sflag:$0x5] =	stream.indirect.gather [hbm4b:s6+s7], $0x20, s25, s7, $0xb8;
	[tilespmem:$0x19820] =	vst v63  }
0x2cc: {  	_ =	swait.ge [sflag:s18], $0x3200  }
0x2cd: {  	[sflag:s18] =	ssyncset.done $0x0  }
0x2ce: {  	[sflag:s18] =	ssyncadd.s32 $0xFFFFCE00  }
0x2cf: {  	[spmem:s2] =	stream.indirect.scatter.add.f32 [tilespmem:s13], [sflag:$0x6], $0x20, s23, s7, $0xb8;
	[tilespmem:$0x19820] =	vst v63  }
0x2d0: {  	_ =	swait.ge [sflag:s5], $0x3200  }
0x2d1: {  	[sflag:s5] =	ssyncset.done $0x0  }
0x2d2: {  	[sflag:s5] =	ssyncadd.s32 $0xFFFFCE00  }
0x2d3: {  	_ =	swait.ge [sflag:s16], $0x3200  }
0x2d4: {  	[sflag:s16] =	ssyncset.done $0x0  }
0x2d5: {  	[sflag:s16] =	ssyncadd.s32 $0xFFFFCE00  }
0x2d6: {  	[spmem:s2] =	stream.indirect.scatter.add.f32 [tilespmem:s11], [sflag:$0x6], $0x20, s22, s7, $0xb8;
	[tilespmem:$0x19820] =	vst v63  }
0x2d7: {  	_ =	swait.ge [sflag:s5], $0x3200  }
0x2d8: {  	[sflag:s5] =	ssyncset.done $0x0  }
0x2d9: {  	[sflag:s5] =	ssyncadd.s32 $0xFFFFCE00  }
0x2da: {  	_ =	swait.ge [sflag:s15], $0x3200  }
0x2db: {  	[sflag:s15] =	ssyncset.done $0x0  }
0x2dc: {  	[sflag:s15] =	ssyncadd.s32 $0xFFFFCE00  }
0x2dd: {  	[spmem:s2] =	stream.indirect.scatter.add.f32 [tilespmem:s10], [sflag:$0x6], $0x20, s21, s7, $0xb8;
	[tilespmem:$0x19820] =	vst v63  }
0x2de: {  	_ =	swait.ge [sflag:s5], $0x3200  }
0x2df: {  	[sflag:s5] =	ssyncset.done $0x0  }
0x2e0: {  	[sflag:s5] =	ssyncadd.s32 $0xFFFFCE00  }
0x2e1: {  	_ =	swait.ge [sflag:s14], $0x3200  }
0x2e2: {  	[sflag:s14] =	ssyncset.done $0x0  }
0x2e3: {  	[sflag:s14] =	ssyncadd.s32 $0xFFFFCE00  }
0x2e4: {  	[spmem:s2] =	stream.indirect.scatter.add.f32 [tilespmem:s9], [sflag:$0x6], $0x20, s20, s7, $0xb8;
	[tilespmem:$0x19820] =	vst v63  }
0x2e5: {  	_ =	swait.ge [sflag:s5], $0x3200  }
0x2e6: {  	[sflag:s5] =	ssyncset.done $0x0  }
0x2e7: {  	[sflag:s5] =	ssyncadd.s32 $0xFFFFCE00  }
0x2e8: {  	_ =	swait.ge [sflag:s12], $0x3200  }
0x2e9: {  	[sflag:s12] =	ssyncset.done $0x0  }
0x2ea: {  	s30 =	simm.s32 $0x4C90;
	[sflag:s12] =	ssyncadd.s32 $0xFFFFCE00  }
0x2eb: {  	[spmem:s2] =	stream.indirect.scatter.add.f32 [tilespmem:s8], [sflag:$0x6], $0x20, s30, s7, $0xb8;
	[tilespmem:$0x19820] =	vst v63  }
0x2ec: {  	_ =	swait.ge [sflag:s5], $0x3200  }
0x2ed: {  	[sflag:s5] =	ssyncset.done $0x0  }
0x2ee: {  	[sflag:s5] =	ssyncadd.s32 $0xFFFFCE00  }
0x2ef: {  	[bflag:$0x0] =	sbarrier.arrive $0xFFFF  }
0x2f0: {  	s31 =	rddreg [dreg:$0x6]  }
0x2f1: {  	[hbm:s31], [sflag:s3] =	dma.local [spmem:s4], $0xA00  }
0x2f2: {  	_ =	swait.ge [sflag:s5], $0xA00  }
0x2f3: {  	[sflag:s5] =	ssyncset.done $0x0  }
0x2f4: {  	[sflag:s5] =	ssyncadd.s32 $0xFFFFF600  }
0x2f5: {  	_ =	sfence.sel $0x180000  }
0x2f6: {  	[bflag:$0x0] =	sbarrier.arrive $0xFFFF  }
0x2f7: {  	_ =	strace $0x9000004A  }
0x2f8: {  	[bflag:$0x2] =	sbarrier.arrive $0xFFFF  }
0x2f9: {  	p0 =	sne.s32 s17, $0x0;
	s0 =	rddreg [dreg:$0x2]  }
0x2fa: {  	s0 =	sadd.s32 @!p0 $0x100000, s0  }
0x2fb: {  	[sflag:s0] =	ssyncadd.tile.s32 @!p0 $0x1;
	_ =	shalt  }
.LBB2_1:
.Ltmp3:
0x2fc: {  	(pc) =	sbr.rel .LBB2_6-.Ltmp3, $4  }
0x2fd: {  	s19 =	simm.s32 $0x41A0  }
0x2fe: {  	s29 =	simm.s32 $0x2260;
	s28 =	simm.s32 $0x4330;
	s26 =	simm.s32 $0x23F0  }
0x2ff: {  	s25 =	simm.s32 $0x2580;
	s24 =	simm.s32 $0x44C0;
	s23 =	simm.s32 $0x4650  }
0x300: {  	s22 =	simm.s32 $0x47E0;
	s21 =	simm.s32 $0x4970;
	s20 =	simm.s32 $0x4B00  }
.LBB2_3:
.Ltmp4:
0x301: {  	(pc) =	sbr.rel .LBB2_6-.Ltmp4, $4  }
0x302: {  	s19 =	simm.s32 $0x41A0;
	s29 =	simm.s32 $0x2260  }
0x303: {  	s28 =	simm.s32 $0x4330;
	s26 =	simm.s32 $0x23F0;
	s25 =	simm.s32 $0x2580  }
0x304: {  	s24 =	simm.s32 $0x44C0;
	s23 =	simm.s32 $0x4650;
	s22 =	simm.s32 $0x47E0  }
0x305: {  	s21 =	simm.s32 $0x4970;
	s20 =	simm.s32 $0x4B00;
	s17 =	stileid.u32  }
.Lfunc_end2:
_tile_overlayer_lowered:
.L_overlay_start_2:
0x306: {  	(tag) =	ssettag $0x2  }
0x307: {  	s0 =	rddreg [dreg:$0x0];
	s2 =	stileid.u32  }
0x308: {  	s1 =	rddreg [dreg:$0x1];
	p0 =	sne.s32 s2, $0x0  }
0x309: {  	s3 =	rddreg [dreg:$0x2];
	[bflag:$0x3] =	sbarrier.arrive $0xFFFF;
	s2 =	simm.s32 @!p0 $0x1C06  }
0x30a: {  	[timem:s3], [sflag:s2] =	dma.local @!p0 [hbm:s0], s1  }
0x30b: {  	s0 =	simm.s32 @!p0 $0x6  }
0x30c: {  	_ =	swait.ge @!p0 [sflag:s0], s1  }
0x30d: {  	s1 =	ssub.s32 @!p0 $0x0, s1;
	[sflag:s0] =	ssyncset.done @!p0 $0x0  }
0x30e: {  	[sflag:s0] =	ssyncadd.s32 @!p0 s1  }
0x30f: {  	[bflag:$0x3] =	sbarrier.arrive $0xFFFF  }
0x310: {  	_ =	shalt  }

// kernel: kernel.7.cloned.1.call-start
scs
__scs_entry_jumppad:
0x0: {  	(pc) =	sbr.rel $0x88, $3  }
0x1: {  	(tag) =	ssettag $0x0;
	lr =	simm.s32 $0x1  }
0x2: {  	[smem:$0x3F9B] =	sst lr;
	_ =	strace $0xD0000000  }
0x3: {  	_ = 	snop  }
0x4: {  	_ = 	snop  }
0x5: {  	_ = 	snop  }
0x6: {  	_ = 	snop  }
0x7: {  	_ = 	snop  }
__scs_overlays_trampoline_lowered:
0x8: {  	[smem:$0x3FAA] =	sst s0  }
0x9: {  	[smem:$0x3FAB] =	sst s1  }
0xa: {  	[smem:$0x3FAC] =	sst s2  }
0xb: {  	[smem:$0x3FAD] =	sst s3  }
0xc: {  	[smem:$0x3FAE] =	sst s4  }
0xd: {  	[smem:$0x3FAF] =	sst s5  }
0xe: {  	[smem:$0x3FB0] =	sst s6  }
0xf: {  	[smem:$0x3FB1] =	sst s7  }
0x10: {  	[smem:$0x3FB2] =	sst s8  }
0x11: {  	[smem:$0x3FB3] =	sst s9;
	s0 =	simm.s32 @!p0 $0x0  }
0x12: {  	s1 =	sld [smem:$0x3F99];
	s0 =	simm.s32 @p0 $0x1  }
0x13: {  	[smem:$0x3FB4] =	sst s0;
	s0 =	simm.s32 @!p1 $0x0  }
0x14: {  	s2 =	sld [smem:$0x3F98];
	s0 =	simm.s32 @p1 $0x1  }
0x15: {  	[smem:$0x3FB5] =	sst s0;
	s0 =	simm.s32 @!p2 $0x0  }
0x16: {  	s3 =	sld [smem:$0x3FDB];
	s0 =	simm.s32 @p2 $0x1  }
0x17: {  	s4 =	simm.s32 $0x1BF5;
	[smem:$0x3FB7] =	sst s0  }
0x18: {  	s0 =	sld [smem:$0x3F9A];
	_ =	swait.ge [sflag:s4], $0x0  }
0x19: {  	s7 =	sld [smem:$0x3F9B]  }
0x1a: {  	s8 =	sadd.s32 $0xFFFFE003, lr  }
0x1b: {  	s9 =	sadd.s32 $0xFFFFFEF7, lr;
	s5 =	simm.s32 $0xFFFFFFFF;
	p2 =	slt.u32 s8, $0xFFFFF086  }
0x1c: {  	p1 =	slt.u32 s9, $0xF7A;
	s5 =	simm.s32 @!p2 $0x0  }
0x1d: {  	s5 =	simm.s32 @p1 $0x1;
	p0 =	seq.s32 s7, s2  }
0x1e: {  	s7 =	smul.u32 @!p0 $0xF7A, s2;
	p2 =	seq.s32 @!p0 s5, $0x0  }
0x1f: {  	s9 =	smul.u32 $0xF7A, s1;
	s8 =	simm.s32 @!p0 $0x1BF5;
	p2 =	por !p2, p0  }
0x20: {  	[sflag:s8] =	ssyncset.s32 @!p0 $0xFFFFF086;
	s6 =	sadd.s32 @!p0 s3, s7;
	s7 =	simm.s32 @!p0 $0x108  }
0x21: {  	s3 =	sadd.s32 s3, s9;
	s6 =	sadd.s32 @!p0 $0x88, s6;
	s7 =	simm.s32 @p2 $0x1082  }
0x22: {  	[simem:s7], [sflag:s8] =	dma.local @!p0 [hbm:s6], $0xF7A  }
0x23: {  	s9 =	sor.u32 $0xD0000000, s2;
	s6 =	simm.s32 $0x108;
	_ =	swait.ge @!p0 [sflag:s8], $0x0  }
0x24: {  	s3 =	sadd.s32 $0x88, s3;
	s6 =	simm.s32 @!p1 $0x1082;
	[sflag:s4] =	ssyncset.s32 $0xFFFFF086  }
0x25: {  	[simem:s6], [sflag:s4] =	dma.local [hbm:s3], $0xF7A  }
0x26: {  	[smem:$0x3F9B] =	sst s1;
	(tag) =	ssettag s2;
	_ =	strace s9  }
0x27: {  	s1 =	sld [smem:$0x3FAB]  }
0x28: {  	s2 =	sld [smem:$0x3FAC]  }
0x29: {  	s4 =	sld [smem:$0x3FAE]  }
0x2a: {  	p0 =	seq.s32 s5, $0x0;
	s5 =	sld [smem:$0x3FAF]  }
0x2b: {  	s6 =	sld [smem:$0x3FB0]  }
0x2c: {  	s7 =	sld [smem:$0x3FB1]  }
0x2d: {  	s3 =	simm.s32 $0x108;
	s8 =	sld [smem:$0x3FB2]  }
0x2e: {  	s3 =	simm.s32 @!p0 $0x1082;
	s9 =	sld [smem:$0x3FB3]  }
0x2f: {  	lr =	sadd.s32 s0, s3;
	s0 =	sld [smem:$0x3FAA]  }
0x30: {  	s3 =	sld [smem:$0x3FAD]  }
0x31: {  	[smem:$0x3FB6] =	sst s10  }
0x32: {  	s10 =	sld [smem:$0x3FB4];
	_ =	sdelay $0x3  }
0x33: {  	p0 =	seq.s32 s10, $0x1;
	s10 =	sld [smem:$0x3FB6];
	_ =	sdelay $0x3  }
0x34: {  	[smem:$0x3FB6] =	sst s10  }
0x35: {  	s10 =	sld [smem:$0x3FB5];
	_ =	sdelay $0x3  }
0x36: {  	p1 =	seq.s32 s10, $0x1;
	s10 =	sld [smem:$0x3FB6];
	_ =	sdelay $0x3  }
0x37: {  	[smem:$0x3FB6] =	sst s10  }
0x38: {  	s10 =	sld [smem:$0x3FB7]  }
0x39: {  	_ = 	snop;
	(pc) =	sbr.ind lr, $3  }
0x3a: {  	_ = 	snop  }
0x3b: {  	_ = 	snop  }
0x3c: {  	p2 =	seq.s32 s10, $0x1;
	s10 =	sld [smem:$0x3FB6]  }
0x3d: {  	_ =	shalt  }
0x3e: {  	_ =	shalt  }
0x3f: {  	_ =	shalt  }
0x40: {  	_ =	shalt  }
0x41: {  	_ =	shalt  }
0x42: {  	_ =	shalt  }
0x43: {  	_ =	shalt  }
0x44: {  	_ =	shalt  }
0x45: {  	_ =	shalt  }
0x46: {  	_ =	shalt  }
0x47: {  	_ =	shalt  }
0x48: {  	_ =	shalt  }
0x49: {  	_ =	shalt  }
0x4a: {  	_ =	shalt  }
0x4b: {  	_ =	shalt  }
0x4c: {  	_ =	shalt  }
0x4d: {  	_ =	shalt  }
0x4e: {  	_ =	shalt  }
0x4f: {  	_ =	shalt  }
0x50: {  	_ =	shalt  }
0x51: {  	_ =	shalt  }
0x52: {  	_ =	shalt  }
0x53: {  	_ =	shalt  }
0x54: {  	_ =	shalt  }
0x55: {  	_ =	shalt  }
0x56: {  	_ =	shalt  }
0x57: {  	_ =	shalt  }
0x58: {  	_ =	shalt  }
0x59: {  	_ =	shalt  }
0x5a: {  	_ =	shalt  }
0x5b: {  	_ =	shalt  }
0x5c: {  	_ =	shalt  }
0x5d: {  	_ =	shalt  }
0x5e: {  	_ =	shalt  }
0x5f: {  	_ =	shalt  }
0x60: {  	_ =	shalt  }
0x61: {  	_ =	shalt  }
0x62: {  	_ =	shalt  }
0x63: {  	_ =	shalt  }
0x64: {  	_ =	shalt  }
0x65: {  	_ =	shalt  }
0x66: {  	_ =	shalt  }
0x67: {  	_ =	shalt  }
0x68: {  	_ =	shalt  }
0x69: {  	_ =	shalt  }
0x6a: {  	_ =	shalt  }
0x6b: {  	_ =	shalt  }
0x6c: {  	_ =	shalt  }
0x6d: {  	_ =	shalt  }
0x6e: {  	_ =	shalt  }
0x6f: {  	_ =	shalt  }
0x70: {  	_ =	shalt  }
0x71: {  	_ =	shalt  }
0x72: {  	_ =	shalt  }
0x73: {  	_ =	shalt  }
0x74: {  	_ =	shalt  }
0x75: {  	_ =	shalt  }
0x76: {  	_ =	shalt  }
0x77: {  	_ =	shalt  }
0x78: {  	_ =	shalt  }
0x79: {  	_ =	shalt  }
0x7a: {  	_ =	shalt  }
0x7b: {  	_ =	shalt  }
0x7c: {  	_ =	shalt  }
0x7d: {  	_ =	shalt  }
0x7e: {  	_ =	shalt  }
0x7f: {  	_ =	shalt  }
0x80: {  	_ =	shalt  }
0x81: {  	_ =	shalt  }
0x82: {  	_ =	shalt  }
0x83: {  	_ =	shalt  }
0x84: {  	_ =	shalt  }
0x85: {  	_ =	shalt  }
0x86: {  	_ =	shalt  }
0x87: {  	_ =	shalt  }
.Lfunc_end0:
.L_simem_size_0:
called_computation_lowered:
.L_overlay_start_0:
0x88: {  	s2 =	sld [smem:$0x3FD9]  }
0x89: {  	s3 =	sld [smem:$0x3FFE];
	_ =	sdelay $0x1  }
0x8a: {  	s1 =	srdreg.scid  }
0x8b: {  	s0 =	sand.u32 $0x1, s1  }
0x8c: {  	s16 =	sshll.u32 s0, $0xA;
	s2 =	sadd.s32 s3, s2  }
0x8d: {  	s2 =	sadd.s32 s2, s16  }
0x8e: {  	[smem:$0x3FC2] =	sst s2  }
0x8f: {  	_ = 	snop  }
0x90: {  	(tm) =	ssettm $0x1  }
0x91: {  	s17 =	sld [smem:$0x3FFB];
	_ =	sdelay $0x3  }
0x92: {  	_ =	strace s17  }
0x93: {  	s2 =	sld [smem:$0x3FFC];
	_ =	sdelay $0x3  }
0x94: {  	_ =	strace s2  }
0x95: {  	s2 =	sld [smem:$0x3FFD];
	_ =	sdelay $0x3  }
0x96: {  	_ =	strace s2  }
0x97: {  	_ =	strace $0x8FFFFFFF  }
0x98: {  	s18 =	sld [smem:$0x3FDB];
	_ =	sdelay $0x1  }
0x99: {  	s19 =	simm.s32 $_scs_section_size  }
0x9a: {  	s4 =	simm.s32 $_size__tile_overlayer_lowered;
	s5 =	simm.s32 $_tile_overlayer_lowered  }
0x9b: {  	s22 =	simm.s32 $0x1BFF;
	s21 =	sshll.u32 s5, $0x1;
	s2 =	sadd.s32 s19, s18  }
0x9c: {  	s6 =	simm.s32 $0x0;
	s20 =	sshll.u32 s4, $0x1;
	s4 =	sadd.s32 s21, s2  }
0x9d: {  	[timem:s6], [sflag:s22] =	dma.local [hbm:s4], s20  }
0x9e: {  	_ =	swait.ge [sflag:s22], s20  }
0x9f: {  	s3 =	ssub.s32 $0x0, s20;
	[sflag:s22] =	ssyncset.done $0x0  }
0xa0: {  	[sflag:s22] =	ssyncadd.s32 s3;
	_ =	sdelay $0x1  }
0xa1: {  	s23 =	simm.s32 $0x1B8B  }
0xa2: {  	_ =	swait.ge [sflag:s23], $0x1  }
0xa3: {  	[sflag:s23] =	ssyncset.done $0x0  }
0xa4: {  	s25 =	simm.s32 $0x1B8E;
	s24 =	sld [smem:$0x3FFE];
	[sflag:s23] =	ssyncadd.s32 $0xFFFFFFFF  }
0xa5: {  	s26 =	simm.s32 $execute0_lowered;
	[smem:$0x3FD2] =	sst s25  }
0xa6: {  	s4 =	sshll.u32 s26, $0x1;
	_ =	strace $0x80000046;
	[dreg:$0x1] =	wrdreg $0xFFFFFFFF  }
0xa7: {  	s28 =	simm.s32 $_size_execute0_lowered;
	s2 =	sadd.s32 s2, s4;
	[dreg:$0x0] =	wrdreg $0x0  }
0xa8: {  	s4 =	sshll.u32 s28, $0x1;
	[dreg:$0x2] =	wrdreg s2  }
0xa9: {  	[dreg:$0x3] =	wrdreg s4  }
0xaa: {  	[dreg:$0x4] =	wrdreg $0xC0  }
0xab: {  	_ =	task [dreg:s6], $0x5FFFF  }
0xac: {  	[dreg:$0x1] =	wrdreg $0xFFFFFFFF  }
0xad: {  	[dreg:$0x0] =	wrdreg $0x60  }
0xae: {  	[dreg:$0x2] =	wrdreg s24  }
0xaf: {  	[dreg:$0x3] =	wrdreg $0x51400  }
0xb0: {  	[dreg:$0x4] =	wrdreg $0x53C00  }
0xb1: {  	[dreg:$0x5] =	wrdreg $0x9  }
0xb2: {  	_ =	task.clear_ibuf [dreg:s6], $0x6FFFF;
	_ =	strace $0x90000046  }
0xb3: {  	s29 =	simm.s32 $0x9;
	_ =	strace $0x80000048  }
0xb4: {  	_ =	swait.ge [sflag:s29], $0x1  }
0xb5: {  	[sflag:s29] =	ssyncadd.s32 $0xFFFFFFFF  }
0xb6: {  	_ =	strace $0x90000048  }
0xb7: {  	_ =	sfence  }
0xb8: {  	s30 =	sld [smem:$0x0];
	_ =	sdelay $0x2  }
0xb9: {  	s31 =	sshll.u32 s1, $0xD;
	s1 =	sshrl.u32 s1, $0x2  }
0xba: {  	s3 =	sand.u32 $0x4000, s31;
	s1 =	sadd.s32 s1, s30  }
0xbb: {  	s0 =	sor.u32 s3, s0;
	s1 =	sshll.u32 s1, $0x11  }
0xbc: {  	s0 =	sor.u32 s1, s0  }
0xbd: {  	s0 =	sadd.s32 $0x8F2B, s0  }
0xbe: {  	[sflag:s0] =	ssyncadd.remote.s32 $0x1  }
0xbf: {  	_ =	sfence.sel $0xFFFF  }
0xc0: {  	[dreg:$0x0] =	wrdreg $0xFFFFFFFF;
	(pc) =	sbr.abs _section_cstart, $3  }
0xc1: {  	[dreg:$0x1] =	wrdreg $0xFFFFFFFF  }
0xc2: {  	_ =	task.clear_ibuf [dreg:s6], $0x2FFFF;
	_ =	strace $0x9FFFFFFF  }
0xc3: {  	(tm) =	ssettm $0x7FFFFFFF  }
tec
execute0_lowered:
.L_overlay_start_1:
0x0: {  	(tag) =	ssettag $0x1  }
0x1: {  	s0 =	srdreg.scid  }
0x2: {  	s1 =	rddreg [dreg:$0x0];
	s7 =	stileid.u32  }
0x3: {  	s2 =	rddreg [dreg:$0x1];
	s6 =	simm.s32 $0x0;
	s31 =	simm.s32 $0x190  }
0x4: {  	s0 =	sand.u32 $0x1, s0;
	s5 =	smul.u32 $0x280, s7;
	[smem:$0x7FF] =	sst s6  }
0x5: {  	s8 =	sadd.s32 $0x15800, s1;
	s25 =	sadd.s32 $0x15A00, s1;
	s3 =	sshll.u32 s0, $0x4  }
0x6: {  	s24 =	smul.u32 $0x2800, s0;
	s4 =	sor.u32 s7, s3;
	s3 =	rddreg [dreg:$0x2]  }
0x7: {  	s0 =	ssub.s32 $0x2, s0;
	_ =	strace $0x80000047;
	[dreg:$0x5] =	wrdreg s8  }
0x8: {  	[dreg:$0x6] =	wrdreg s25;
	s26 =	sshrl.u32 s0, $0x1;
	s4 =	smul.u32 $0x2710, s4  }
0x9: {  	s7 =	sshll.u32 s7, $0x6;
	[dreg:$0x4] =	wrdreg s31;
	s6 =	sadd.s32 s5, s24  }
0xa: {  	s0 =	ssub.s32 s0, s26;
	s7 =	sor.u32 $0x1C01, s7;
	s4 =	sshrl.u32 s4, $0x3  }
0xb: {  	s0 =	smax.u32 s0, $0x1;
	[dreg:$0x7] =	wrdreg s7;
	s4 =	sadd.s32 s4, s1  }
0xc: {  	s6 =	sshrl.u32 s6, $0x3;
	[dreg:$0xc] =	wrdreg s0;
	s29 =	sadd.s32 $0xBA40, s4  }
0xd: {  	s1 =	sadd.s32 s6, s1;
	s4 =	sadd.s32 $0x1E00, s4;
	[dreg:$0x8] =	wrdreg s29  }
0xe: {  	s14 =	simm.s32 $0x1;
	s30 =	sadd.s32 $0x15C00, s1;
	[dreg:$0x9] =	wrdreg s4  }
0xf: {  	s28 =	sadd.s32 s5, s2;
	s1 =	sadd.s32 $0x16600, s1;
	[dreg:$0xa] =	wrdreg s30  }
0x10: {  	s5 =	sadd.s32 s5, s3;
	[dreg:$0xb] =	wrdreg s1;
	s1 =	sshrl.u32 s28, $0x3  }
0x11: {  	s16 =	simm.s32 $0x4E20;
	s4 =	sshrl.u32 s5, $0x3;
	[dreg:$0xd] =	wrdreg s1  }
0x12: {  	s18 =	simm.s32 $0x2;
	v0 =	vimm.f32 $0.0e+00;
	v1 =	vimm.s32 $0x0;
	s19 =	simm.s32 $0x0;
	[dreg:$0xe] =	wrdreg s4  }
.LBB2_1:
0x13: {  	s0 =	rddreg [dreg:$0x6]  }
0x14: {  	[spmem:s1], [sflag:s7] =	dma.local [hbm:s0], $0x50  }
0x15: {  	_ =	swait.ge [sflag:s14], $0x50  }
0x16: {  	[sflag:s14] =	ssyncset.done $0x0  }
0x17: {  	[sflag:s14] =	ssyncadd.s32 $0xFFFFFFB0  }
0x18: {  	[spmem:s4], [sflag:s7] =	dma.local [hbm:s0], $0x50  }
0x19: {  	_ =	swait.ge [sflag:s14], $0x50  }
0x1a: {  	[sflag:s14] =	ssyncset.done $0x0  }
0x1b: {  	s22 =	simm.s32 $0x0;
	s23 =	rddreg [dreg:$0x5];
	[sflag:s14] =	ssyncadd.s32 $0xFFFFFFB0  }
0x1c: {  	[tilespmem:s16], [sflag:$0x1] =	stream.linear.gather [hbm4b:s23+s22], $0x190, $0x38;
	[tilespmem:$0x5640] =	vst v63  }
0x1d: {  	_ =	swait.ge [sflag:s14], $0x190  }
0x1e: {  	[sflag:s14] =	ssyncset.done $0x0  }
0x1f: {  	s24 =	rddreg [dreg:$0x8];
	[sflag:s14] =	ssyncadd.s32 $0xFFFFFE70  }
0x20: {  	[tilespmem:s22], [sflag:$0x1] =	stream.linear.gather [hbm4b:s24+s22], $0x2710, $0x38;
	[tilespmem:$0x5640] =	vst v63  }
0x21: {  	_ =	swait.ge [sflag:s14], $0x2710  }
0x22: {  	[sflag:s14] =	ssyncset.done $0x0  }
0x23: {  	s26 =	simm.s32 $0x2710;
	s25 =	rddreg [dreg:$0x9];
	[sflag:s14] =	ssyncadd.s32 $0xFFFFD8F0  }
0x24: {  	[tilespmem:s26], [sflag:$0x1] =	stream.linear.gather [hbm4b:s25+s22], $0x2710, $0x38;
	[tilespmem:$0x5640] =	vst v63  }
0x25: {  	_ =	swait.ge [sflag:s14], $0x2710  }
0x26: {  	[sflag:s14] =	ssyncset.done $0x0  }
0x27: {  	[sflag:s14] =	ssyncadd.s32 $0xFFFFD8F0  }
0x28: {  	[bflag:$0x0] =	sbarrier.arrive $0xFFFF  }
0x29: {  	s29 =	simm.s32 $0x0;
	s28 =	rddreg [dreg:$0x4]  }
0x2a: {  	[spmem:s2] =	stream.indirect.scatter.add.f32 [tilespmem:s16], [sflag:$0x2], $0x1, s29, s28, $0xb8;
	[tilespmem:$0x5640] =	vst v63  }
0x2b: {  	_ =	swait.ge [sflag:s18], $0x190  }
0x2c: {  	[sflag:s18] =	ssyncset.done $0x0  }
0x2d: {  	[sflag:s18] =	ssyncadd.s32 $0xFFFFFE70  }
0x2e: {  	v2 =	vld [tilespmem:s29+$0x0];
	_ =	sdelay $0x4  }
0x2f: {  	vm0 =	veq.s32 v2, $0x0;
	v2 =	vimm.s32 $0x0  }
0x30: {  	v2 =	vsel vm0, $0xFFFFFFFF, v2  }
0x31: {  	[tilespmem:$0x1FFC0] =	vst v2;
	v2 =	vsel vm0, $0x3F800000, v0  }
0x32: {  	[tilespmem:$0x4FB0] =	vst v2  }
0x33: {  	v2 =	vld [tilespmem:s29+$0x10];
	_ =	sdelay $0x4  }
0x34: {  	vm8 =	veq.s32 v2, $0x0;
	v2 =	vimm.s32 $0x0  }
0x35: {  	v2 =	vsel vm8, $0xFFFFFFFF, v2  }
0x36: {  	[tilespmem:$0x1FFD0] =	vst v2;
	v2 =	vsel vm8, $0x3F800000, v0  }
0x37: {  	[tilespmem:$0x4FC0] =	vst v2  }
0x38: {  	v2 =	vld [tilespmem:s29+$0x20];
	_ =	sdelay $0x4  }
0x39: {  	vm9 =	veq.s32 v2, $0x0;
	v2 =	vimm.s32 $0x0  }
0x3a: {  	v2 =	vsel vm9, $0xFFFFFFFF, v2  }
0x3b: {  	[tilespmem:$0x1FFE0] =	vst v2;
	v2 =	vsel vm9, $0x3F800000, v0  }
0x3c: {  	[tilespmem:$0x4FD0] =	vst v2  }
0x3d: {  	v2 =	vld [tilespmem:s29+$0x30];
	_ =	sdelay $0x4  }
0x3e: {  	vm10 =	veq.s32 v2, $0x0;
	v2 =	vimm.s32 $0x0  }
0x3f: {  	v2 =	vsel vm10, $0xFFFFFFFF, v2  }
0x40: {  	[tilespmem:$0x1FFF0] =	vst v2;
	v2 =	vsel vm10, $0x3F800000, v0  }
0x41: {  	[tilespmem:$0x4FE0] =	vst v2  }
0x42: {  	v2 =	vld [tilespmem:s29+$0x40];
	_ =	sdelay $0x4  }
0x43: {  	vm4 =	veq.s32 v2, $0x0  }
0x44: {  	v2 =	vsel vm4, $0x3F800000, v0  }
0x45: {  	[tilespmem:$0x4FF0] =	vst v2  }
0x46: {  	v2 =	vld [tilespmem:s29+$0x50];
	_ =	sdelay $0x4  }
0x47: {  	vm8 =	veq.s32 v2, $0x0  }
0x48: {  	v2 =	vsel vm8, $0x3F800000, v0  }
0x49: {  	[tilespmem:$0x5000] =	vst v2  }
0x4a: {  	v2 =	vld [tilespmem:s29+$0x60];
	_ =	sdelay $0x4  }
0x4b: {  	vm11 =	veq.s32 v2, $0x0  }
0x4c: {  	v2 =	vsel vm11, $0x3F800000, v0  }
0x4d: {  	[tilespmem:$0x5010] =	vst v2  }
0x4e: {  	v2 =	vld [tilespmem:s29+$0x70];
	_ =	sdelay $0x4  }
0x4f: {  	vm13 =	veq.s32 v2, $0x0  }
0x50: {  	v2 =	vsel vm13, $0x3F800000, v0  }
0x51: {  	[tilespmem:$0x5020] =	vst v2  }
0x52: {  	v2 =	vld [tilespmem:s29+$0x80];
	_ =	sdelay $0x4  }
0x53: {  	vm14 =	veq.s32 v2, $0x0  }
0x54: {  	v2 =	vsel vm14, $0x3F800000, v0  }
0x55: {  	[tilespmem:$0x5030] =	vst v2  }
0x56: {  	v2 =	vld [tilespmem:s29+$0x90];
	_ =	sdelay $0x4  }
0x57: {  	vm0 =	veq.s32 v2, $0x0  }
0x58: {  	v2 =	vsel vm0, $0x3F800000, v0  }
0x59: {  	[tilespmem:$0x5040] =	vst v2  }
0x5a: {  	v2 =	vld [tilespmem:s29+$0xA0];
	_ =	sdelay $0x4  }
0x5b: {  	vm1 =	veq.s32 v2, $0x0  }
0x5c: {  	v2 =	vsel vm1, $0x3F800000, v0  }
0x5d: {  	[tilespmem:$0x5050] =	vst v2  }
0x5e: {  	v2 =	vld [tilespmem:s29+$0xB0];
	_ =	sdelay $0x4  }
0x5f: {  	vm2 =	veq.s32 v2, $0x0  }
0x60: {  	v2 =	vsel vm2, $0x3F800000, v0  }
0x61: {  	[tilespmem:$0x5060] =	vst v2  }
0x62: {  	v2 =	vld [tilespmem:s29+$0xC0];
	_ =	sdelay $0x4  }
0x63: {  	vm9 =	veq.s32 v2, $0x0  }
0x64: {  	v2 =	vsel vm9, $0x3F800000, v0  }
0x65: {  	[tilespmem:$0x5070] =	vst v2  }
0x66: {  	v2 =	vld [tilespmem:s29+$0xD0];
	_ =	sdelay $0x4  }
0x67: {  	vm15 =	veq.s32 v2, $0x0  }
0x68: {  	v2 =	vsel vm15, $0x3F800000, v0  }
0x69: {  	[tilespmem:$0x5080] =	vst v2  }
0x6a: {  	v2 =	vld [tilespmem:s29+$0xE0];
	_ =	sdelay $0x4  }
0x6b: {  	vm12 =	veq.s32 v2, $0x0  }
0x6c: {  	v2 =	vsel vm12, $0x3F800000, v0  }
0x6d: {  	[tilespmem:$0x5090] =	vst v2  }
0x6e: {  	v2 =	vld [tilespmem:s29+$0xF0];
	_ =	sdelay $0x4  }
0x6f: {  	vm10 =	veq.s32 v2, $0x0  }
0x70: {  	v2 =	vsel vm10, $0x3F800000, v0  }
0x71: {  	[tilespmem:$0x50A0] =	vst v2  }
0x72: {  	v2 =	vld [tilespmem:s29+$0x100];
	_ =	sdelay $0x4  }
0x73: {  	vm5 =	veq.s32 v2, $0x0  }
0x74: {  	v2 =	vsel vm5, $0x3F800000, v0  }
0x75: {  	[tilespmem:$0x50B0] =	vst v2  }
0x76: {  	v2 =	vld [tilespmem:s29+$0x110];
	_ =	sdelay $0x4  }
0x77: {  	vm6 =	veq.s32 v2, $0x0  }
0x78: {  	v3 =	vld [tilespmem:$0x1FFC0];
	v2 =	vsel vm6, $0x3F800000, v0  }
0x79: {  	[tilespmem:$0x50C0] =	vst v2  }
0x7a: {  	v2 =	vld [tilespmem:s29+$0x120];
	_ =	sdelay $0x2  }
0x7b: {  	vm3 =	vnez.u8 v3  }
0x7c: {  	v3 =	vsel vm3, $0x1, v1;
	v4 =	vld [tilespmem:$0x1FFD0]  }
0x7d: {  	(xrf0) =	vadd.scan.msk.s32 $0xffff, v3;
	v3 =	vld [tilespmem:$0x1FFE0];
	vm7 =	veq.s32 v2, $0x0  }
0x7e: {  	v36 =	vld [tilespmem:$0x1FFF0];
	v2 =	vsel vm7, $0x3F800000, v0  }
0x7f: {  	[tilespmem:$0x50D0] =	vst v2  }
0x80: {  	v2 =	vld [tilespmem:s29+$0x130]  }
0x81: {  	vm3 =	vnez.u8 v4  }
0x82: {  	v4 =	vsel vm3, $0x1, v1;
	vm3 =	vnez.u8 v3  }
0x83: {  	(xrf0) =	vadd.scan.msk.s32 $0xffff, v4;
	v3 =	vsel vm3, $0x1, v1;
	vm3 =	vnez.u8 v36  }
0x84: {  	(xrf0) =	vadd.scan.msk.s32 $0xffff, v3;
	v4 =	vsel vm3, $0x1, v1  }
0x85: {  	(xrf0) =	vadd.scan.msk.s32 $0xffff, v4;
	v3 =	vsel vm4, $0x1, v1;
	vm3 =	veq.s32 v2, $0x0  }
0x86: {  	(xrf0) =	vadd.scan.msk.s32 $0xffff, v3;
	v3 =	vsel vm3, $0x3F800000, v0  }
0x87: {  	v2 =	vsel vm8, $0x1, v1  }
0x88: {  	v37 =	vsel vm11, $0x1, v1;
	(xrf0) =	vadd.scan.msk.s32 $0xffff, v2;
	[tilespmem:$0x50E0] =	vst v3  }
0x89: {  	v2 =	vsel vm13, $0x1, v1;
	v38 =	vld [tilespmem:s29+$0x140];
	v3, _, _ =	vpop (xrf0);
	(xrf0) =	vadd.scan.msk.s32 $0xffff, v37  }
0x8a: {  	v5 =	vsel vm14, $0x1, v1;
	v6, _, _ =	vpop (xrf0);
	(xrf0) =	vadd.scan.msk.s32 $0xffff, v2  }
0x8b: {  	v2 =	vsel vm0, $0x1, v1;
	(v2sf) =	vpush v6, $0xF;
	v39, _, _ =	vpop (xrf0);
	(xrf0) =	vadd.scan.msk.s32 $0xffff, v5  }
0x8c: {  	v40 =	vsel vm1, $0x1, v1;
	(v2sf) =	vpush v39, $0xF;
	v41, _, _ =	vpop (xrf0);
	(xrf0) =	vadd.scan.msk.s32 $0xffff, v2  }
0x8d: {  	v2 =	vsel vm2, $0x1, v1;
	(v2sf) =	vpush v41, $0xF;
	v42, _, _ =	vpop (xrf0);
	(xrf0) =	vadd.scan.msk.s32 $0xffff, v40  }
0x8e: {  	vm11 =	veq.s32 v38, $0x0;
	(v2sf) =	vpush v42, $0xF;
	v43, _, _ =	vpop (xrf0);
	(xrf0) =	vadd.scan.msk.s32 $0xffff, v2;
	v2 =	vsel vm9, $0x1, v1  }
0x8f: {  	v44 =	vsel vm15, $0x1, v1;
	(v2sf) =	vpush v43, $0xF;
	v45, _, _ =	vpop (xrf0);
	(xrf0) =	vadd.scan.msk.s32 $0xffff, v2;
	v2 =	vsel vm11, $0x3F800000, v0  }
0x90: {  	v46 =	vsel vm12, $0x1, v1;
	(v2sf) =	vpush v45, $0xF;
	v47, _, _ =	vpop (xrf0);
	(xrf0) =	vadd.scan.msk.s32 $0xffff, v44;
	[tilespmem:$0x50F0] =	vst v2  }
0x91: {  	v2 =	vsel vm10, $0x1, v1;
	(v2sf) =	vpush v47, $0xF;
	v48, _, _ =	vpop (xrf0);
	(xrf0) =	vadd.scan.msk.s32 $0xffff, v46;
	v49 =	vld [tilespmem:s29+$0x150]  }
0x92: {  	v50 =	vsel vm5, $0x1, v1;
	(v2sf) =	vpush v48, $0xF;
	v51, _, _ =	vpop (xrf0);
	(xrf0) =	vadd.scan.msk.s32 $0xffff, v2;
	v2 =	vsel vm6, $0x1, v1  }
0x93: {  	(v2sf) =	vpush v51, $0xF;
	v52, _, _ =	vpop (xrf0);
	(xrf0) =	vadd.scan.msk.s32 $0xffff, v50  }
0x94: {  	v53 =	vsel vm7, $0x1, v1;
	(v2sf) =	vpush v52, $0xF;
	v54, _, _ =	vpop (xrf0);
	(xrf0) =	vadd.scan.msk.s32 $0xffff, v2  }
0x95: {  	v55 =	vsel vm3, $0x1, v1;
	(v2sf) =	vpush v54, $0xF;
	v2, _, _ =	vpop (xrf0);
	(xrf0) =	vadd.scan.msk.s32 $0xffff, v53  }
0x96: {  	v56 =	vsel vm11, $0x1, v1;
	(v2sf) =	vpush v2, $0xF;
	v2, _, _ =	vpop (xrf0);
	(xrf0) =	vadd.scan.msk.s32 $0xffff, v55;
	vm12 =	veq.s32 v49, $0x0  }
0x97: {  	(v2sf) =	vpush v2, $0xF;
	v2, _, _ =	vpop (xrf0);
	(xrf0) =	vadd.scan.msk.s32 $0xffff, v56;
	v57 =	vsel vm12, $0x3F800000, v0;
	v5 =	vsel vm12, $0x1, v1  }
0x98: {  	(v2sf) =	vpush v2, $0xF;
	v2, _, _ =	vpop (xrf0);
	[tilespmem:$0x5100] =	vst v57;
	(xrf0) =	vadd.scan.msk.s32 $0xffff, v5  }
0x99: {  	v58, _, _ =	vpop (xrf0);
	(v2sf) =	vpush v2, $0xF;
	v2 =	vld [tilespmem:s29+$0x160]  }
0x9a: {  	v59, _, _ =	vpop (xrf0);
	s30 =	spop (v2sf);
	(v2sf) =	vpush v58, $0xF  }
0x9b: {  	v60, _, _ =	vpop (xrf0);
	s31 =	spop (v2sf);
	(v2sf) =	vpush v59, $0xF  }
0x9c: {  	s5 =	spop (v2sf);
	(v2sf) =	vpush v60, $0xF;
	v61, _, _ =	vpop (xrf0)  }
0x9d: {  	s6 =	spop (v2sf);
	(v2sf) =	vpush v61, $0xF;
	v62, _, _ =	vpop (xrf0)  }
0x9e: {  	s8 =	spop (v2sf);
	(v2sf) =	vpush v62, $0xF;
	vm13 =	veq.s32 v2, $0x0;
	v2, _, _ =	vpop (xrf0)  }
0x9f: {  	s9 =	spop (v2sf);
	v63 =	vsel vm13, $0x3F800000, v0;
	(v2sf) =	vpush v2, $0xF  }
0xa0: {  	s10 =	spop (v2sf);
	[tilespmem:$0x5110] =	vst v63;
	(v2sf) =	vpush v3, $0xF  }
0xa1: {  	s11 =	spop (v2sf);
	v2 =	vld [tilespmem:s29+$0x170]  }
0xa2: {  	s12 =	spop (v2sf)  }
0xa3: {  	s13 =	spop (v2sf)  }
0xa4: {  	s15 =	spop (v2sf)  }
0xa5: {  	s17 =	spop (v2sf)  }
0xa6: {  	s20 =	spop (v2sf);
	vm14 =	veq.s32 v2, $0x0  }
0xa7: {  	s21 =	spop (v2sf);
	v2 =	vsel vm14, $0x3F800000, v0  }
0xa8: {  	s22 =	spop (v2sf);
	[tilespmem:$0x5120] =	vst v2  }
0xa9: {  	s23 =	spop (v2sf);
	v2 =	vld [tilespmem:s29+$0x180]  }
0xaa: {  	s7 =	spop (v2sf)  }
0xab: {  	s24 =	spop (v2sf)  }
0xac: {  	s25 =	spop (v2sf)  }
0xad: {  	v3 =	vsel vm13, $0x1, v1;
	s26 =	spop (v2sf)  }
0xae: {  	(xrf0) =	vadd.scan.msk.s32 $0xffff, v3;
	v3 =	vsel vm14, $0x1, v1;
	vm15 =	veq.s32 v2, $0x0;
	s28 =	spop (v2sf)  }
0xaf: {  	(xrf0) =	vadd.scan.msk.s32 $0xffff, v3;
	v2 =	vsel vm15, $0x1, v1;
	s29 =	spop (v2sf)  }
0xb0: {  	s1 =	sadd.s32 s29, s30;
	(xrf0) =	vadd.scan.msk.s32 $0xffff, v2  }
0xb1: {  	s1 =	sadd.s32 s31, s1  }
0xb2: {  	s1 =	sadd.s32 s5, s1  }
0xb3: {  	s1 =	sadd.s32 s6, s1  }
0xb4: {  	v2, _, _ =	vpop (xrf0);
	s1 =	sadd.s32 s8, s1  }
0xb5: {  	v3, _, _ =	vpop (xrf0);
	(v2sf) =	vpush v2, $0xF;
	s1 =	sadd.s32 s9, s1  }
0xb6: {  	(v2sf) =	vpush v3, $0xF;
	s1 =	sadd.s32 s10, s1;
	v2, _, _ =	vpop (xrf0)  }
0xb7: {  	s1 =	sadd.s32 s11, s1;
	(v2sf) =	vpush v2, $0xF  }
0xb8: {  	s1 =	sadd.s32 s12, s1  }
0xb9: {  	s1 =	sadd.s32 s13, s1  }
0xba: {  	s1 =	sadd.s32 s15, s1  }
0xbb: {  	s1 =	sadd.s32 s17, s1  }
0xbc: {  	s1 =	sadd.s32 s20, s1  }
0xbd: {  	s1 =	sadd.s32 s21, s1  }
0xbe: {  	s1 =	sadd.s32 s22, s1  }
0xbf: {  	s1 =	sadd.s32 s23, s1  }
0xc0: {  	s0 =	sadd.s32 s7, s1  }
0xc1: {  	s0 =	sadd.s32 s24, s0  }
0xc2: {  	s0 =	sadd.s32 s25, s0  }
0xc3: {  	s0 =	sadd.s32 s26, s0  }
0xc4: {  	s29 =	spop (v2sf);
	s0 =	sadd.s32 s28, s0  }
0xc5: {  	s30 =	spop (v2sf);
	s0 =	sadd.s32 s29, s0  }
0xc6: {  	s0 =	sadd.s32 s30, s0;
	s31 =	spop (v2sf)  }
0xc7: {  	s0 =	sadd.s32 s31, s0  }
0xc8: {  	p1 =	slt.s32 s0, $0x1  }
0xc9: {  	v2 =	vsel vm15, $0x3F800000, v0;
	s0 =	simm.s32 @!p1 $0x1  }
0xca: {  	[tilespmem:$0x5130] =	vst v2;
	s1 =	simm.s32 @!p1 $0x2710;
	s4 =	simm.s32 @!p1 $0x190;
	s5 =	simm.s32 @!p1 $0x4FB0  }
0xcb: {  	[spmem:s3] =	stream.indirect.scatter.add.f32 @!p1 [tilespmem:s5], [sflag:$0x1], $0x1, s1, s4, $0xb8;
	[tilespmem:$0x5640] =	vst v63  }
0xcc: {  	s20 =	simm.s32 $0x640;
	_ =	swait.ge @!p1 [sflag:s0], $0x190  }
0xcd: {  	s21 =	simm.s32 $0xC80;
	s1 =	rddreg [dreg:$0x4];
	[sflag:s0] =	ssyncset.done @!p1 $0x0  }
.LBB2_2:
0xce: {  	[sflag:s0] =	ssyncadd.s32 @!p1 $0xFFFFFE70;
	s23 =	sshra.s32 s20, $0x2  }
0xcf: {  	[spmem:s2] =	stream.indirect.scatter.add.f32 [tilespmem:s16], [sflag:$0x2], $0x1, s23, s1, $0xb8;
	[tilespmem:$0x5640] =	vst v63  }
0xd0: {  	_ =	swait.ge [sflag:s18], $0x190  }
0xd1: {  	[sflag:s18] =	ssyncset.done $0x0  }
0xd2: {  	[sflag:s18] =	ssyncadd.s32 $0xFFFFFE70  }
0xd3: {  	v2 =	vld [tilespmem:s23+$0x0];
	_ =	sdelay $0x4  }
0xd4: {  	vm0 =	veq.s32 v2, $0x0  }
0xd5: {  	v2 =	vsel vm0, $0x3F800000, v0  }
0xd6: {  	[tilespmem:$0x4FB0] =	vst v2  }
0xd7: {  	v2 =	vld [tilespmem:s23+$0x10];
	_ =	sdelay $0x1  }
0xd8: {  	v3 =	vsel vm0, $0x1, v1  }
0xd9: {  	(xrf0) =	vadd.scan.msk.s32 $0xffff, v3;
	_ =	sdelay $0x1  }
0xda: {  	vm4 =	veq.s32 v2, $0x0  }
0xdb: {  	v3 =	vsel vm4, $0x3F800000, v0  }
0xdc: {  	[tilespmem:$0x4FC0] =	vst v3  }
0xdd: {  	v4 =	vsel vm4, $0x1, v1;
	v3 =	vld [tilespmem:s23+$0x20]  }
0xde: {  	v2, _, _ =	vpop (xrf0);
	(xrf0) =	vadd.scan.msk.s32 $0xffff, v4;
	_ =	sdelay $0x3  }
0xdf: {  	vm5 =	veq.s32 v3, $0x0  }
0xe0: {  	v21 =	vsel vm5, $0x3F800000, v0  }
0xe1: {  	v3, _, _ =	vpop (xrf0);
	[tilespmem:$0x4FD0] =	vst v21  }
0xe2: {  	v5 =	vsel vm5, $0x1, v1;
	(v2sf) =	vpush v3, $0xF;
	v3 =	vld [tilespmem:s23+$0x30]  }
0xe3: {  	(xrf0) =	vadd.scan.msk.s32 $0xffff, v5;
	_ =	sdelay $0x3  }
0xe4: {  	vm6 =	veq.s32 v3, $0x0  }
0xe5: {  	v22 =	vsel vm6, $0x3F800000, v0  }
0xe6: {  	v3, _, _ =	vpop (xrf0);
	[tilespmem:$0x4FE0] =	vst v22  }
0xe7: {  	v23 =	vsel vm6, $0x1, v1;
	(v2sf) =	vpush v3, $0xF;
	v3 =	vld [tilespmem:s23+$0x40]  }
0xe8: {  	(xrf0) =	vadd.scan.msk.s32 $0xffff, v23;
	_ =	sdelay $0x3  }
0xe9: {  	vm7 =	veq.s32 v3, $0x0  }
0xea: {  	v24 =	vsel vm7, $0x3F800000, v0  }
0xeb: {  	v3, _, _ =	vpop (xrf0);
	[tilespmem:$0x4FF0] =	vst v24  }
0xec: {  	s24 =	spop (v2sf);
	v25 =	vsel vm7, $0x1, v1;
	(v2sf) =	vpush v3, $0xF;
	v3 =	vld [tilespmem:s23+$0x50]  }
0xed: {  	(xrf0) =	vadd.scan.msk.s32 $0xffff, v25;
	_ =	sdelay $0x3  }
0xee: {  	vm8 =	veq.s32 v3, $0x0  }
0xef: {  	v26 =	vsel vm8, $0x3F800000, v0  }
0xf0: {  	v3, _, _ =	vpop (xrf0);
	[tilespmem:$0x5000] =	vst v26  }
0xf1: {  	s25 =	spop (v2sf);
	v27 =	vsel vm8, $0x1, v1;
	(v2sf) =	vpush v3, $0xF;
	v3 =	vld [tilespmem:s23+$0x60]  }
0xf2: {  	(xrf0) =	vadd.scan.msk.s32 $0xffff, v27;
	_ =	sdelay $0x3  }
0xf3: {  	vm9 =	veq.s32 v3, $0x0  }
0xf4: {  	v28 =	vsel vm9, $0x3F800000, v0  }
0xf5: {  	v3, _, _ =	vpop (xrf0);
	[tilespmem:$0x5010] =	vst v28  }
0xf6: {  	s26 =	spop (v2sf);
	v29 =	vsel vm9, $0x1, v1;
	(v2sf) =	vpush v3, $0xF;
	v3 =	vld [tilespmem:s23+$0x70]  }
0xf7: {  	(xrf0) =	vadd.scan.msk.s32 $0xffff, v29;
	_ =	sdelay $0x3  }
0xf8: {  	vm10 =	veq.s32 v3, $0x0  }
0xf9: {  	v30 =	vsel vm10, $0x3F800000, v0  }
0xfa: {  	v3, _, _ =	vpop (xrf0);
	[tilespmem:$0x5020] =	vst v30  }
0xfb: {  	s28 =	spop (v2sf);
	v31 =	vsel vm10, $0x1, v1;
	(v2sf) =	vpush v3, $0xF;
	v3 =	vld [tilespmem:s23+$0x80]  }
0xfc: {  	(xrf0) =	vadd.scan.msk.s32 $0xffff, v31;
	_ =	sdelay $0x3  }
0xfd: {  	vm11 =	veq.s32 v3, $0x0  }
0xfe: {  	v32 =	vsel vm11, $0x3F800000, v0  }
0xff: {  	v3, _, _ =	vpop (xrf0);
	[tilespmem:$0x5030] =	vst v32  }
0x100: {  	s29 =	spop (v2sf);
	v33 =	vsel vm11, $0x1, v1;
	(v2sf) =	vpush v3, $0xF;
	v3 =	vld [tilespmem:s23+$0x90]  }
0x101: {  	(xrf0) =	vadd.scan.msk.s32 $0xffff, v33;
	_ =	sdelay $0x3  }
0x102: {  	vm12 =	veq.s32 v3, $0x0  }
0x103: {  	v34 =	vsel vm12, $0x3F800000, v0  }
0x104: {  	v3, _, _ =	vpop (xrf0);
	[tilespmem:$0x5040] =	vst v34  }
0x105: {  	s30 =	spop (v2sf);
	v35 =	vsel vm12, $0x1, v1;
	(v2sf) =	vpush v3, $0xF;
	v3 =	vld [tilespmem:s23+$0xA0]  }
0x106: {  	(xrf0) =	vadd.scan.msk.s32 $0xffff, v35;
	_ =	sdelay $0x3  }
0x107: {  	vm13 =	veq.s32 v3, $0x0  }
0x108: {  	v36 =	vsel vm13, $0x3F800000, v0  }
0x109: {  	v3, _, _ =	vpop (xrf0);
	[tilespmem:$0x5050] =	vst v36  }
0x10a: {  	s31 =	spop (v2sf);
	v37 =	vsel vm13, $0x1, v1;
	(v2sf) =	vpush v3, $0xF;
	v3 =	vld [tilespmem:s23+$0xB0]  }
0x10b: {  	(xrf0) =	vadd.scan.msk.s32 $0xffff, v37;
	_ =	sdelay $0x3  }
0x10c: {  	vm14 =	veq.s32 v3, $0x0  }
0x10d: {  	v38 =	vsel vm14, $0x3F800000, v0  }
0x10e: {  	v3, _, _ =	vpop (xrf0);
	[tilespmem:$0x5060] =	vst v38  }
0x10f: {  	s1 =	spop (v2sf);
	v39 =	vsel vm14, $0x1, v1;
	(v2sf) =	vpush v3, $0xF;
	v3 =	vld [tilespmem:s23+$0xC0]  }
0x110: {  	(xrf0) =	vadd.scan.msk.s32 $0xffff, v39;
	_ =	sdelay $0x3  }
0x111: {  	vm15 =	veq.s32 v3, $0x0  }
0x112: {  	v40 =	vsel vm15, $0x3F800000, v0  }
0x113: {  	v3, _, _ =	vpop (xrf0);
	[tilespmem:$0x5070] =	vst v40  }
0x114: {  	s0 =	spop (v2sf);
	v41 =	vsel vm15, $0x1, v1;
	(v2sf) =	vpush v3, $0xF;
	v3 =	vld [tilespmem:s23+$0xD0]  }
0x115: {  	(xrf0) =	vadd.scan.msk.s32 $0xffff, v41;
	_ =	sdelay $0x3  }
0x116: {  	vm4 =	veq.s32 v3, $0x0  }
0x117: {  	v42 =	vsel vm4, $0x3F800000, v0  }
0x118: {  	v3, _, _ =	vpop (xrf0);
	[tilespmem:$0x5080] =	vst v42  }
0x119: {  	s17 =	spop (v2sf);
	v43 =	vsel vm4, $0x1, v1;
	(v2sf) =	vpush v3, $0xF;
	v3 =	vld [tilespmem:s23+$0xE0]  }
0x11a: {  	(xrf0) =	vadd.scan.msk.s32 $0xffff, v43;
	_ =	sdelay $0x3  }
0x11b: {  	vm5 =	veq.s32 v3, $0x0  }
0x11c: {  	v44 =	vsel vm5, $0x3F800000, v0  }
0x11d: {  	v3, _, _ =	vpop (xrf0);
	[tilespmem:$0x5090] =	vst v44  }
0x11e: {  	s5 =	spop (v2sf);
	v45 =	vsel vm5, $0x1, v1;
	(v2sf) =	vpush v3, $0xF;
	v3 =	vld [tilespmem:s23+$0xF0]  }
0x11f: {  	(xrf0) =	vadd.scan.msk.s32 $0xffff, v45;
	_ =	sdelay $0x3  }
0x120: {  	vm6 =	veq.s32 v3, $0x0  }
0x121: {  	v46 =	vsel vm6, $0x3F800000, v0  }
0x122: {  	v3, _, _ =	vpop (xrf0);
	[tilespmem:$0x50A0] =	vst v46  }
0x123: {  	s8 =	spop (v2sf);
	v47 =	vsel vm6, $0x1, v1;
	(v2sf) =	vpush v3, $0xF;
	v3 =	vld [tilespmem:s23+$0x100]  }
0x124: {  	(xrf0) =	vadd.scan.msk.s32 $0xffff, v47;
	_ =	sdelay $0x3  }
0x125: {  	vm7 =	veq.s32 v3, $0x0  }
0x126: {  	v48 =	vsel vm7, $0x3F800000, v0  }
0x127: {  	v3, _, _ =	vpop (xrf0);
	[tilespmem:$0x50B0] =	vst v48  }
0x128: {  	s9 =	spop (v2sf);
	v49 =	vsel vm7, $0x1, v1;
	(v2sf) =	vpush v3, $0xF;
	v3 =	vld [tilespmem:s23+$0x110]  }
0x129: {  	(xrf0) =	vadd.scan.msk.s32 $0xffff, v49;
	_ =	sdelay $0x3  }
0x12a: {  	vm8 =	veq.s32 v3, $0x0  }
0x12b: {  	v50 =	vsel vm8, $0x3F800000, v0  }
0x12c: {  	v3, _, _ =	vpop (xrf0);
	[tilespmem:$0x50C0] =	vst v50  }
0x12d: {  	s10 =	spop (v2sf);
	v51 =	vsel vm8, $0x1, v1;
	(v2sf) =	vpush v3, $0xF;
	v3 =	vld [tilespmem:s23+$0x120]  }
0x12e: {  	(xrf0) =	vadd.scan.msk.s32 $0xffff, v51;
	_ =	sdelay $0x3  }
0x12f: {  	vm9 =	veq.s32 v3, $0x0  }
0x130: {  	v52 =	vsel vm9, $0x3F800000, v0  }
0x131: {  	v3, _, _ =	vpop (xrf0);
	[tilespmem:$0x50D0] =	vst v52  }
0x132: {  	s11 =	spop (v2sf);
	v53 =	vsel vm9, $0x1, v1;
	(v2sf) =	vpush v3, $0xF;
	v3 =	vld [tilespmem:s23+$0x130]  }
0x133: {  	(xrf0) =	vadd.scan.msk.s32 $0xffff, v53;
	_ =	sdelay $0x3  }
0x134: {  	vm10 =	veq.s32 v3, $0x0  }
0x135: {  	v54 =	vsel vm10, $0x3F800000, v0  }
0x136: {  	v3, _, _ =	vpop (xrf0);
	v55 =	vsel vm10, $0x1, v1;
	[tilespmem:$0x50E0] =	vst v54  }
0x137: {  	s12 =	spop (v2sf);
	(v2sf) =	vpush v3, $0xF;
	(xrf0) =	vadd.scan.msk.s32 $0xffff, v55;
	v3 =	vld [tilespmem:s23+$0x140];
	_ =	sdelay $0x4  }
0x138: {  	vm11 =	veq.s32 v3, $0x0  }
0x139: {  	v3, _, _ =	vpop (xrf0);
	v56 =	vsel vm11, $0x3F800000, v0  }
0x13a: {  	s4 =	spop (v2sf);
	(v2sf) =	vpush v3, $0xF;
	[tilespmem:$0x50F0] =	vst v56  }
0x13b: {  	v57 =	vsel vm11, $0x1, v1;
	v3 =	vld [tilespmem:s23+$0x150]  }
0x13c: {  	(xrf0) =	vadd.scan.msk.s32 $0xffff, v57;
	_ =	sdelay $0x3  }
0x13d: {  	vm12 =	veq.s32 v3, $0x0  }
0x13e: {  	v58 =	vsel vm12, $0x3F800000, v0;
	v59 =	vsel vm12, $0x1, v1  }
0x13f: {  	v3, _, _ =	vpop (xrf0);
	[tilespmem:$0x5100] =	vst v58;
	(xrf0) =	vadd.scan.msk.s32 $0xffff, v59  }
0x140: {  	s6 =	spop (v2sf);
	(v2sf) =	vpush v3, $0xF;
	v3 =	vld [tilespmem:s23+$0x160];
	_ =	sdelay $0x4  }
0x141: {  	vm13 =	veq.s32 v3, $0x0;
	v3, _, _ =	vpop (xrf0)  }
0x142: {  	s13 =	spop (v2sf);
	v60 =	vsel vm13, $0x3F800000, v0;
	(v2sf) =	vpush v3, $0xF  }
0x143: {  	v61 =	vsel vm13, $0x1, v1;
	[tilespmem:$0x5110] =	vst v60;
	(v2sf) =	vpush v2, $0xF  }
0x144: {  	(xrf0) =	vadd.scan.msk.s32 $0xffff, v61;
	v2 =	vld [tilespmem:s23+$0x170];
	_ =	sdelay $0x4  }
0x145: {  	vm14 =	veq.s32 v2, $0x0  }
0x146: {  	v2, _, _ =	vpop (xrf0);
	v3 =	vsel vm14, $0x3F800000, v0  }
0x147: {  	s15 =	spop (v2sf);
	(v2sf) =	vpush v2, $0xF;
	[tilespmem:$0x5120] =	vst v3  }
0x148: {  	v62 =	vsel vm14, $0x1, v1;
	v2 =	vld [tilespmem:s23+$0x180]  }
0x149: {  	(xrf0) =	vadd.scan.msk.s32 $0xffff, v62;
	_ =	sdelay $0x3  }
0x14a: {  	vm15 =	veq.s32 v2, $0x0;
	s23 =	spop (v2sf)  }
0x14b: {  	v63 =	vsel vm15, $0x1, v1;
	s7 =	spop (v2sf)  }
0x14c: {  	v2, _, _ =	vpop (xrf0);
	s7 =	sadd.s32 s7, s24;
	(xrf0) =	vadd.scan.msk.s32 $0xffff, v63  }
0x14d: {  	s7 =	sadd.s32 s25, s7  }
0x14e: {  	s7 =	sadd.s32 s26, s7  }
0x14f: {  	s7 =	sadd.s32 s28, s7  }
0x150: {  	s7 =	sadd.s32 s29, s7  }
0x151: {  	s7 =	sadd.s32 s30, s7  }
0x152: {  	(v2sf) =	vpush v2, $0xF;
	s7 =	sadd.s32 s31, s7;
	v2, _, _ =	vpop (xrf0)  }
0x153: {  	s29 =	spop (v2sf);
	s1 =	sadd.s32 s1, s7;
	(v2sf) =	vpush v2, $0xF  }
0x154: {  	s0 =	sadd.s32 s0, s1  }
0x155: {  	s0 =	sadd.s32 s17, s0  }
0x156: {  	s0 =	sadd.s32 s5, s0  }
0x157: {  	s0 =	sadd.s32 s8, s0  }
0x158: {  	s0 =	sadd.s32 s9, s0  }
0x159: {  	s0 =	sadd.s32 s10, s0  }
0x15a: {  	s0 =	sadd.s32 s11, s0  }
0x15b: {  	s0 =	sadd.s32 s12, s0  }
0x15c: {  	s0 =	sadd.s32 s4, s0  }
0x15d: {  	s0 =	sadd.s32 s6, s0  }
0x15e: {  	s0 =	sadd.s32 s13, s0  }
0x15f: {  	s0 =	sadd.s32 s15, s0  }
0x160: {  	s0 =	sadd.s32 s23, s0  }
0x161: {  	s30 =	spop (v2sf);
	s0 =	sadd.s32 s29, s0  }
0x162: {  	s0 =	sadd.s32 s30, s0;
	s31 =	spop (v2sf)  }
0x163: {  	s22 =	smov.u32 s21;
	s21 =	sadd.s32 $0x640, s21;
	s0 =	sadd.s32 s31, s0  }
0x164: {  	p0 =	sne.s32 s21, $0x9C40;
	p1 =	slt.s32 s0, $0x1  }
.Ltmp0:
0x165: {  	v3 =	vsel vm15, $0x3F800000, v0;
	s1 =	sshra.s32 @!p1 s20, $0x2;
	s0 =	simm.s32 @!p1 $0x1;
	(pc) =	sbr.rel @p0 .LBB2_2-.Ltmp0, $4  }
0x166: {  	[tilespmem:$0x5130] =	vst v3;
	s4 =	simm.s32 @!p1 $0x190;
	s5 =	simm.s32 @!p1 $0x4FB0;
	s1 =	sadd.s32 @!p1 $0x2710, s1  }
0x167: {  	[spmem:s3] =	stream.indirect.scatter.add.f32 @!p1 [tilespmem:s5], [sflag:$0x1], $0x1, s1, s4, $0xb8;
	[tilespmem:$0x5640] =	vst v63  }
0x168: {  	_ =	swait.ge @!p1 [sflag:s0], $0x190  }
0x169: {  	s20 =	smov.u32 s22;
	s1 =	rddreg [dreg:$0x4];
	[sflag:s0] =	ssyncset.done @!p1 $0x0  }
0x16a: {  	[sflag:s0] =	ssyncadd.s32 @!p1 $0xFFFFFE70;
	s29 =	sshra.s32 s20, $0x2  }
0x16b: {  	[spmem:s2] =	stream.indirect.scatter.add.f32 [tilespmem:s16], [sflag:$0x2], $0x1, s29, s1, $0xb8;
	[tilespmem:$0x5640] =	vst v63  }
0x16c: {  	_ =	swait.ge [sflag:s18], $0x190  }
0x16d: {  	[sflag:s18] =	ssyncset.done $0x0  }
0x16e: {  	[sflag:s18] =	ssyncadd.s32 $0xFFFFFE70  }
0x16f: {  	v2 =	vld [tilespmem:s29+$0x0];
	_ =	sdelay $0x4  }
0x170: {  	vm0 =	veq.s32 v2, $0x0;
	v2 =	vimm.s32 $0x0  }
0x171: {  	v2 =	vsel vm0, $0xFFFFFFFF, v2  }
0x172: {  	[tilespmem:$0x1FF80] =	vst v2;
	v2 =	vsel vm0, $0x3F800000, v0  }
0x173: {  	[tilespmem:$0x4FB0] =	vst v2  }
0x174: {  	v2 =	vld [tilespmem:s29+$0x10];
	_ =	sdelay $0x4  }
0x175: {  	vm8 =	veq.s32 v2, $0x0;
	v2 =	vimm.s32 $0x0  }
0x176: {  	v2 =	vsel vm8, $0xFFFFFFFF, v2  }
0x177: {  	[tilespmem:$0x1FF90] =	vst v2;
	v2 =	vsel vm8, $0x3F800000, v0  }
0x178: {  	[tilespmem:$0x4FC0] =	vst v2  }
0x179: {  	v2 =	vld [tilespmem:s29+$0x20];
	_ =	sdelay $0x4  }
0x17a: {  	vm9 =	veq.s32 v2, $0x0;
	v2 =	vimm.s32 $0x0  }
0x17b: {  	v2 =	vsel vm9, $0xFFFFFFFF, v2  }
0x17c: {  	[tilespmem:$0x1FFA0] =	vst v2;
	v2 =	vsel vm9, $0x3F800000, v0  }
0x17d: {  	[tilespmem:$0x4FD0] =	vst v2  }
0x17e: {  	v2 =	vld [tilespmem:s29+$0x30];
	_ =	sdelay $0x4  }
0x17f: {  	vm10 =	veq.s32 v2, $0x0;
	v2 =	vimm.s32 $0x0  }
0x180: {  	v2 =	vsel vm10, $0xFFFFFFFF, v2  }
0x181: {  	[tilespmem:$0x1FFB0] =	vst v2;
	v2 =	vsel vm10, $0x3F800000, v0  }
0x182: {  	[tilespmem:$0x4FE0] =	vst v2  }
0x183: {  	v2 =	vld [tilespmem:s29+$0x40];
	_ =	sdelay $0x4  }
0x184: {  	vm4 =	veq.s32 v2, $0x0  }
0x185: {  	v2 =	vsel vm4, $0x3F800000, v0  }
0x186: {  	[tilespmem:$0x4FF0] =	vst v2  }
0x187: {  	v2 =	vld [tilespmem:s29+$0x50];
	_ =	sdelay $0x4  }
0x188: {  	vm8 =	veq.s32 v2, $0x0  }
0x189: {  	v2 =	vsel vm8, $0x3F800000, v0  }
0x18a: {  	[tilespmem:$0x5000] =	vst v2  }
0x18b: {  	v2 =	vld [tilespmem:s29+$0x60];
	_ =	sdelay $0x4  }
0x18c: {  	vm11 =	veq.s32 v2, $0x0  }
0x18d: {  	v2 =	vsel vm11, $0x3F800000, v0  }
0x18e: {  	[tilespmem:$0x5010] =	vst v2  }
0x18f: {  	v2 =	vld [tilespmem:s29+$0x70];
	_ =	sdelay $0x4  }
0x190: {  	vm13 =	veq.s32 v2, $0x0  }
0x191: {  	v2 =	vsel vm13, $0x3F800000, v0  }
0x192: {  	[tilespmem:$0x5020] =	vst v2  }
0x193: {  	v2 =	vld [tilespmem:s29+$0x80];
	_ =	sdelay $0x4  }
0x194: {  	vm14 =	veq.s32 v2, $0x0  }
0x195: {  	v2 =	vsel vm14, $0x3F800000, v0  }
0x196: {  	[tilespmem:$0x5030] =	vst v2  }
0x197: {  	v2 =	vld [tilespmem:s29+$0x90];
	_ =	sdelay $0x4  }
0x198: {  	vm0 =	veq.s32 v2, $0x0  }
0x199: {  	v2 =	vsel vm0, $0x3F800000, v0  }
0x19a: {  	[tilespmem:$0x5040] =	vst v2  }
0x19b: {  	v2 =	vld [tilespmem:s29+$0xA0];
	_ =	sdelay $0x4  }
0x19c: {  	vm1 =	veq.s32 v2, $0x0  }
0x19d: {  	v2 =	vsel vm1, $0x3F800000, v0  }
0x19e: {  	[tilespmem:$0x5050] =	vst v2  }
0x19f: {  	v2 =	vld [tilespmem:s29+$0xB0];
	_ =	sdelay $0x4  }
0x1a0: {  	vm2 =	veq.s32 v2, $0x0  }
0x1a1: {  	v2 =	vsel vm2, $0x3F800000, v0  }
0x1a2: {  	[tilespmem:$0x5060] =	vst v2  }
0x1a3: {  	v2 =	vld [tilespmem:s29+$0xC0];
	_ =	sdelay $0x4  }
0x1a4: {  	vm9 =	veq.s32 v2, $0x0  }
0x1a5: {  	v2 =	vsel vm9, $0x3F800000, v0  }
0x1a6: {  	[tilespmem:$0x5070] =	vst v2  }
0x1a7: {  	v2 =	vld [tilespmem:s29+$0xD0];
	_ =	sdelay $0x4  }
0x1a8: {  	vm15 =	veq.s32 v2, $0x0  }
0x1a9: {  	v2 =	vsel vm15, $0x3F800000, v0  }
0x1aa: {  	[tilespmem:$0x5080] =	vst v2  }
0x1ab: {  	v2 =	vld [tilespmem:s29+$0xE0];
	_ =	sdelay $0x4  }
0x1ac: {  	vm12 =	veq.s32 v2, $0x0  }
0x1ad: {  	v2 =	vsel vm12, $0x3F800000, v0  }
0x1ae: {  	[tilespmem:$0x5090] =	vst v2  }
0x1af: {  	v2 =	vld [tilespmem:s29+$0xF0];
	_ =	sdelay $0x4  }
0x1b0: {  	vm10 =	veq.s32 v2, $0x0  }
0x1b1: {  	v2 =	vsel vm10, $0x3F800000, v0  }
0x1b2: {  	[tilespmem:$0x50A0] =	vst v2  }
0x1b3: {  	v2 =	vld [tilespmem:s29+$0x100];
	_ =	sdelay $0x4  }
0x1b4: {  	vm5 =	veq.s32 v2, $0x0  }
0x1b5: {  	v2 =	vsel vm5, $0x3F800000, v0  }
0x1b6: {  	[tilespmem:$0x50B0] =	vst v2  }
0x1b7: {  	v2 =	vld [tilespmem:s29+$0x110];
	_ =	sdelay $0x4  }
0x1b8: {  	vm6 =	veq.s32 v2, $0x0  }
0x1b9: {  	v3 =	vld [tilespmem:$0x1FF80];
	v2 =	vsel vm6, $0x3F800000, v0  }
0x1ba: {  	[tilespmem:$0x50C0] =	vst v2  }
0x1bb: {  	v2 =	vld [tilespmem:s29+$0x120];
	_ =	sdelay $0x2  }
0x1bc: {  	vm3 =	vnez.u8 v3  }
0x1bd: {  	v3 =	vsel vm3, $0x1, v1;
	v4 =	vld [tilespmem:$0x1FF90]  }
0x1be: {  	(xrf0) =	vadd.scan.msk.s32 $0xffff, v3;
	v3 =	vld [tilespmem:$0x1FFA0];
	vm7 =	veq.s32 v2, $0x0  }
0x1bf: {  	v36 =	vld [tilespmem:$0x1FFB0];
	v2 =	vsel vm7, $0x3F800000, v0  }
0x1c0: {  	[tilespmem:$0x50D0] =	vst v2  }
0x1c1: {  	v2 =	vld [tilespmem:s29+$0x130]  }
0x1c2: {  	vm3 =	vnez.u8 v4  }
0x1c3: {  	v4 =	vsel vm3, $0x1, v1;
	vm3 =	vnez.u8 v3  }
0x1c4: {  	(xrf0) =	vadd.scan.msk.s32 $0xffff, v4;
	v3 =	vsel vm3, $0x1, v1;
	vm3 =	vnez.u8 v36  }
0x1c5: {  	(xrf0) =	vadd.scan.msk.s32 $0xffff, v3;
	v4 =	vsel vm3, $0x1, v1  }
0x1c6: {  	(xrf0) =	vadd.scan.msk.s32 $0xffff, v4;
	v3 =	vsel vm4, $0x1, v1;
	vm3 =	veq.s32 v2, $0x0  }
0x1c7: {  	(xrf0) =	vadd.scan.msk.s32 $0xffff, v3;
	v3 =	vsel vm3, $0x3F800000, v0  }
0x1c8: {  	v2 =	vsel vm8, $0x1, v1  }
0x1c9: {  	v37 =	vsel vm11, $0x1, v1;
	(xrf0) =	vadd.scan.msk.s32 $0xffff, v2;
	[tilespmem:$0x50E0] =	vst v3  }
0x1ca: {  	v2 =	vsel vm13, $0x1, v1;
	v38 =	vld [tilespmem:s29+$0x140];
	v3, _, _ =	vpop (xrf0);
	(xrf0) =	vadd.scan.msk.s32 $0xffff, v37  }
0x1cb: {  	v5 =	vsel vm14, $0x1, v1;
	v6, _, _ =	vpop (xrf0);
	(xrf0) =	vadd.scan.msk.s32 $0xffff, v2  }
0x1cc: {  	v2 =	vsel vm0, $0x1, v1;
	(v2sf) =	vpush v6, $0xF;
	v39, _, _ =	vpop (xrf0);
	(xrf0) =	vadd.scan.msk.s32 $0xffff, v5  }
0x1cd: {  	v40 =	vsel vm1, $0x1, v1;
	(v2sf) =	vpush v39, $0xF;
	v41, _, _ =	vpop (xrf0);
	(xrf0) =	vadd.scan.msk.s32 $0xffff, v2  }
0x1ce: {  	v2 =	vsel vm2, $0x1, v1;
	(v2sf) =	vpush v41, $0xF;
	v42, _, _ =	vpop (xrf0);
	(xrf0) =	vadd.scan.msk.s32 $0xffff, v40  }
0x1cf: {  	vm11 =	veq.s32 v38, $0x0;
	(v2sf) =	vpush v42, $0xF;
	v43, _, _ =	vpop (xrf0);
	(xrf0) =	vadd.scan.msk.s32 $0xffff, v2;
	v2 =	vsel vm9, $0x1, v1  }
0x1d0: {  	v44 =	vsel vm15, $0x1, v1;
	(v2sf) =	vpush v43, $0xF;
	v45, _, _ =	vpop (xrf0);
	(xrf0) =	vadd.scan.msk.s32 $0xffff, v2;
	v2 =	vsel vm11, $0x3F800000, v0  }
0x1d1: {  	v46 =	vsel vm12, $0x1, v1;
	(v2sf) =	vpush v45, $0xF;
	v47, _, _ =	vpop (xrf0);
	(xrf0) =	vadd.scan.msk.s32 $0xffff, v44;
	[tilespmem:$0x50F0] =	vst v2  }
0x1d2: {  	v2 =	vsel vm10, $0x1, v1;
	(v2sf) =	vpush v47, $0xF;
	v48, _, _ =	vpop (xrf0);
	(xrf0) =	vadd.scan.msk.s32 $0xffff, v46;
	v49 =	vld [tilespmem:s29+$0x150]  }
0x1d3: {  	v50 =	vsel vm5, $0x1, v1;
	(v2sf) =	vpush v48, $0xF;
	v51, _, _ =	vpop (xrf0);
	(xrf0) =	vadd.scan.msk.s32 $0xffff, v2;
	v2 =	vsel vm6, $0x1, v1  }
0x1d4: {  	(v2sf) =	vpush v51, $0xF;
	v52, _, _ =	vpop (xrf0);
	(xrf0) =	vadd.scan.msk.s32 $0xffff, v50  }
0x1d5: {  	v53 =	vsel vm7, $0x1, v1;
	(v2sf) =	vpush v52, $0xF;
	v54, _, _ =	vpop (xrf0);
	(xrf0) =	vadd.scan.msk.s32 $0xffff, v2  }
0x1d6: {  	v55 =	vsel vm3, $0x1, v1;
	(v2sf) =	vpush v54, $0xF;
	v2, _, _ =	vpop (xrf0);
	(xrf0) =	vadd.scan.msk.s32 $0xffff, v53  }
0x1d7: {  	v56 =	vsel vm11, $0x1, v1;
	(v2sf) =	vpush v2, $0xF;
	v2, _, _ =	vpop (xrf0);
	(xrf0) =	vadd.scan.msk.s32 $0xffff, v55;
	vm12 =	veq.s32 v49, $0x0  }
0x1d8: {  	(v2sf) =	vpush v2, $0xF;
	v2, _, _ =	vpop (xrf0);
	(xrf0) =	vadd.scan.msk.s32 $0xffff, v56;
	v57 =	vsel vm12, $0x3F800000, v0;
	v5 =	vsel vm12, $0x1, v1  }
0x1d9: {  	(v2sf) =	vpush v2, $0xF;
	v2, _, _ =	vpop (xrf0);
	[tilespmem:$0x5100] =	vst v57;
	(xrf0) =	vadd.scan.msk.s32 $0xffff, v5  }
0x1da: {  	v58, _, _ =	vpop (xrf0);
	(v2sf) =	vpush v2, $0xF;
	v2 =	vld [tilespmem:s29+$0x160]  }
0x1db: {  	v59, _, _ =	vpop (xrf0);
	s30 =	spop (v2sf);
	(v2sf) =	vpush v58, $0xF  }
0x1dc: {  	v60, _, _ =	vpop (xrf0);
	s4 =	spop (v2sf);
	(v2sf) =	vpush v59, $0xF  }
0x1dd: {  	s5 =	spop (v2sf);
	(v2sf) =	vpush v60, $0xF;
	v61, _, _ =	vpop (xrf0)  }
0x1de: {  	s6 =	spop (v2sf);
	(v2sf) =	vpush v61, $0xF;
	v62, _, _ =	vpop (xrf0)  }
0x1df: {  	s7 =	spop (v2sf);
	(v2sf) =	vpush v62, $0xF;
	vm13 =	veq.s32 v2, $0x0;
	v2, _, _ =	vpop (xrf0)  }
0x1e0: {  	s8 =	spop (v2sf);
	v63 =	vsel vm13, $0x3F800000, v0;
	(v2sf) =	vpush v2, $0xF  }
0x1e1: {  	s9 =	spop (v2sf);
	[tilespmem:$0x5110] =	vst v63;
	(v2sf) =	vpush v3, $0xF  }
0x1e2: {  	s10 =	spop (v2sf);
	v2 =	vld [tilespmem:s29+$0x170]  }
0x1e3: {  	s11 =	spop (v2sf)  }
0x1e4: {  	s12 =	spop (v2sf)  }
0x1e5: {  	s13 =	spop (v2sf)  }
0x1e6: {  	s15 =	spop (v2sf)  }
0x1e7: {  	s17 =	spop (v2sf);
	vm14 =	veq.s32 v2, $0x0  }
0x1e8: {  	s21 =	spop (v2sf);
	v2 =	vsel vm14, $0x3F800000, v0  }
0x1e9: {  	s22 =	spop (v2sf);
	[tilespmem:$0x5120] =	vst v2  }
0x1ea: {  	s23 =	spop (v2sf);
	v2 =	vld [tilespmem:s29+$0x180]  }
0x1eb: {  	s31 =	spop (v2sf)  }
0x1ec: {  	s24 =	spop (v2sf)  }
0x1ed: {  	s25 =	spop (v2sf)  }
0x1ee: {  	v3 =	vsel vm13, $0x1, v1;
	s26 =	spop (v2sf)  }
0x1ef: {  	(xrf0) =	vadd.scan.msk.s32 $0xffff, v3;
	v3 =	vsel vm14, $0x1, v1;
	vm15 =	veq.s32 v2, $0x0;
	s28 =	spop (v2sf)  }
0x1f0: {  	(xrf0) =	vadd.scan.msk.s32 $0xffff, v3;
	v2 =	vsel vm15, $0x1, v1;
	s29 =	spop (v2sf)  }
0x1f1: {  	s1 =	sadd.s32 s29, s30;
	(xrf0) =	vadd.scan.msk.s32 $0xffff, v2  }
0x1f2: {  	s1 =	sadd.s32 s4, s1  }
0x1f3: {  	s1 =	sadd.s32 s5, s1  }
0x1f4: {  	s1 =	sadd.s32 s6, s1  }
0x1f5: {  	v2, _, _ =	vpop (xrf0);
	s1 =	sadd.s32 s7, s1  }
0x1f6: {  	v3, _, _ =	vpop (xrf0);
	(v2sf) =	vpush v2, $0xF;
	s1 =	sadd.s32 s8, s1  }
0x1f7: {  	(v2sf) =	vpush v3, $0xF;
	s1 =	sadd.s32 s9, s1;
	v2, _, _ =	vpop (xrf0)  }
0x1f8: {  	s1 =	sadd.s32 s10, s1;
	(v2sf) =	vpush v2, $0xF  }
0x1f9: {  	s1 =	sadd.s32 s11, s1  }
0x1fa: {  	s1 =	sadd.s32 s12, s1  }
0x1fb: {  	s1 =	sadd.s32 s13, s1  }
0x1fc: {  	s1 =	sadd.s32 s15, s1  }
0x1fd: {  	s1 =	sadd.s32 s17, s1  }
0x1fe: {  	s1 =	sadd.s32 s21, s1  }
0x1ff: {  	s1 =	sadd.s32 s22, s1  }
0x200: {  	s1 =	sadd.s32 s23, s1  }
0x201: {  	s0 =	sadd.s32 s31, s1  }
0x202: {  	s0 =	sadd.s32 s24, s0  }
0x203: {  	s0 =	sadd.s32 s25, s0  }
0x204: {  	s0 =	sadd.s32 s26, s0  }
0x205: {  	s25 =	spop (v2sf);
	s0 =	sadd.s32 s28, s0  }
0x206: {  	s26 =	spop (v2sf);
	s0 =	sadd.s32 s25, s0  }
0x207: {  	s0 =	sadd.s32 s26, s0;
	s28 =	spop (v2sf)  }
0x208: {  	s0 =	sadd.s32 s28, s0  }
0x209: {  	p0 =	slt.s32 s0, $0x1  }
0x20a: {  	v2 =	vsel vm15, $0x3F800000, v0;
	s0 =	sshra.s32 @!p0 s20, $0x2  }
0x20b: {  	[tilespmem:$0x5130] =	vst v2;
	s1 =	simm.s32 @!p0 $0x190;
	s4 =	simm.s32 @!p0 $0x4FB0;
	s0 =	sadd.s32 @!p0 $0x2710, s0  }
0x20c: {  	[spmem:s3] =	stream.indirect.scatter.add.f32 @!p0 [tilespmem:s4], [sflag:$0x1], $0x1, s0, s1, $0xb8;
	[tilespmem:$0x5640] =	vst v63  }
0x20d: {  	s0 =	simm.s32 @!p0 $0x1  }
0x20e: {  	_ =	swait.ge @!p0 [sflag:s0], $0x190  }
0x20f: {  	[sflag:s0] =	ssyncset.done @!p0 $0x0  }
0x210: {  	[sflag:s0] =	ssyncadd.s32 @!p0 $0xFFFFFE70  }
0x211: {  	[bflag:$0x0] =	sbarrier.arrive $0xFFFF  }
0x212: {  	s7 =	rddreg [dreg:$0x7]  }
0x213: {  	s29 =	rddreg [dreg:$0xa]  }
0x214: {  	s1 =	rddreg [dreg:$0xd]  }
0x215: {  	[hbm:s29], [sflag:s7] =	dma.local [spmem:s1], $0x50  }
0x216: {  	_ =	swait.ge [sflag:s14], $0x50  }
0x217: {  	[sflag:s14] =	ssyncset.done $0x0;
	s30 =	rddreg [dreg:$0xb]  }
0x218: {  	s4 =	rddreg [dreg:$0xe];
	[sflag:s14] =	ssyncadd.s32 $0xFFFFFFB0  }
0x219: {  	[hbm:s30], [sflag:s7] =	dma.local [spmem:s4], $0x50  }
0x21a: {  	_ =	swait.ge [sflag:s14], $0x50  }
0x21b: {  	s19 =	sadd.s32 $0x1, s19;
	s31 =	rddreg [dreg:$0xc]  }
0x21c: {  	p0 =	sne.s32 s19, s31  }
.Ltmp1:
0x21d: {  	_ = 	snop;
	(pc) =	sbr.rel @p0 .LBB2_1-.Ltmp1, $3  }
0x21e: {  	_ =	sdelay $0x1  }
0x21f: {  	[sflag:s14] =	ssyncset.done $0x0  }
0x220: {  	[sflag:s14] =	ssyncadd.s32 $0xFFFFFFB0  }
0x221: {  	_ =	sfence.sel $0x180000  }
0x222: {  	[bflag:$0x0] =	sbarrier.arrive $0xFFFF  }
0x223: {  	_ =	strace $0x90000047  }
0x224: {  	s0 =	stileid.u32;
	[bflag:$0x2] =	sbarrier.arrive $0xFFFF  }
0x225: {  	p0 =	sne.s32 s0, $0x0;
	s0 =	rddreg [dreg:$0x3]  }
0x226: {  	s0 =	sadd.s32 @!p0 $0x100000, s0  }
0x227: {  	[sflag:s0] =	ssyncadd.tile.s32 @!p0 $0x1;
	_ =	shalt  }
.Lfunc_end2:
_tile_overlayer_lowered:
.L_overlay_start_2:
0x228: {  	(tag) =	ssettag $0x2  }
0x229: {  	s0 =	rddreg [dreg:$0x0];
	s2 =	stileid.u32  }
0x22a: {  	s1 =	rddreg [dreg:$0x1];
	p0 =	sne.s32 s2, $0x0  }
0x22b: {  	s3 =	rddreg [dreg:$0x2];
	[bflag:$0x3] =	sbarrier.arrive $0xFFFF;
	s2 =	simm.s32 @!p0 $0x1C01  }
0x22c: {  	[timem:s3], [sflag:s2] =	dma.local @!p0 [hbm:s0], s1  }
0x22d: {  	s0 =	simm.s32 @!p0 $0x1  }
0x22e: {  	_ =	swait.ge @!p0 [sflag:s0], s1  }
0x22f: {  	s1 =	ssub.s32 @!p0 $0x0, s1;
	[sflag:s0] =	ssyncset.done @!p0 $0x0  }
0x230: {  	[sflag:s0] =	ssyncadd.s32 @!p0 s1  }
0x231: {  	[bflag:$0x3] =	sbarrier.arrive $0xFFFF  }
0x232: {  	_ =	shalt  }

</sc_bundles>
